<compile_context>
chip_gen: v7x
topology: tpu7x:2x2x1
jax: 0.10.2.dev20260603
libtpu: 0.0.44.dev20260713+nightly
codegen_flags: <defaults>
</compile_context>

<pallas_src>
import functools

import jax
import jax.numpy as jnp
from jax import lax
from jax.experimental import pallas as pl
from jax.experimental.pallas import tpu as pltpu
from jax.experimental.pallas import tpu_sc as plsc

B, N, D = 128, 8192, 32
NCHUNK = N // 4
NW = 32
ROWS_PER_W = B // NW
VREGS = N // 16


def _scores_keys_body(x_ref, ws_ref, b_ref, g_ref, scores_ref, keys_ref):
    xb = x_ref[0]
    ws = ws_ref[...]
    s4 = jnp.dot(xb, ws, preferred_element_type=jnp.float32)
    logits = s4 + b_ref[0, 0]
    total = jnp.sum(jnp.sum(logits, axis=0, keepdims=True), axis=1,
                    keepdims=True)
    scores = logits - total / N
    scores_ref[0] = scores
    perturbed = scores + g_ref[0]
    f = lax.bitcast_convert_type(perturbed, jnp.int32)
    m = lax.shift_right_arithmetic(f, 31)
    asc = f ^ (m | jnp.int32(-2147483648))
    keys_ref[0] = ~asc


def _scores_keys(x2, ws, b2, g2):
    return pl.pallas_call(
        _scores_keys_body,
        grid=(B,),
        in_specs=[
            pl.BlockSpec((1, NCHUNK, 128), lambda i: (i, 0, 0)),
            pl.BlockSpec((128, 4), lambda i: (0, 0)),
            pl.BlockSpec((1, 1), lambda i: (0, 0)),
            pl.BlockSpec((1, NCHUNK, 4), lambda i: (i, 0, 0)),
        ],
        out_specs=[
            pl.BlockSpec((1, NCHUNK, 4), lambda i: (i, 0, 0)),
            pl.BlockSpec((1, NCHUNK, 4), lambda i: (i, 0, 0)),
        ],
        out_shape=[
            jax.ShapeDtypeStruct((B, NCHUNK, 4), jnp.float32),
            jax.ShapeDtypeStruct((B, NCHUNK, 4), jnp.int32),
        ],
        compiler_params=pltpu.CompilerParams(
            dimension_semantics=("arbitrary",)),
    )(x2, ws, b2, g2)


def _sc_sort(keys, scores, iota):
    mesh = plsc.VectorSubcoreMesh(core_axis_name="c", subcore_axis_name="s")

    @functools.partial(
        pl.kernel,
        out_type=(
            jax.ShapeDtypeStruct((B, N), jnp.int32),
            jax.ShapeDtypeStruct((B, N), jnp.float32),
        ),
        mesh=mesh,
        compiler_params=pltpu.CompilerParams(needs_layout_passes=False),
        scratch_types=[
            pltpu.VMEM((N,), jnp.int32),
            pltpu.VMEM((N,), jnp.int32),
            pltpu.VMEM((N,), jnp.int32),
            pltpu.VMEM((N,), jnp.int32),
            pltpu.VMEM((N,), jnp.float32),
            pltpu.VMEM((N,), jnp.float32),
            pltpu.VMEM((256,), jnp.int32),
        ],
    )
    def k(keys_hbm, scores_hbm, iota_hbm, perm_hbm, pscores_hbm,
          ka, kb, va, vb, sv, pv, hist):
        cid = lax.axis_index("c")
        sid = lax.axis_index("s")
        wid = sid * 2 + cid
        ones16 = jnp.ones((16,), jnp.int32)

        def do_pass(src_k, src_v, dst_k, dst_v, shift):
            for c in range(16):
                hist[pl.ds(c * 16, 16)] = jnp.zeros((16,), jnp.int32)

            def hist_body(i, _):
                kv = src_k[pl.ds(i * 16, 16)]
                d = lax.shift_right_logical(kv, shift) & 255
                plsc.addupdate_scatter(hist, [d], ones16)
                return 0
            lax.fori_loop(0, VREGS, hist_body, 0)

            carry = jnp.int32(0)
            for c in range(16):
                h = hist[pl.ds(c * 16, 16)]
                inc = plsc.cumsum(h)
                hist[pl.ds(c * 16, 16)] = inc - h + carry
                carry = carry + jnp.sum(h)

            def rank_body(i, _):
                kv = src_k[pl.ds(i * 16, 16)]
                vv = src_v[pl.ds(i * 16, 16)]
                d = lax.shift_right_logical(kv, shift) & 255
                base = plsc.load_gather(hist, [d])
                occ, lastm = plsc.scan_count(d)
                pos = base + occ - 1
                plsc.store_scatter(dst_k, [pos], kv)
                plsc.store_scatter(dst_v, [pos], vv)
                plsc.addupdate_scatter(hist, [d], occ, mask=lastm)
                return 0
            lax.fori_loop(0, VREGS, rank_body, 0)

        def row_body(r, _):
            row = wid * ROWS_PER_W + r
            pltpu.sync_copy(keys_hbm.at[row], ka)
            pltpu.sync_copy(iota_hbm, va)
            pltpu.sync_copy(scores_hbm.at[row], sv)
            do_pass(ka, va, kb, vb, 0)
            do_pass(kb, vb, ka, va, 8)
            do_pass(ka, va, kb, vb, 16)
            do_pass(kb, vb, ka, va, 24)

            def gather_body(i, _):
                idx = va[pl.ds(i * 16, 16)]
                pv[pl.ds(i * 16, 16)] = plsc.load_gather(sv, [idx])
                return 0
            lax.fori_loop(0, VREGS, gather_body, 0)

            pltpu.sync_copy(va, perm_hbm.at[row])
            pltpu.sync_copy(pv, pscores_hbm.at[row])
            return 0

        lax.fori_loop(0, ROWS_PER_W, row_body, 0)

    return k(keys, scores, iota)


_RB = 16


def _logprob_body(ps_ref, out_ref):
    ps = ps_ref[...]
    m = jnp.max(ps, axis=1, keepdims=True)
    e = jnp.exp(ps - m)
    lanes = lax.broadcasted_iota(jnp.int32, (_RB, N), 1)
    t = e
    k = 1
    while k < N:
        rolled = pltpu.roll(t, N - k, axis=1)
        t = t + jnp.where(lanes < N - k, rolled, 0.0)
        k *= 2
    logc = m + jnp.log(t)
    out_ref[...] = jnp.sum(ps - logc, axis=1, keepdims=True)


def _logprob(pscores):
    return pl.pallas_call(
        _logprob_body,
        grid=(B // _RB,),
        in_specs=[pl.BlockSpec((_RB, N), lambda i: (i, 0))],
        out_specs=pl.BlockSpec((_RB, 1), lambda i: (i, 0)),
        out_shape=jax.ShapeDtypeStruct((B, 1), jnp.float32),
        compiler_params=pltpu.CompilerParams(
            dimension_semantics=("arbitrary",)),
    )(pscores)


def kernel(x, W, b):
    gumbel = jax.random.gumbel(jax.random.key(42), (B, N), dtype=jnp.float32)
    x2 = x.reshape(B, NCHUNK, 128)
    g2 = gumbel.reshape(B, NCHUNK, 4)
    b2 = b.reshape(1, 1)
    wf = W.reshape(D)
    lanes = jnp.arange(128)[:, None]
    grp = jnp.arange(4)[None, :]
    dd = lanes - 32 * grp
    ws = jnp.where((dd >= 0) & (dd < 32), wf[jnp.clip(dd, 0, 31)], 0.0)

    scores4, keys4 = _scores_keys(x2, ws, b2, g2)
    scores = scores4.reshape(B, N)
    keys = keys4.reshape(B, N)
    iota = jnp.arange(N, dtype=jnp.int32)

    perm, pscores = _sc_sort(keys, scores, iota)
    log_prob = _logprob(pscores).reshape(B)
    return perm, log_prob

# --- scband reference (transcript-rebuilt; emitter-appended) ---
"""Pipeline reference for scband-plackett-luce-policy-515396075554 (READ-ONLY COPY).

The authoritative reference and input builder live on the scoring server;
editing this copy changes nothing except your own understanding.
"""

import jax, jax.numpy as jnp
import numpy as np

B, N, D = 128, 8192, 32


def _get_score(x, W, b):
    logits = jnp.squeeze(x @ W + b, -1)
    return logits - jnp.mean(logits, axis=-1, keepdims=True)


def setup_inputs(seed: int = 0) -> dict:
    key = jax.random.key(seed)
    k1, k2 = jax.random.split(key, 2)
    x = jax.random.normal(k1, (B, N, D), dtype=jnp.float32)
    W = jax.random.normal(k2, (D, 1), dtype=jnp.float32) * 0.05
    b = jnp.zeros((1,), dtype=jnp.float32)
    return {"x": x, "W": W, "b": b}


def reference(x, W, b):
    temperature = 1.0
    scores = _get_score(x, W, b)
    gumbel_noise = jax.random.gumbel(jax.random.key(42), scores.shape, dtype=scores.dtype)
    perturbed_logits = scores / temperature + gumbel_noise
    # descending argsort
    permutation = jnp.argsort(-perturbed_logits, axis=-1)
    # log_prob under Plackett-Luce
    permuted_scores = jnp.take_along_axis(scores, permutation, axis=1)
    flipped = jnp.flip(permuted_scores, axis=1)
    logcumsum = jnp.flip(jax.lax.cumlogsumexp(flipped, axis=1), axis=1)
    log_prob = jnp.sum(permuted_scores - logcumsum, axis=1)
    return permutation, log_prob

if __name__ == "__main__":
    import jax
    _d = setup_inputs()
    print(jax.jit(kernel)(*tuple(_d.values())))

</pallas_src>

<mosaic_0001>
#map = affine_map<(d0, d1) -> (0, 0)>
#map1 = affine_map<(d0, d1) -> (0)>
module attributes {stable_mosaic.version = 14 : i64} {
  func.func @k(%arg0: i32, %arg1: i32, %arg2: memref<128x8192xi32, #tpu.memory_space<hbm>>, %arg3: memref<128x8192xf32, #tpu.memory_space<hbm>>, %arg4: memref<8192xi32, #tpu.memory_space<hbm>>, %arg5: memref<128x8192xi32, #tpu.memory_space<hbm>>, %arg6: memref<128x8192xf32, #tpu.memory_space<hbm>>, %arg7: memref<8192xi32, #tpu.memory_space<vmem>>, %arg8: memref<8192xi32, #tpu.memory_space<vmem>>, %arg9: memref<8192xi32, #tpu.memory_space<vmem>>, %arg10: memref<8192xi32, #tpu.memory_space<vmem>>, %arg11: memref<8192xf32, #tpu.memory_space<vmem>>, %arg12: memref<8192xf32, #tpu.memory_space<vmem>>, %arg13: memref<256xi32, #tpu.memory_space<vmem>>) attributes {dimension_semantics = [#tpu.dimension_semantics<core_parallel>, #tpu.dimension_semantics<subcore_parallel>], iteration_bounds = array<i64: 2, 16>, scalar_prefetch = 0 : i64, scratch_operands = 7 : i64, tpu.core_type = #tpu.core_type<sc_vector_subcore>, window_params = [{transform_indices = #map}, {transform_indices = #map}, {transform_indices = #map1}, {transform_indices = #map}, {transform_indices = #map}]} {
    %mul3A = arith.constant 2 : i32
    %mul3A_0 = arith.muli %arg1, %mul3A : i32
    %add3A = arith.addi %mul3A_0, %arg0 : i32
    %broadcast_in_dim3A = arith.constant 1 : i32
    %broadcast_in_dim3A_1 = vector.broadcast %broadcast_in_dim3A : i32 to vector<16xi32>
    %scan3A = arith.constant 0 : i32
    %scan3A_2 = arith.constant 0 : i32
    %scan3A_3 = arith.constant 4 : i32
    %scan3A_4 = arith.addi %scan3A_2, %scan3A_3 : i32
    %scan3A_5 = arith.constant 1 : i32
    %scan3A_6 = scf.for %scan3A_8 = %scan3A_2 to %scan3A_4 step %scan3A_5 iter_args(%scan3A_9 = %scan3A) -> (i32)  : i32 {
      %mul3A_10 = arith.constant 4 : i32
      %mul3A_11 = arith.muli %add3A, %mul3A_10 : i32
      %add3A_12 = arith.addi %mul3A_11, %scan3A_8 : i32
      "tpu.region"() ({
        %run_scoped3A = tpu.sem_alloc : memref<!tpu.dma_semaphore, #tpu.memory_space<semaphore_mem>>
        %dma_start3A = arith.constant 0 : i32
        %dma_start3A_1296 = tpu.memref_slice %arg2[%add3A_12, %dma_start3A] : memref<128x8192xi32, #tpu.memory_space<hbm>> -> memref<1x8192xi32, #tpu.memory_space<hbm>>
        %dma_start3A_1297 = tpu.memref_squeeze %dma_start3A_1296 : memref<1x8192xi32, #tpu.memory_space<hbm>> -> memref<8192xi32, #tpu.memory_space<hbm>>
        %dma_start3A_1298 = arith.constant 0 : i32
        %dma_start3A_1299 = tpu.memref_slice %arg2[%add3A_12, %dma_start3A_1298] : memref<128x8192xi32, #tpu.memory_space<hbm>> -> memref<1x8192xi32, #tpu.memory_space<hbm>>
        %dma_start3A_1300 = tpu.memref_squeeze %dma_start3A_1299 : memref<1x8192xi32, #tpu.memory_space<hbm>> -> memref<8192xi32, #tpu.memory_space<hbm>>
        tpu.enqueue_dma source(%dma_start3A_1300 : memref<8192xi32, #tpu.memory_space<hbm>>) target(%arg7 : memref<8192xi32, #tpu.memory_space<vmem>>) target_semaphore(%run_scoped3A : memref<!tpu.dma_semaphore, #tpu.memory_space<semaphore_mem>>)
        %dma_wait3A = arith.constant 0 : i32
        %dma_wait3A_1301 = tpu.memref_slice %arg2[%add3A_12, %dma_wait3A] : memref<128x8192xi32, #tpu.memory_space<hbm>> -> memref<1x8192xi32, #tpu.memory_space<hbm>>
        %dma_wait3A_1302 = tpu.memref_squeeze %dma_wait3A_1301 : memref<1x8192xi32, #tpu.memory_space<hbm>> -> memref<8192xi32, #tpu.memory_space<hbm>>
        %dma_wait3A_1303 = arith.constant 0 : i32
        %dma_wait3A_1304 = tpu.memref_slice %arg2[%add3A_12, %dma_wait3A_1303] : memref<128x8192xi32, #tpu.memory_space<hbm>> -> memref<1x8192xi32, #tpu.memory_space<hbm>>
        %dma_wait3A_1305 = tpu.memref_squeeze %dma_wait3A_1304 : memref<1x8192xi32, #tpu.memory_space<hbm>> -> memref<8192xi32, #tpu.memory_space<hbm>>
        tpu.wait_dma2 semaphore(%run_scoped3A : memref<!tpu.dma_semaphore, #tpu.memory_space<semaphore_mem>>) src(%dma_wait3A_1305 : memref<8192xi32, #tpu.memory_space<hbm>>) dst(%arg7 : memref<8192xi32, #tpu.memory_space<vmem>>)
        tpu.yield
      }) : () -> ()
      "tpu.region"() ({
        %run_scoped3A = tpu.sem_alloc : memref<!tpu.dma_semaphore, #tpu.memory_space<semaphore_mem>>
        tpu.enqueue_dma source(%arg4 : memref<8192xi32, #tpu.memory_space<hbm>>) target(%arg9 : memref<8192xi32, #tpu.memory_space<vmem>>) target_semaphore(%run_scoped3A : memref<!tpu.dma_semaphore, #tpu.memory_space<semaphore_mem>>)
        tpu.wait_dma2 semaphore(%run_scoped3A : memref<!tpu.dma_semaphore, #tpu.memory_space<semaphore_mem>>) src(%arg4 : memref<8192xi32, #tpu.memory_space<hbm>>) dst(%arg9 : memref<8192xi32, #tpu.memory_space<vmem>>)
        tpu.yield
      }) : () -> ()
      "tpu.region"() ({
        %run_scoped3A = tpu.sem_alloc : memref<!tpu.dma_semaphore, #tpu.memory_space<semaphore_mem>>
        %dma_start3A = arith.constant 0 : i32
        %dma_start3A_1296 = tpu.memref_slice %arg3[%add3A_12, %dma_start3A] : memref<128x8192xf32, #tpu.memory_space<hbm>> -> memref<1x8192xf32, #tpu.memory_space<hbm>>
        %dma_start3A_1297 = tpu.memref_squeeze %dma_start3A_1296 : memref<1x8192xf32, #tpu.memory_space<hbm>> -> memref<8192xf32, #tpu.memory_space<hbm>>
        %dma_start3A_1298 = arith.constant 0 : i32
        %dma_start3A_1299 = tpu.memref_slice %arg3[%add3A_12, %dma_start3A_1298] : memref<128x8192xf32, #tpu.memory_space<hbm>> -> memref<1x8192xf32, #tpu.memory_space<hbm>>
        %dma_start3A_1300 = tpu.memref_squeeze %dma_start3A_1299 : memref<1x8192xf32, #tpu.memory_space<hbm>> -> memref<8192xf32, #tpu.memory_space<hbm>>
        tpu.enqueue_dma source(%dma_start3A_1300 : memref<8192xf32, #tpu.memory_space<hbm>>) target(%arg11 : memref<8192xf32, #tpu.memory_space<vmem>>) target_semaphore(%run_scoped3A : memref<!tpu.dma_semaphore, #tpu.memory_space<semaphore_mem>>)
        %dma_wait3A = arith.constant 0 : i32
        %dma_wait3A_1301 = tpu.memref_slice %arg3[%add3A_12, %dma_wait3A] : memref<128x8192xf32, #tpu.memory_space<hbm>> -> memref<1x8192xf32, #tpu.memory_space<hbm>>
        %dma_wait3A_1302 = tpu.memref_squeeze %dma_wait3A_1301 : memref<1x8192xf32, #tpu.memory_space<hbm>> -> memref<8192xf32, #tpu.memory_space<hbm>>
        %dma_wait3A_1303 = arith.constant 0 : i32
        %dma_wait3A_1304 = tpu.memref_slice %arg3[%add3A_12, %dma_wait3A_1303] : memref<128x8192xf32, #tpu.memory_space<hbm>> -> memref<1x8192xf32, #tpu.memory_space<hbm>>
        %dma_wait3A_1305 = tpu.memref_squeeze %dma_wait3A_1304 : memref<1x8192xf32, #tpu.memory_space<hbm>> -> memref<8192xf32, #tpu.memory_space<hbm>>
        tpu.wait_dma2 semaphore(%run_scoped3A : memref<!tpu.dma_semaphore, #tpu.memory_space<semaphore_mem>>) src(%dma_wait3A_1305 : memref<8192xf32, #tpu.memory_space<hbm>>) dst(%arg11 : memref<8192xf32, #tpu.memory_space<vmem>>)
        tpu.yield
      }) : () -> ()
      %broadcast_in_dim3A_13 = arith.constant 0 : i32
      %broadcast_in_dim3A_14 = vector.broadcast %broadcast_in_dim3A_13 : i32 to vector<16xi32>
      %swap3A = arith.constant 0 : index
      %swap3A_15 = tpu.vector_load %arg13[%swap3A] {strides = array<i32>} : memref<256xi32, #tpu.memory_space<vmem>>, vector<16xi32>,
      tpu.vector_store %arg13[%swap3A], %broadcast_in_dim3A_14 {strides = array<i32>} : memref<256xi32, #tpu.memory_space<vmem>>, vector<16xi32>,
      %broadcast_in_dim3A_16 = arith.constant 0 : i32
      %broadcast_in_dim3A_17 = vector.broadcast %broadcast_in_dim3A_16 : i32 to vector<16xi32>
      %swap3A_18 = arith.constant 16 : index
      %swap3A_19 = tpu.vector_load %arg13[%swap3A_18] {strides = array<i32>} : memref<256xi32, #tpu.memory_space<vmem>>, vector<16xi32>,
      tpu.vector_store %arg13[%swap3A_18], %broadcast_in_dim3A_17 {strides = array<i32>} : memref<256xi32, #tpu.memory_space<vmem>>, vector<16xi32>,
      %broadcast_in_dim3A_20 = arith.constant 0 : i32
      %broadcast_in_dim3A_21 = vector.broadcast %broadcast_in_dim3A_20 : i32 to vector<16xi32>
      %swap3A_22 = arith.constant 32 : index
      %swap3A_23 = tpu.vector_load %arg13[%swap3A_22] {strides = array<i32>} : memref<256xi32, #tpu.memory_space<vmem>>, vector<16xi32>,
      tpu.vector_store %arg13[%swap3A_22], %broadcast_in_dim3A_21 {strides = array<i32>} : memref<256xi32, #tpu.memory_space<vmem>>, vector<16xi32>,
      %broadcast_in_dim3A_24 = arith.constant 0 : i32
      %broadcast_in_dim3A_25 = vector.broadcast %broadcast_in_dim3A_24 : i32 to vector<16xi32>
      %swap3A_26 = arith.constant 48 : index
      %swap3A_27 = tpu.vector_load %arg13[%swap3A_26] {strides = array<i32>} : memref<256xi32, #tpu.memory_space<vmem>>, vector<16xi32>,
      tpu.vector_store %arg13[%swap3A_26], %broadcast_in_dim3A_25 {strides = array<i32>} : memref<256xi32, #tpu.memory_space<vmem>>, vector<16xi32>,
      %broadcast_in_dim3A_28 = arith.constant 0 : i32
      %broadcast_in_dim3A_29 = vector.broadcast %broadcast_in_dim3A_28 : i32 to vector<16xi32>
      %swap3A_30 = arith.constant 64 : index
      %swap3A_31 = tpu.vector_load %arg13[%swap3A_30] {strides = array<i32>} : memref<256xi32, #tpu.memory_space<vmem>>, vector<16xi32>,
      tpu.vector_store %arg13[%swap3A_30], %broadcast_in_dim3A_29 {strides = array<i32>} : memref<256xi32, #tpu.memory_space<vmem>>, vector<16xi32>,
      %broadcast_in_dim3A_32 = arith.constant 0 : i32
      %broadcast_in_dim3A_33 = vector.broadcast %broadcast_in_dim3A_32 : i32 to vector<16xi32>
      %swap3A_34 = arith.constant 80 : index
      %swap3A_35 = tpu.vector_load %arg13[%swap3A_34] {strides = array<i32>} : memref<256xi32, #tpu.memory_space<vmem>>, vector<16xi32>,
      tpu.vector_store %arg13[%swap3A_34], %broadcast_in_dim3A_33 {strides = array<i32>} : memref<256xi32, #tpu.memory_space<vmem>>, vector<16xi32>,
      %broadcast_in_dim3A_36 = arith.constant 0 : i32
      %broadcast_in_dim3A_37 = vector.broadcast %broadcast_in_dim3A_36 : i32 to vector<16xi32>
      %swap3A_38 = arith.constant 96 : index
      %swap3A_39 = tpu.vector_load %arg13[%swap3A_38] {strides = array<i32>} : memref<256xi32, #tpu.memory_space<vmem>>, vector<16xi32>,
      tpu.vector_store %arg13[%swap3A_38], %broadcast_in_dim3A_37 {strides = array<i32>} : memref<256xi32, #tpu.memory_space<vmem>>, vector<16xi32>,
      %broadcast_in_dim3A_40 = arith.constant 0 : i32
      %broadcast_in_dim3A_41 = vector.broadcast %broadcast_in_dim3A_40 : i32 to vector<16xi32>
      %swap3A_42 = arith.constant 112 : index
      %swap3A_43 = tpu.vector_load %arg13[%swap3A_42] {strides = array<i32>} : memref<256xi32, #tpu.memory_space<vmem>>, vector<16xi32>,
      tpu.vector_store %arg13[%swap3A_42], %broadcast_in_dim3A_41 {strides = array<i32>} : memref<256xi32, #tpu.memory_space<vmem>>, vector<16xi32>,
      %broadcast_in_dim3A_44 = arith.constant 0 : i32
      %broadcast_in_dim3A_45 = vector.broadcast %broadcast_in_dim3A_44 : i32 to vector<16xi32>
      %swap3A_46 = arith.constant 128 : index
      %swap3A_47 = tpu.vector_load %arg13[%swap3A_46] {strides = array<i32>} : memref<256xi32, #tpu.memory_space<vmem>>, vector<16xi32>,
      tpu.vector_store %arg13[%swap3A_46], %broadcast_in_dim3A_45 {strides = array<i32>} : memref<256xi32, #tpu.memory_space<vmem>>, vector<16xi32>,
      %broadcast_in_dim3A_48 = arith.constant 0 : i32
      %broadcast_in_dim3A_49 = vector.broadcast %broadcast_in_dim3A_48 : i32 to vector<16xi32>
      %swap3A_50 = arith.constant 144 : index
      %swap3A_51 = tpu.vector_load %arg13[%swap3A_50] {strides = array<i32>} : memref<256xi32, #tpu.memory_space<vmem>>, vector<16xi32>,
      tpu.vector_store %arg13[%swap3A_50], %broadcast_in_dim3A_49 {strides = array<i32>} : memref<256xi32, #tpu.memory_space<vmem>>, vector<16xi32>,
      %broadcast_in_dim3A_52 = arith.constant 0 : i32
      %broadcast_in_dim3A_53 = vector.broadcast %broadcast_in_dim3A_52 : i32 to vector<16xi32>
      %swap3A_54 = arith.constant 160 : index
      %swap3A_55 = tpu.vector_load %arg13[%swap3A_54] {strides = array<i32>} : memref<256xi32, #tpu.memory_space<vmem>>, vector<16xi32>,
      tpu.vector_store %arg13[%swap3A_54], %broadcast_in_dim3A_53 {strides = array<i32>} : memref<256xi32, #tpu.memory_space<vmem>>, vector<16xi32>,
      %broadcast_in_dim3A_56 = arith.constant 0 : i32
      %broadcast_in_dim3A_57 = vector.broadcast %broadcast_in_dim3A_56 : i32 to vector<16xi32>
      %swap3A_58 = arith.constant 176 : index
      %swap3A_59 = tpu.vector_load %arg13[%swap3A_58] {strides = array<i32>} : memref<256xi32, #tpu.memory_space<vmem>>, vector<16xi32>,
      tpu.vector_store %arg13[%swap3A_58], %broadcast_in_dim3A_57 {strides = array<i32>} : memref<256xi32, #tpu.memory_space<vmem>>, vector<16xi32>,
      %broadcast_in_dim3A_60 = arith.constant 0 : i32
      %broadcast_in_dim3A_61 = vector.broadcast %broadcast_in_dim3A_60 : i32 to vector<16xi32>
      %swap3A_62 = arith.constant 192 : index
      %swap3A_63 = tpu.vector_load %arg13[%swap3A_62] {strides = array<i32>} : memref<256xi32, #tpu.memory_space<vmem>>, vector<16xi32>,
      tpu.vector_store %arg13[%swap3A_62], %broadcast_in_dim3A_61 {strides = array<i32>} : memref<256xi32, #tpu.memory_space<vmem>>, vector<16xi32>,
      %broadcast_in_dim3A_64 = arith.constant 0 : i32
      %broadcast_in_dim3A_65 = vector.broadcast %broadcast_in_dim3A_64 : i32 to vector<16xi32>
      %swap3A_66 = arith.constant 208 : index
      %swap3A_67 = tpu.vector_load %arg13[%swap3A_66] {strides = array<i32>} : memref<256xi32, #tpu.memory_space<vmem>>, vector<16xi32>,
      tpu.vector_store %arg13[%swap3A_66], %broadcast_in_dim3A_65 {strides = array<i32>} : memref<256xi32, #tpu.memory_space<vmem>>, vector<16xi32>,
      %broadcast_in_dim3A_68 = arith.constant 0 : i32
      %broadcast_in_dim3A_69 = vector.broadcast %broadcast_in_dim3A_68 : i32 to vector<16xi32>
      %swap3A_70 = arith.constant 224 : index
      %swap3A_71 = tpu.vector_load %arg13[%swap3A_70] {strides = array<i32>} : memref<256xi32, #tpu.memory_space<vmem>>, vector<16xi32>,
      tpu.vector_store %arg13[%swap3A_70], %broadcast_in_dim3A_69 {strides = array<i32>} : memref<256xi32, #tpu.memory_space<vmem>>, vector<16xi32>,
      %broadcast_in_dim3A_72 = arith.constant 0 : i32
      %broadcast_in_dim3A_73 = vector.broadcast %broadcast_in_dim3A_72 : i32 to vector<16xi32>
      %swap3A_74 = arith.constant 240 : index
      %swap3A_75 = tpu.vector_load %arg13[%swap3A_74] {strides = array<i32>} : memref<256xi32, #tpu.memory_space<vmem>>, vector<16xi32>,
      tpu.vector_store %arg13[%swap3A_74], %broadcast_in_dim3A_73 {strides = array<i32>} : memref<256xi32, #tpu.memory_space<vmem>>, vector<16xi32>,
      %scan3A_76 = arith.constant 0 : i32
      %scan3A_77 = arith.constant 0 : i32
      %scan3A_78 = arith.constant 512 : i32
      %scan3A_79 = arith.addi %scan3A_77, %scan3A_78 : i32
      %scan3A_80 = arith.constant 1 : i32
      %scan3A_81 = scf.for %scan3A_1296 = %scan3A_77 to %scan3A_79 step %scan3A_80 iter_args(%scan3A_1297 = %scan3A_76) -> (i32)  : i32 {
        %mul3A_1298 = arith.constant 16 : i32
        %mul3A_1299 = arith.muli %scan3A_1296, %mul3A_1298 : i32
        %get3A_1300 = arith.index_cast %mul3A_1299 : i32 to index
        %get3A_1301 = tpu.vector_load %arg7[%get3A_1300] {strides = array<i32>} : memref<8192xi32, #tpu.memory_space<vmem>>, vector<16xi32>,
        %shift_right_logical3A = arith.constant 0 : i32
        %shift_right_logical3A_1302 = vector.broadcast %shift_right_logical3A : i32 to vector<16xi32>
        %shift_right_logical3A_1303 = arith.shrui %get3A_1301, %shift_right_logical3A_1302 : vector<16xi32>
        %and3A = arith.constant 255 : i32
        %and3A_1304 = vector.broadcast %and3A : i32 to vector<16xi32>
        %and3A_1305 = arith.andi %shift_right_logical3A_1303, %and3A_1304 : vector<16xi32>
        tpu.vector_store_idx %arg13[%and3A_1305], %broadcast_in_dim3A_1 {add = true} : memref<256xi32, #tpu.memory_space<vmem>>[vector<16xi32>], vector<16xi32>,
        %scan3A_1306 = arith.constant 0 : i32
        scf.yield %scan3A_1306 : i32
      }
      %scan3A_82 = arith.constant 512 : i32
      %get3A = arith.constant 0 : index
      %get3A_83 = tpu.vector_load %arg13[%get3A] {strides = array<i32>} : memref<256xi32, #tpu.memory_space<vmem>>, vector<16xi32>,
      %broadcast_in_dim3A_84 = arith.constant true
      %broadcast_in_dim3A_85 = vector.broadcast %broadcast_in_dim3A_84 : i1 to vector<16xi1>
      %masked_cumsum3A = tpu.scan <sum>, %get3A_83 masked %broadcast_in_dim3A_85 : vector<16xi32>, vector<16xi1> -> vector<16xi32>
      %sub3A = arith.subi %masked_cumsum3A, %get3A_83 : vector<16xi32>
      %add3A_86 = arith.constant 0 : i32
      %add3A_87 = vector.broadcast %add3A_86 : i32 to vector<16xi32>
      %add3A_88 = arith.addi %sub3A, %add3A_87 : vector<16xi32>
      %swap3A_89 = arith.constant 0 : index
      %swap3A_90 = tpu.vector_load %arg13[%swap3A_89] {strides = array<i32>} : memref<256xi32, #tpu.memory_space<vmem>>, vector<16xi32>,
      tpu.vector_store %arg13[%swap3A_89], %add3A_88 {strides = array<i32>} : memref<256xi32, #tpu.memory_space<vmem>>, vector<16xi32>,
      %reduce_sum3A = arith.constant true
      %reduce_sum3A_91 = vector.broadcast %reduce_sum3A : i1 to vector<16xi1>
      %reduce_sum3A_92 = tpu.scan <sum>, %get3A_83 masked %reduce_sum3A_91 : vector<16xi32>, vector<16xi1> -> vector<16xi32>
      %reduce_sum3A_93 = vector.extract %reduce_sum3A_92[15] : i32 from vector<16xi32>
      %add3A_94 = arith.constant 0 : i32
      %add3A_95 = arith.addi %add3A_94, %reduce_sum3A_93 : i32
      %get3A_96 = arith.constant 16 : index
      %get3A_97 = tpu.vector_load %arg13[%get3A_96] {strides = array<i32>} : memref<256xi32, #tpu.memory_space<vmem>>, vector<16xi32>,
      %broadcast_in_dim3A_98 = arith.constant true
      %broadcast_in_dim3A_99 = vector.broadcast %broadcast_in_dim3A_98 : i1 to vector<16xi1>
      %masked_cumsum3A_100 = tpu.scan <sum>, %get3A_97 masked %broadcast_in_dim3A_99 : vector<16xi32>, vector<16xi1> -> vector<16xi32>
      %sub3A_101 = arith.subi %masked_cumsum3A_100, %get3A_97 : vector<16xi32>
      %add3A_102 = vector.broadcast %add3A_95 : i32 to vector<16xi32>
      %add3A_103 = arith.addi %sub3A_101, %add3A_102 : vector<16xi32>
      %swap3A_104 = arith.constant 16 : index
      %swap3A_105 = tpu.vector_load %arg13[%swap3A_104] {strides = array<i32>} : memref<256xi32, #tpu.memory_space<vmem>>, vector<16xi32>,
      tpu.vector_store %arg13[%swap3A_104], %add3A_103 {strides = array<i32>} : memref<256xi32, #tpu.memory_space<vmem>>, vector<16xi32>,
      %reduce_sum3A_106 = arith.constant true
      %reduce_sum3A_107 = vector.broadcast %reduce_sum3A_106 : i1 to vector<16xi1>
      %reduce_sum3A_108 = tpu.scan <sum>, %get3A_97 masked %reduce_sum3A_107 : vector<16xi32>, vector<16xi1> -> vector<16xi32>
      %reduce_sum3A_109 = vector.extract %reduce_sum3A_108[15] : i32 from vector<16xi32>
      %add3A_110 = arith.addi %add3A_95, %reduce_sum3A_109 : i32
      %get3A_111 = arith.constant 32 : index
      %get3A_112 = tpu.vector_load %arg13[%get3A_111] {strides = array<i32>} : memref<256xi32, #tpu.memory_space<vmem>>, vector<16xi32>,
      %broadcast_in_dim3A_113 = arith.constant true
      %broadcast_in_dim3A_114 = vector.broadcast %broadcast_in_dim3A_113 : i1 to vector<16xi1>
      %masked_cumsum3A_115 = tpu.scan <sum>, %get3A_112 masked %broadcast_in_dim3A_114 : vector<16xi32>, vector<16xi1> -> vector<16xi32>
      %sub3A_116 = arith.subi %masked_cumsum3A_115, %get3A_112 : vector<16xi32>
      %add3A_117 = vector.broadcast %add3A_110 : i32 to vector<16xi32>
      %add3A_118 = arith.addi %sub3A_116, %add3A_117 : vector<16xi32>
      %swap3A_119 = arith.constant 32 : index
      %swap3A_120 = tpu.vector_load %arg13[%swap3A_119] {strides = array<i32>} : memref<256xi32, #tpu.memory_space<vmem>>, vector<16xi32>,
      tpu.vector_store %arg13[%swap3A_119], %add3A_118 {strides = array<i32>} : memref<256xi32, #tpu.memory_space<vmem>>, vector<16xi32>,
      %reduce_sum3A_121 = arith.constant true
      %reduce_sum3A_122 = vector.broadcast %reduce_sum3A_121 : i1 to vector<16xi1>
      %reduce_sum3A_123 = tpu.scan <sum>, %get3A_112 masked %reduce_sum3A_122 : vector<16xi32>, vector<16xi1> -> vector<16xi32>
      %reduce_sum3A_124 = vector.extract %reduce_sum3A_123[15] : i32 from vector<16xi32>
      %add3A_125 = arith.addi %add3A_110, %reduce_sum3A_124 : i32
      %get3A_126 = arith.constant 48 : index
      %get3A_127 = tpu.vector_load %arg13[%get3A_126] {strides = array<i32>} : memref<256xi32, #tpu.memory_space<vmem>>, vector<16xi32>,
      %broadcast_in_dim3A_128 = arith.constant true
      %broadcast_in_dim3A_129 = vector.broadcast %broadcast_in_dim3A_128 : i1 to vector<16xi1>
      %masked_cumsum3A_130 = tpu.scan <sum>, %get3A_127 masked %broadcast_in_dim3A_129 : vector<16xi32>, vector<16xi1> -> vector<16xi32>
      %sub3A_131 = arith.subi %masked_cumsum3A_130, %get3A_127 : vector<16xi32>
      %add3A_132 = vector.broadcast %add3A_125 : i32 to vector<16xi32>
      %add3A_133 = arith.addi %sub3A_131, %add3A_132 : vector<16xi32>
      %swap3A_134 = arith.constant 48 : index
      %swap3A_135 = tpu.vector_load %arg13[%swap3A_134] {strides = array<i32>} : memref<256xi32, #tpu.memory_space<vmem>>, vector<16xi32>,
      tpu.vector_store %arg13[%swap3A_134], %add3A_133 {strides = array<i32>} : memref<256xi32, #tpu.memory_space<vmem>>, vector<16xi32>,
      %reduce_sum3A_136 = arith.constant true
      %reduce_sum3A_137 = vector.broadcast %reduce_sum3A_136 : i1 to vector<16xi1>
      %reduce_sum3A_138 = tpu.scan <sum>, %get3A_127 masked %reduce_sum3A_137 : vector<16xi32>, vector<16xi1> -> vector<16xi32>
      %reduce_sum3A_139 = vector.extract %reduce_sum3A_138[15] : i32 from vector<16xi32>
      %add3A_140 = arith.addi %add3A_125, %reduce_sum3A_139 : i32
      %get3A_141 = arith.constant 64 : index
      %get3A_142 = tpu.vector_load %arg13[%get3A_141] {strides = array<i32>} : memref<256xi32, #tpu.memory_space<vmem>>, vector<16xi32>,
      %broadcast_in_dim3A_143 = arith.constant true
      %broadcast_in_dim3A_144 = vector.broadcast %broadcast_in_dim3A_143 : i1 to vector<16xi1>
      %masked_cumsum3A_145 = tpu.scan <sum>, %get3A_142 masked %broadcast_in_dim3A_144 : vector<16xi32>, vector<16xi1> -> vector<16xi32>
      %sub3A_146 = arith.subi %masked_cumsum3A_145, %get3A_142 : vector<16xi32>
      %add3A_147 = vector.broadcast %add3A_140 : i32 to vector<16xi32>
      %add3A_148 = arith.addi %sub3A_146, %add3A_147 : vector<16xi32>
      %swap3A_149 = arith.constant 64 : index
      %swap3A_150 = tpu.vector_load %arg13[%swap3A_149] {strides = array<i32>} : memref<256xi32, #tpu.memory_space<vmem>>, vector<16xi32>,
      tpu.vector_store %arg13[%swap3A_149], %add3A_148 {strides = array<i32>} : memref<256xi32, #tpu.memory_space<vmem>>, vector<16xi32>,
      %reduce_sum3A_151 = arith.constant true
      %reduce_sum3A_152 = vector.broadcast %reduce_sum3A_151 : i1 to vector<16xi1>
      %reduce_sum3A_153 = tpu.scan <sum>, %get3A_142 masked %reduce_sum3A_152 : vector<16xi32>, vector<16xi1> -> vector<16xi32>
      %reduce_sum3A_154 = vector.extract %reduce_sum3A_153[15] : i32 from vector<16xi32>
      %add3A_155 = arith.addi %add3A_140, %reduce_sum3A_154 : i32
      %get3A_156 = arith.constant 80 : index
      %get3A_157 = tpu.vector_load %arg13[%get3A_156] {strides = array<i32>} : memref<256xi32, #tpu.memory_space<vmem>>, vector<16xi32>,
      %broadcast_in_dim3A_158 = arith.constant true
      %broadcast_in_dim3A_159 = vector.broadcast %broadcast_in_dim3A_158 : i1 to vector<16xi1>
      %masked_cumsum3A_160 = tpu.scan <sum>, %get3A_157 masked %broadcast_in_dim3A_159 : vector<16xi32>, vector<16xi1> -> vector<16xi32>
      %sub3A_161 = arith.subi %masked_cumsum3A_160, %get3A_157 : vector<16xi32>
      %add3A_162 = vector.broadcast %add3A_155 : i32 to vector<16xi32>
      %add3A_163 = arith.addi %sub3A_161, %add3A_162 : vector<16xi32>
      %swap3A_164 = arith.constant 80 : index
      %swap3A_165 = tpu.vector_load %arg13[%swap3A_164] {strides = array<i32>} : memref<256xi32, #tpu.memory_space<vmem>>, vector<16xi32>,
      tpu.vector_store %arg13[%swap3A_164], %add3A_163 {strides = array<i32>} : memref<256xi32, #tpu.memory_space<vmem>>, vector<16xi32>,
      %reduce_sum3A_166 = arith.constant true
      %reduce_sum3A_167 = vector.broadcast %reduce_sum3A_166 : i1 to vector<16xi1>
      %reduce_sum3A_168 = tpu.scan <sum>, %get3A_157 masked %reduce_sum3A_167 : vector<16xi32>, vector<16xi1> -> vector<16xi32>
      %reduce_sum3A_169 = vector.extract %reduce_sum3A_168[15] : i32 from vector<16xi32>
      %add3A_170 = arith.addi %add3A_155, %reduce_sum3A_169 : i32
      %get3A_171 = arith.constant 96 : index
      %get3A_172 = tpu.vector_load %arg13[%get3A_171] {strides = array<i32>} : memref<256xi32, #tpu.memory_space<vmem>>, vector<16xi32>,
      %broadcast_in_dim3A_173 = arith.constant true
      %broadcast_in_dim3A_174 = vector.broadcast %broadcast_in_dim3A_173 : i1 to vector<16xi1>
      %masked_cumsum3A_175 = tpu.scan <sum>, %get3A_172 masked %broadcast_in_dim3A_174 : vector<16xi32>, vector<16xi1> -> vector<16xi32>
      %sub3A_176 = arith.subi %masked_cumsum3A_175, %get3A_172 : vector<16xi32>
      %add3A_177 = vector.broadcast %add3A_170 : i32 to vector<16xi32>
      %add3A_178 = arith.addi %sub3A_176, %add3A_177 : vector<16xi32>
      %swap3A_179 = arith.constant 96 : index
      %swap3A_180 = tpu.vector_load %arg13[%swap3A_179] {strides = array<i32>} : memref<256xi32, #tpu.memory_space<vmem>>, vector<16xi32>,
      tpu.vector_store %arg13[%swap3A_179], %add3A_178 {strides = array<i32>} : memref<256xi32, #tpu.memory_space<vmem>>, vector<16xi32>,
      %reduce_sum3A_181 = arith.constant true
      %reduce_sum3A_182 = vector.broadcast %reduce_sum3A_181 : i1 to vector<16xi1>
      %reduce_sum3A_183 = tpu.scan <sum>, %get3A_172 masked %reduce_sum3A_182 : vector<16xi32>, vector<16xi1> -> vector<16xi32>
      %reduce_sum3A_184 = vector.extract %reduce_sum3A_183[15] : i32 from vector<16xi32>
      %add3A_185 = arith.addi %add3A_170, %reduce_sum3A_184 : i32
      %get3A_186 = arith.constant 112 : index
      %get3A_187 = tpu.vector_load %arg13[%get3A_186] {strides = array<i32>} : memref<256xi32, #tpu.memory_space<vmem>>, vector<16xi32>,
      %broadcast_in_dim3A_188 = arith.constant true
      %broadcast_in_dim3A_189 = vector.broadcast %broadcast_in_dim3A_188 : i1 to vector<16xi1>
      %masked_cumsum3A_190 = tpu.scan <sum>, %get3A_187 masked %broadcast_in_dim3A_189 : vector<16xi32>, vector<16xi1> -> vector<16xi32>
      %sub3A_191 = arith.subi %masked_cumsum3A_190, %get3A_187 : vector<16xi32>
      %add3A_192 = vector.broadcast %add3A_185 : i32 to vector<16xi32>
      %add3A_193 = arith.addi %sub3A_191, %add3A_192 : vector<16xi32>
      %swap3A_194 = arith.constant 112 : index
      %swap3A_195 = tpu.vector_load %arg13[%swap3A_194] {strides = array<i32>} : memref<256xi32, #tpu.memory_space<vmem>>, vector<16xi32>,
      tpu.vector_store %arg13[%swap3A_194], %add3A_193 {strides = array<i32>} : memref<256xi32, #tpu.memory_space<vmem>>, vector<16xi32>,
      %reduce_sum3A_196 = arith.constant true
      %reduce_sum3A_197 = vector.broadcast %reduce_sum3A_196 : i1 to vector<16xi1>
      %reduce_sum3A_198 = tpu.scan <sum>, %get3A_187 masked %reduce_sum3A_197 : vector<16xi32>, vector<16xi1> -> vector<16xi32>
      %reduce_sum3A_199 = vector.extract %reduce_sum3A_198[15] : i32 from vector<16xi32>
      %add3A_200 = arith.addi %add3A_185, %reduce_sum3A_199 : i32
      %get3A_201 = arith.constant 128 : index
      %get3A_202 = tpu.vector_load %arg13[%get3A_201] {strides = array<i32>} : memref<256xi32, #tpu.memory_space<vmem>>, vector<16xi32>,
      %broadcast_in_dim3A_203 = arith.constant true
      %broadcast_in_dim3A_204 = vector.broadcast %broadcast_in_dim3A_203 : i1 to vector<16xi1>
      %masked_cumsum3A_205 = tpu.scan <sum>, %get3A_202 masked %broadcast_in_dim3A_204 : vector<16xi32>, vector<16xi1> -> vector<16xi32>
      %sub3A_206 = arith.subi %masked_cumsum3A_205, %get3A_202 : vector<16xi32>
      %add3A_207 = vector.broadcast %add3A_200 : i32 to vector<16xi32>
      %add3A_208 = arith.addi %sub3A_206, %add3A_207 : vector<16xi32>
      %swap3A_209 = arith.constant 128 : index
      %swap3A_210 = tpu.vector_load %arg13[%swap3A_209] {strides = array<i32>} : memref<256xi32, #tpu.memory_space<vmem>>, vector<16xi32>,
      tpu.vector_store %arg13[%swap3A_209], %add3A_208 {strides = array<i32>} : memref<256xi32, #tpu.memory_space<vmem>>, vector<16xi32>,
      %reduce_sum3A_211 = arith.constant true
      %reduce_sum3A_212 = vector.broadcast %reduce_sum3A_211 : i1 to vector<16xi1>
      %reduce_sum3A_213 = tpu.scan <sum>, %get3A_202 masked %reduce_sum3A_212 : vector<16xi32>, vector<16xi1> -> vector<16xi32>
      %reduce_sum3A_214 = vector.extract %reduce_sum3A_213[15] : i32 from vector<16xi32>
      %add3A_215 = arith.addi %add3A_200, %reduce_sum3A_214 : i32
      %get3A_216 = arith.constant 144 : index
      %get3A_217 = tpu.vector_load %arg13[%get3A_216] {strides = array<i32>} : memref<256xi32, #tpu.memory_space<vmem>>, vector<16xi32>,
      %broadcast_in_dim3A_218 = arith.constant true
      %broadcast_in_dim3A_219 = vector.broadcast %broadcast_in_dim3A_218 : i1 to vector<16xi1>
      %masked_cumsum3A_220 = tpu.scan <sum>, %get3A_217 masked %broadcast_in_dim3A_219 : vector<16xi32>, vector<16xi1> -> vector<16xi32>
      %sub3A_221 = arith.subi %masked_cumsum3A_220, %get3A_217 : vector<16xi32>
      %add3A_222 = vector.broadcast %add3A_215 : i32 to vector<16xi32>
      %add3A_223 = arith.addi %sub3A_221, %add3A_222 : vector<16xi32>
      %swap3A_224 = arith.constant 144 : index
      %swap3A_225 = tpu.vector_load %arg13[%swap3A_224] {strides = array<i32>} : memref<256xi32, #tpu.memory_space<vmem>>, vector<16xi32>,
      tpu.vector_store %arg13[%swap3A_224], %add3A_223 {strides = array<i32>} : memref<256xi32, #tpu.memory_space<vmem>>, vector<16xi32>,
      %reduce_sum3A_226 = arith.constant true
      %reduce_sum3A_227 = vector.broadcast %reduce_sum3A_226 : i1 to vector<16xi1>
      %reduce_sum3A_228 = tpu.scan <sum>, %get3A_217 masked %reduce_sum3A_227 : vector<16xi32>, vector<16xi1> -> vector<16xi32>
      %reduce_sum3A_229 = vector.extract %reduce_sum3A_228[15] : i32 from vector<16xi32>
      %add3A_230 = arith.addi %add3A_215, %reduce_sum3A_229 : i32
      %get3A_231 = arith.constant 160 : index
      %get3A_232 = tpu.vector_load %arg13[%get3A_231] {strides = array<i32>} : memref<256xi32, #tpu.memory_space<vmem>>, vector<16xi32>,
      %broadcast_in_dim3A_233 = arith.constant true
      %broadcast_in_dim3A_234 = vector.broadcast %broadcast_in_dim3A_233 : i1 to vector<16xi1>
      %masked_cumsum3A_235 = tpu.scan <sum>, %get3A_232 masked %broadcast_in_dim3A_234 : vector<16xi32>, vector<16xi1> -> vector<16xi32>
      %sub3A_236 = arith.subi %masked_cumsum3A_235, %get3A_232 : vector<16xi32>
      %add3A_237 = vector.broadcast %add3A_230 : i32 to vector<16xi32>
      %add3A_238 = arith.addi %sub3A_236, %add3A_237 : vector<16xi32>
      %swap3A_239 = arith.constant 160 : index
      %swap3A_240 = tpu.vector_load %arg13[%swap3A_239] {strides = array<i32>} : memref<256xi32, #tpu.memory_space<vmem>>, vector<16xi32>,
      tpu.vector_store %arg13[%swap3A_239], %add3A_238 {strides = array<i32>} : memref<256xi32, #tpu.memory_space<vmem>>, vector<16xi32>,
      %reduce_sum3A_241 = arith.constant true
      %reduce_sum3A_242 = vector.broadcast %reduce_sum3A_241 : i1 to vector<16xi1>
      %reduce_sum3A_243 = tpu.scan <sum>, %get3A_232 masked %reduce_sum3A_242 : vector<16xi32>, vector<16xi1> -> vector<16xi32>
      %reduce_sum3A_244 = vector.extract %reduce_sum3A_243[15] : i32 from vector<16xi32>
      %add3A_245 = arith.addi %add3A_230, %reduce_sum3A_244 : i32
      %get3A_246 = arith.constant 176 : index
      %get3A_247 = tpu.vector_load %arg13[%get3A_246] {strides = array<i32>} : memref<256xi32, #tpu.memory_space<vmem>>, vector<16xi32>,
      %broadcast_in_dim3A_248 = arith.constant true
      %broadcast_in_dim3A_249 = vector.broadcast %broadcast_in_dim3A_248 : i1 to vector<16xi1>
      %masked_cumsum3A_250 = tpu.scan <sum>, %get3A_247 masked %broadcast_in_dim3A_249 : vector<16xi32>, vector<16xi1> -> vector<16xi32>
      %sub3A_251 = arith.subi %masked_cumsum3A_250, %get3A_247 : vector<16xi32>
      %add3A_252 = vector.broadcast %add3A_245 : i32 to vector<16xi32>
      %add3A_253 = arith.addi %sub3A_251, %add3A_252 : vector<16xi32>
      %swap3A_254 = arith.constant 176 : index
      %swap3A_255 = tpu.vector_load %arg13[%swap3A_254] {strides = array<i32>} : memref<256xi32, #tpu.memory_space<vmem>>, vector<16xi32>,
      tpu.vector_store %arg13[%swap3A_254], %add3A_253 {strides = array<i32>} : memref<256xi32, #tpu.memory_space<vmem>>, vector<16xi32>,
      %reduce_sum3A_256 = arith.constant true
      %reduce_sum3A_257 = vector.broadcast %reduce_sum3A_256 : i1 to vector<16xi1>
      %reduce_sum3A_258 = tpu.scan <sum>, %get3A_247 masked %reduce_sum3A_257 : vector<16xi32>, vector<16xi1> -> vector<16xi32>
      %reduce_sum3A_259 = vector.extract %reduce_sum3A_258[15] : i32 from vector<16xi32>
      %add3A_260 = arith.addi %add3A_245, %reduce_sum3A_259 : i32
      %get3A_261 = arith.constant 192 : index
      %get3A_262 = tpu.vector_load %arg13[%get3A_261] {strides = array<i32>} : memref<256xi32, #tpu.memory_space<vmem>>, vector<16xi32>,
      %broadcast_in_dim3A_263 = arith.constant true
      %broadcast_in_dim3A_264 = vector.broadcast %broadcast_in_dim3A_263 : i1 to vector<16xi1>
      %masked_cumsum3A_265 = tpu.scan <sum>, %get3A_262 masked %broadcast_in_dim3A_264 : vector<16xi32>, vector<16xi1> -> vector<16xi32>
      %sub3A_266 = arith.subi %masked_cumsum3A_265, %get3A_262 : vector<16xi32>
      %add3A_267 = vector.broadcast %add3A_260 : i32 to vector<16xi32>
      %add3A_268 = arith.addi %sub3A_266, %add3A_267 : vector<16xi32>
      %swap3A_269 = arith.constant 192 : index
      %swap3A_270 = tpu.vector_load %arg13[%swap3A_269] {strides = array<i32>} : memref<256xi32, #tpu.memory_space<vmem>>, vector<16xi32>,
      tpu.vector_store %arg13[%swap3A_269], %add3A_268 {strides = array<i32>} : memref<256xi32, #tpu.memory_space<vmem>>, vector<16xi32>,
      %reduce_sum3A_271 = arith.constant true
      %reduce_sum3A_272 = vector.broadcast %reduce_sum3A_271 : i1 to vector<16xi1>
      %reduce_sum3A_273 = tpu.scan <sum>, %get3A_262 masked %reduce_sum3A_272 : vector<16xi32>, vector<16xi1> -> vector<16xi32>
      %reduce_sum3A_274 = vector.extract %reduce_sum3A_273[15] : i32 from vector<16xi32>
      %add3A_275 = arith.addi %add3A_260, %reduce_sum3A_274 : i32
      %get3A_276 = arith.constant 208 : index
      %get3A_277 = tpu.vector_load %arg13[%get3A_276] {strides = array<i32>} : memref<256xi32, #tpu.memory_space<vmem>>, vector<16xi32>,
      %broadcast_in_dim3A_278 = arith.constant true
      %broadcast_in_dim3A_279 = vector.broadcast %broadcast_in_dim3A_278 : i1 to vector<16xi1>
      %masked_cumsum3A_280 = tpu.scan <sum>, %get3A_277 masked %broadcast_in_dim3A_279 : vector<16xi32>, vector<16xi1> -> vector<16xi32>
      %sub3A_281 = arith.subi %masked_cumsum3A_280, %get3A_277 : vector<16xi32>
      %add3A_282 = vector.broadcast %add3A_275 : i32 to vector<16xi32>
      %add3A_283 = arith.addi %sub3A_281, %add3A_282 : vector<16xi32>
      %swap3A_284 = arith.constant 208 : index
      %swap3A_285 = tpu.vector_load %arg13[%swap3A_284] {strides = array<i32>} : memref<256xi32, #tpu.memory_space<vmem>>, vector<16xi32>,
      tpu.vector_store %arg13[%swap3A_284], %add3A_283 {strides = array<i32>} : memref<256xi32, #tpu.memory_space<vmem>>, vector<16xi32>,
      %reduce_sum3A_286 = arith.constant true
      %reduce_sum3A_287 = vector.broadcast %reduce_sum3A_286 : i1 to vector<16xi1>
      %reduce_sum3A_288 = tpu.scan <sum>, %get3A_277 masked %reduce_sum3A_287 : vector<16xi32>, vector<16xi1> -> vector<16xi32>
      %reduce_sum3A_289 = vector.extract %reduce_sum3A_288[15] : i32 from vector<16xi32>
      %add3A_290 = arith.addi %add3A_275, %reduce_sum3A_289 : i32
      %get3A_291 = arith.constant 224 : index
      %get3A_292 = tpu.vector_load %arg13[%get3A_291] {strides = array<i32>} : memref<256xi32, #tpu.memory_space<vmem>>, vector<16xi32>,
      %broadcast_in_dim3A_293 = arith.constant true
      %broadcast_in_dim3A_294 = vector.broadcast %broadcast_in_dim3A_293 : i1 to vector<16xi1>
      %masked_cumsum3A_295 = tpu.scan <sum>, %get3A_292 masked %broadcast_in_dim3A_294 : vector<16xi32>, vector<16xi1> -> vector<16xi32>
      %sub3A_296 = arith.subi %masked_cumsum3A_295, %get3A_292 : vector<16xi32>
      %add3A_297 = vector.broadcast %add3A_290 : i32 to vector<16xi32>
      %add3A_298 = arith.addi %sub3A_296, %add3A_297 : vector<16xi32>
      %swap3A_299 = arith.constant 224 : index
      %swap3A_300 = tpu.vector_load %arg13[%swap3A_299] {strides = array<i32>} : memref<256xi32, #tpu.memory_space<vmem>>, vector<16xi32>,
      tpu.vector_store %arg13[%swap3A_299], %add3A_298 {strides = array<i32>} : memref<256xi32, #tpu.memory_space<vmem>>, vector<16xi32>,
      %reduce_sum3A_301 = arith.constant true
      %reduce_sum3A_302 = vector.broadcast %reduce_sum3A_301 : i1 to vector<16xi1>
      %reduce_sum3A_303 = tpu.scan <sum>, %get3A_292 masked %reduce_sum3A_302 : vector<16xi32>, vector<16xi1> -> vector<16xi32>
      %reduce_sum3A_304 = vector.extract %reduce_sum3A_303[15] : i32 from vector<16xi32>
      %add3A_305 = arith.addi %add3A_290, %reduce_sum3A_304 : i32
      %get3A_306 = arith.constant 240 : index
      %get3A_307 = tpu.vector_load %arg13[%get3A_306] {strides = array<i32>} : memref<256xi32, #tpu.memory_space<vmem>>, vector<16xi32>,
      %broadcast_in_dim3A_308 = arith.constant true
      %broadcast_in_dim3A_309 = vector.broadcast %broadcast_in_dim3A_308 : i1 to vector<16xi1>
      %masked_cumsum3A_310 = tpu.scan <sum>, %get3A_307 masked %broadcast_in_dim3A_309 : vector<16xi32>, vector<16xi1> -> vector<16xi32>
      %sub3A_311 = arith.subi %masked_cumsum3A_310, %get3A_307 : vector<16xi32>
      %add3A_312 = vector.broadcast %add3A_305 : i32 to vector<16xi32>
      %add3A_313 = arith.addi %sub3A_311, %add3A_312 : vector<16xi32>
      %swap3A_314 = arith.constant 240 : index
      %swap3A_315 = tpu.vector_load %arg13[%swap3A_314] {strides = array<i32>} : memref<256xi32, #tpu.memory_space<vmem>>, vector<16xi32>,
      tpu.vector_store %arg13[%swap3A_314], %add3A_313 {strides = array<i32>} : memref<256xi32, #tpu.memory_space<vmem>>, vector<16xi32>,
      %reduce_sum3A_316 = arith.constant true
      %reduce_sum3A_317 = vector.broadcast %reduce_sum3A_316 : i1 to vector<16xi1>
      %reduce_sum3A_318 = tpu.scan <sum>, %get3A_307 masked %reduce_sum3A_317 : vector<16xi32>, vector<16xi1> -> vector<16xi32>
      %reduce_sum3A_319 = vector.extract %reduce_sum3A_318[15] : i32 from vector<16xi32>
      %add3A_320 = arith.addi %add3A_305, %reduce_sum3A_319 : i32
      %scan3A_321 = arith.constant 0 : i32
      %scan3A_322 = arith.constant 0 : i32
      %scan3A_323 = arith.constant 512 : i32
      %scan3A_324 = arith.addi %scan3A_322, %scan3A_323 : i32
      %scan3A_325 = arith.constant 1 : i32
      %scan3A_326 = scf.for %scan3A_1296 = %scan3A_322 to %scan3A_324 step %scan3A_325 iter_args(%scan3A_1297 = %scan3A_321) -> (i32)  : i32 {
        %mul3A_1298 = arith.constant 16 : i32
        %mul3A_1299 = arith.muli %scan3A_1296, %mul3A_1298 : i32
        %get3A_1300 = arith.index_cast %mul3A_1299 : i32 to index
        %get3A_1301 = tpu.vector_load %arg7[%get3A_1300] {strides = array<i32>} : memref<8192xi32, #tpu.memory_space<vmem>>, vector<16xi32>,
        %mul3A_1302 = arith.constant 16 : i32
        %mul3A_1303 = arith.muli %scan3A_1296, %mul3A_1302 : i32
        %get3A_1304 = arith.index_cast %mul3A_1303 : i32 to index
        %get3A_1305 = tpu.vector_load %arg9[%get3A_1304] {strides = array<i32>} : memref<8192xi32, #tpu.memory_space<vmem>>, vector<16xi32>,
        %shift_right_logical3A = arith.constant 0 : i32
        %shift_right_logical3A_1306 = vector.broadcast %shift_right_logical3A : i32 to vector<16xi32>
        %shift_right_logical3A_1307 = arith.shrui %get3A_1301, %shift_right_logical3A_1306 : vector<16xi32>
        %and3A = arith.constant 255 : i32
        %and3A_1308 = vector.broadcast %and3A : i32 to vector<16xi32>
        %and3A_1309 = arith.andi %shift_right_logical3A_1307, %and3A_1308 : vector<16xi32>
        %gather3A = tpu.vector_load_idx %arg13[%and3A_1309] : memref<256xi32, #tpu.memory_space<vmem>>[vector<16xi32>], vector<16xi32>,
        %broadcast_in_dim3A_1310 = arith.constant true
        %broadcast_in_dim3A_1311 = vector.broadcast %broadcast_in_dim3A_1310 : i1 to vector<16xi1>
        %unique3A, %unique3A_1312 = tpu.scan_count mask(%broadcast_in_dim3A_1311 : vector<16xi1>) value(%and3A_1309 : vector<16xi32>) : vector<16xi1>, vector<16xi32>
        %add3A_1313 = arith.addi %gather3A, %unique3A_1312 : vector<16xi32>
        %sub3A_1314 = arith.constant 1 : i32
        %sub3A_1315 = vector.broadcast %sub3A_1314 : i32 to vector<16xi32>
        %sub3A_1316 = arith.subi %add3A_1313, %sub3A_1315 : vector<16xi32>
        tpu.vector_store_idx %arg8[%sub3A_1316], %get3A_1301 : memref<8192xi32, #tpu.memory_space<vmem>>[vector<16xi32>], vector<16xi32>,
        tpu.vector_store_idx %arg10[%sub3A_1316], %get3A_1305 : memref<8192xi32, #tpu.memory_space<vmem>>[vector<16xi32>], vector<16xi32>,
        tpu.vector_store_idx %arg13[%and3A_1309], %unique3A_1312 masked %unique3A {add = true} : memref<256xi32, #tpu.memory_space<vmem>>[vector<16xi32>], vector<16xi32>, vector<16xi1>
        %scan3A_1317 = arith.constant 0 : i32
        scf.yield %scan3A_1317 : i32
      }
      %scan3A_327 = arith.constant 512 : i32
      %broadcast_in_dim3A_328 = arith.constant 0 : i32
      %broadcast_in_dim3A_329 = vector.broadcast %broadcast_in_dim3A_328 : i32 to vector<16xi32>
      %swap3A_330 = arith.constant 0 : index
      %swap3A_331 = tpu.vector_load %arg13[%swap3A_330] {strides = array<i32>} : memref<256xi32, #tpu.memory_space<vmem>>, vector<16xi32>,
      tpu.vector_store %arg13[%swap3A_330], %broadcast_in_dim3A_329 {strides = array<i32>} : memref<256xi32, #tpu.memory_space<vmem>>, vector<16xi32>,
      %broadcast_in_dim3A_332 = arith.constant 0 : i32
      %broadcast_in_dim3A_333 = vector.broadcast %broadcast_in_dim3A_332 : i32 to vector<16xi32>
      %swap3A_334 = arith.constant 16 : index
      %swap3A_335 = tpu.vector_load %arg13[%swap3A_334] {strides = array<i32>} : memref<256xi32, #tpu.memory_space<vmem>>, vector<16xi32>,
      tpu.vector_store %arg13[%swap3A_334], %broadcast_in_dim3A_333 {strides = array<i32>} : memref<256xi32, #tpu.memory_space<vmem>>, vector<16xi32>,
      %broadcast_in_dim3A_336 = arith.constant 0 : i32
      %broadcast_in_dim3A_337 = vector.broadcast %broadcast_in_dim3A_336 : i32 to vector<16xi32>
      %swap3A_338 = arith.constant 32 : index
      %swap3A_339 = tpu.vector_load %arg13[%swap3A_338] {strides = array<i32>} : memref<256xi32, #tpu.memory_space<vmem>>, vector<16xi32>,
      tpu.vector_store %arg13[%swap3A_338], %broadcast_in_dim3A_337 {strides = array<i32>} : memref<256xi32, #tpu.memory_space<vmem>>, vector<16xi32>,
      %broadcast_in_dim3A_340 = arith.constant 0 : i32
      %broadcast_in_dim3A_341 = vector.broadcast %broadcast_in_dim3A_340 : i32 to vector<16xi32>
      %swap3A_342 = arith.constant 48 : index
      %swap3A_343 = tpu.vector_load %arg13[%swap3A_342] {strides = array<i32>} : memref<256xi32, #tpu.memory_space<vmem>>, vector<16xi32>,
      tpu.vector_store %arg13[%swap3A_342], %broadcast_in_dim3A_341 {strides = array<i32>} : memref<256xi32, #tpu.memory_space<vmem>>, vector<16xi32>,
      %broadcast_in_dim3A_344 = arith.constant 0 : i32
      %broadcast_in_dim3A_345 = vector.broadcast %broadcast_in_dim3A_344 : i32 to vector<16xi32>
      %swap3A_346 = arith.constant 64 : index
      %swap3A_347 = tpu.vector_load %arg13[%swap3A_346] {strides = array<i32>} : memref<256xi32, #tpu.memory_space<vmem>>, vector<16xi32>,
      tpu.vector_store %arg13[%swap3A_346], %broadcast_in_dim3A_345 {strides = array<i32>} : memref<256xi32, #tpu.memory_space<vmem>>, vector<16xi32>,
      %broadcast_in_dim3A_348 = arith.constant 0 : i32
      %broadcast_in_dim3A_349 = vector.broadcast %broadcast_in_dim3A_348 : i32 to vector<16xi32>
      %swap3A_350 = arith.constant 80 : index
      %swap3A_351 = tpu.vector_load %arg13[%swap3A_350] {strides = array<i32>} : memref<256xi32, #tpu.memory_space<vmem>>, vector<16xi32>,
      tpu.vector_store %arg13[%swap3A_350], %broadcast_in_dim3A_349 {strides = array<i32>} : memref<256xi32, #tpu.memory_space<vmem>>, vector<16xi32>,
      %broadcast_in_dim3A_352 = arith.constant 0 : i32
      %broadcast_in_dim3A_353 = vector.broadcast %broadcast_in_dim3A_352 : i32 to vector<16xi32>
      %swap3A_354 = arith.constant 96 : index
      %swap3A_355 = tpu.vector_load %arg13[%swap3A_354] {strides = array<i32>} : memref<256xi32, #tpu.memory_space<vmem>>, vector<16xi32>,
      tpu.vector_store %arg13[%swap3A_354], %broadcast_in_dim3A_353 {strides = array<i32>} : memref<256xi32, #tpu.memory_space<vmem>>, vector<16xi32>,
      %broadcast_in_dim3A_356 = arith.constant 0 : i32
      %broadcast_in_dim3A_357 = vector.broadcast %broadcast_in_dim3A_356 : i32 to vector<16xi32>
      %swap3A_358 = arith.constant 112 : index
      %swap3A_359 = tpu.vector_load %arg13[%swap3A_358] {strides = array<i32>} : memref<256xi32, #tpu.memory_space<vmem>>, vector<16xi32>,
      tpu.vector_store %arg13[%swap3A_358], %broadcast_in_dim3A_357 {strides = array<i32>} : memref<256xi32, #tpu.memory_space<vmem>>, vector<16xi32>,
      %broadcast_in_dim3A_360 = arith.constant 0 : i32
      %broadcast_in_dim3A_361 = vector.broadcast %broadcast_in_dim3A_360 : i32 to vector<16xi32>
      %swap3A_362 = arith.constant 128 : index
      %swap3A_363 = tpu.vector_load %arg13[%swap3A_362] {strides = array<i32>} : memref<256xi32, #tpu.memory_space<vmem>>, vector<16xi32>,
      tpu.vector_store %arg13[%swap3A_362], %broadcast_in_dim3A_361 {strides = array<i32>} : memref<256xi32, #tpu.memory_space<vmem>>, vector<16xi32>,
      %broadcast_in_dim3A_364 = arith.constant 0 : i32
      %broadcast_in_dim3A_365 = vector.broadcast %broadcast_in_dim3A_364 : i32 to vector<16xi32>
      %swap3A_366 = arith.constant 144 : index
      %swap3A_367 = tpu.vector_load %arg13[%swap3A_366] {strides = array<i32>} : memref<256xi32, #tpu.memory_space<vmem>>, vector<16xi32>,
      tpu.vector_store %arg13[%swap3A_366], %broadcast_in_dim3A_365 {strides = array<i32>} : memref<256xi32, #tpu.memory_space<vmem>>, vector<16xi32>,
      %broadcast_in_dim3A_368 = arith.constant 0 : i32
      %broadcast_in_dim3A_369 = vector.broadcast %broadcast_in_dim3A_368 : i32 to vector<16xi32>
      %swap3A_370 = arith.constant 160 : index
      %swap3A_371 = tpu.vector_load %arg13[%swap3A_370] {strides = array<i32>} : memref<256xi32, #tpu.memory_space<vmem>>, vector<16xi32>,
      tpu.vector_store %arg13[%swap3A_370], %broadcast_in_dim3A_369 {strides = array<i32>} : memref<256xi32, #tpu.memory_space<vmem>>, vector<16xi32>,
      %broadcast_in_dim3A_372 = arith.constant 0 : i32
      %broadcast_in_dim3A_373 = vector.broadcast %broadcast_in_dim3A_372 : i32 to vector<16xi32>
      %swap3A_374 = arith.constant 176 : index
      %swap3A_375 = tpu.vector_load %arg13[%swap3A_374] {strides = array<i32>} : memref<256xi32, #tpu.memory_space<vmem>>, vector<16xi32>,
      tpu.vector_store %arg13[%swap3A_374], %broadcast_in_dim3A_373 {strides = array<i32>} : memref<256xi32, #tpu.memory_space<vmem>>, vector<16xi32>,
      %broadcast_in_dim3A_376 = arith.constant 0 : i32
      %broadcast_in_dim3A_377 = vector.broadcast %broadcast_in_dim3A_376 : i32 to vector<16xi32>
      %swap3A_378 = arith.constant 192 : index
      %swap3A_379 = tpu.vector_load %arg13[%swap3A_378] {strides = array<i32>} : memref<256xi32, #tpu.memory_space<vmem>>, vector<16xi32>,
      tpu.vector_store %arg13[%swap3A_378], %broadcast_in_dim3A_377 {strides = array<i32>} : memref<256xi32, #tpu.memory_space<vmem>>, vector<16xi32>,
      %broadcast_in_dim3A_380 = arith.constant 0 : i32
      %broadcast_in_dim3A_381 = vector.broadcast %broadcast_in_dim3A_380 : i32 to vector<16xi32>
      %swap3A_382 = arith.constant 208 : index
      %swap3A_383 = tpu.vector_load %arg13[%swap3A_382] {strides = array<i32>} : memref<256xi32, #tpu.memory_space<vmem>>, vector<16xi32>,
      tpu.vector_store %arg13[%swap3A_382], %broadcast_in_dim3A_381 {strides = array<i32>} : memref<256xi32, #tpu.memory_space<vmem>>, vector<16xi32>,
      %broadcast_in_dim3A_384 = arith.constant 0 : i32
      %broadcast_in_dim3A_385 = vector.broadcast %broadcast_in_dim3A_384 : i32 to vector<16xi32>
      %swap3A_386 = arith.constant 224 : index
      %swap3A_387 = tpu.vector_load %arg13[%swap3A_386] {strides = array<i32>} : memref<256xi32, #tpu.memory_space<vmem>>, vector<16xi32>,
      tpu.vector_store %arg13[%swap3A_386], %broadcast_in_dim3A_385 {strides = array<i32>} : memref<256xi32, #tpu.memory_space<vmem>>, vector<16xi32>,
      %broadcast_in_dim3A_388 = arith.constant 0 : i32
      %broadcast_in_dim3A_389 = vector.broadcast %broadcast_in_dim3A_388 : i32 to vector<16xi32>
      %swap3A_390 = arith.constant 240 : index
      %swap3A_391 = tpu.vector_load %arg13[%swap3A_390] {strides = array<i32>} : memref<256xi32, #tpu.memory_space<vmem>>, vector<16xi32>,
      tpu.vector_store %arg13[%swap3A_390], %broadcast_in_dim3A_389 {strides = array<i32>} : memref<256xi32, #tpu.memory_space<vmem>>, vector<16xi32>,
      %scan3A_392 = arith.constant 0 : i32
      %scan3A_393 = arith.constant 0 : i32
      %scan3A_394 = arith.constant 512 : i32
      %scan3A_395 = arith.addi %scan3A_393, %scan3A_394 : i32
      %scan3A_396 = arith.constant 1 : i32
      %scan3A_397 = scf.for %scan3A_1296 = %scan3A_393 to %scan3A_395 step %scan3A_396 iter_args(%scan3A_1297 = %scan3A_392) -> (i32)  : i32 {
        %mul3A_1298 = arith.constant 16 : i32
        %mul3A_1299 = arith.muli %scan3A_1296, %mul3A_1298 : i32
        %get3A_1300 = arith.index_cast %mul3A_1299 : i32 to index
        %get3A_1301 = tpu.vector_load %arg8[%get3A_1300] {strides = array<i32>} : memref<8192xi32, #tpu.memory_space<vmem>>, vector<16xi32>,
        %shift_right_logical3A = arith.constant 8 : i32
        %shift_right_logical3A_1302 = vector.broadcast %shift_right_logical3A : i32 to vector<16xi32>
        %shift_right_logical3A_1303 = arith.shrui %get3A_1301, %shift_right_logical3A_1302 : vector<16xi32>
        %and3A = arith.constant 255 : i32
        %and3A_1304 = vector.broadcast %and3A : i32 to vector<16xi32>
        %and3A_1305 = arith.andi %shift_right_logical3A_1303, %and3A_1304 : vector<16xi32>
        tpu.vector_store_idx %arg13[%and3A_1305], %broadcast_in_dim3A_1 {add = true} : memref<256xi32, #tpu.memory_space<vmem>>[vector<16xi32>], vector<16xi32>,
        %scan3A_1306 = arith.constant 0 : i32
        scf.yield %scan3A_1306 : i32
      }
      %scan3A_398 = arith.constant 512 : i32
      %get3A_399 = arith.constant 0 : index
      %get3A_400 = tpu.vector_load %arg13[%get3A_399] {strides = array<i32>} : memref<256xi32, #tpu.memory_space<vmem>>, vector<16xi32>,
      %broadcast_in_dim3A_401 = arith.constant true
      %broadcast_in_dim3A_402 = vector.broadcast %broadcast_in_dim3A_401 : i1 to vector<16xi1>
      %masked_cumsum3A_403 = tpu.scan <sum>, %get3A_400 masked %broadcast_in_dim3A_402 : vector<16xi32>, vector<16xi1> -> vector<16xi32>
      %sub3A_404 = arith.subi %masked_cumsum3A_403, %get3A_400 : vector<16xi32>
      %add3A_405 = arith.constant 0 : i32
      %add3A_406 = vector.broadcast %add3A_405 : i32 to vector<16xi32>
      %add3A_407 = arith.addi %sub3A_404, %add3A_406 : vector<16xi32>
      %swap3A_408 = arith.constant 0 : index
      %swap3A_409 = tpu.vector_load %arg13[%swap3A_408] {strides = array<i32>} : memref<256xi32, #tpu.memory_space<vmem>>, vector<16xi32>,
      tpu.vector_store %arg13[%swap3A_408], %add3A_407 {strides = array<i32>} : memref<256xi32, #tpu.memory_space<vmem>>, vector<16xi32>,
      %reduce_sum3A_410 = arith.constant true
      %reduce_sum3A_411 = vector.broadcast %reduce_sum3A_410 : i1 to vector<16xi1>
      %reduce_sum3A_412 = tpu.scan <sum>, %get3A_400 masked %reduce_sum3A_411 : vector<16xi32>, vector<16xi1> -> vector<16xi32>
      %reduce_sum3A_413 = vector.extract %reduce_sum3A_412[15] : i32 from vector<16xi32>
      %add3A_414 = arith.constant 0 : i32
      %add3A_415 = arith.addi %add3A_414, %reduce_sum3A_413 : i32
      %get3A_416 = arith.constant 16 : index
      %get3A_417 = tpu.vector_load %arg13[%get3A_416] {strides = array<i32>} : memref<256xi32, #tpu.memory_space<vmem>>, vector<16xi32>,
      %broadcast_in_dim3A_418 = arith.constant true
      %broadcast_in_dim3A_419 = vector.broadcast %broadcast_in_dim3A_418 : i1 to vector<16xi1>
      %masked_cumsum3A_420 = tpu.scan <sum>, %get3A_417 masked %broadcast_in_dim3A_419 : vector<16xi32>, vector<16xi1> -> vector<16xi32>
      %sub3A_421 = arith.subi %masked_cumsum3A_420, %get3A_417 : vector<16xi32>
      %add3A_422 = vector.broadcast %add3A_415 : i32 to vector<16xi32>
      %add3A_423 = arith.addi %sub3A_421, %add3A_422 : vector<16xi32>
      %swap3A_424 = arith.constant 16 : index
      %swap3A_425 = tpu.vector_load %arg13[%swap3A_424] {strides = array<i32>} : memref<256xi32, #tpu.memory_space<vmem>>, vector<16xi32>,
      tpu.vector_store %arg13[%swap3A_424], %add3A_423 {strides = array<i32>} : memref<256xi32, #tpu.memory_space<vmem>>, vector<16xi32>,
      %reduce_sum3A_426 = arith.constant true
      %reduce_sum3A_427 = vector.broadcast %reduce_sum3A_426 : i1 to vector<16xi1>
      %reduce_sum3A_428 = tpu.scan <sum>, %get3A_417 masked %reduce_sum3A_427 : vector<16xi32>, vector<16xi1> -> vector<16xi32>
      %reduce_sum3A_429 = vector.extract %reduce_sum3A_428[15] : i32 from vector<16xi32>
      %add3A_430 = arith.addi %add3A_415, %reduce_sum3A_429 : i32
      %get3A_431 = arith.constant 32 : index
      %get3A_432 = tpu.vector_load %arg13[%get3A_431] {strides = array<i32>} : memref<256xi32, #tpu.memory_space<vmem>>, vector<16xi32>,
      %broadcast_in_dim3A_433 = arith.constant true
      %broadcast_in_dim3A_434 = vector.broadcast %broadcast_in_dim3A_433 : i1 to vector<16xi1>
      %masked_cumsum3A_435 = tpu.scan <sum>, %get3A_432 masked %broadcast_in_dim3A_434 : vector<16xi32>, vector<16xi1> -> vector<16xi32>
      %sub3A_436 = arith.subi %masked_cumsum3A_435, %get3A_432 : vector<16xi32>
      %add3A_437 = vector.broadcast %add3A_430 : i32 to vector<16xi32>
      %add3A_438 = arith.addi %sub3A_436, %add3A_437 : vector<16xi32>
      %swap3A_439 = arith.constant 32 : index
      %swap3A_440 = tpu.vector_load %arg13[%swap3A_439] {strides = array<i32>} : memref<256xi32, #tpu.memory_space<vmem>>, vector<16xi32>,
      tpu.vector_store %arg13[%swap3A_439], %add3A_438 {strides = array<i32>} : memref<256xi32, #tpu.memory_space<vmem>>, vector<16xi32>,
      %reduce_sum3A_441 = arith.constant true
      %reduce_sum3A_442 = vector.broadcast %reduce_sum3A_441 : i1 to vector<16xi1>
      %reduce_sum3A_443 = tpu.scan <sum>, %get3A_432 masked %reduce_sum3A_442 : vector<16xi32>, vector<16xi1> -> vector<16xi32>
      %reduce_sum3A_444 = vector.extract %reduce_sum3A_443[15] : i32 from vector<16xi32>
      %add3A_445 = arith.addi %add3A_430, %reduce_sum3A_444 : i32
      %get3A_446 = arith.constant 48 : index
      %get3A_447 = tpu.vector_load %arg13[%get3A_446] {strides = array<i32>} : memref<256xi32, #tpu.memory_space<vmem>>, vector<16xi32>,
      %broadcast_in_dim3A_448 = arith.constant true
      %broadcast_in_dim3A_449 = vector.broadcast %broadcast_in_dim3A_448 : i1 to vector<16xi1>
      %masked_cumsum3A_450 = tpu.scan <sum>, %get3A_447 masked %broadcast_in_dim3A_449 : vector<16xi32>, vector<16xi1> -> vector<16xi32>
      %sub3A_451 = arith.subi %masked_cumsum3A_450, %get3A_447 : vector<16xi32>
      %add3A_452 = vector.broadcast %add3A_445 : i32 to vector<16xi32>
      %add3A_453 = arith.addi %sub3A_451, %add3A_452 : vector<16xi32>
      %swap3A_454 = arith.constant 48 : index
      %swap3A_455 = tpu.vector_load %arg13[%swap3A_454] {strides = array<i32>} : memref<256xi32, #tpu.memory_space<vmem>>, vector<16xi32>,
      tpu.vector_store %arg13[%swap3A_454], %add3A_453 {strides = array<i32>} : memref<256xi32, #tpu.memory_space<vmem>>, vector<16xi32>,
      %reduce_sum3A_456 = arith.constant true
      %reduce_sum3A_457 = vector.broadcast %reduce_sum3A_456 : i1 to vector<16xi1>
      %reduce_sum3A_458 = tpu.scan <sum>, %get3A_447 masked %reduce_sum3A_457 : vector<16xi32>, vector<16xi1> -> vector<16xi32>
      %reduce_sum3A_459 = vector.extract %reduce_sum3A_458[15] : i32 from vector<16xi32>
      %add3A_460 = arith.addi %add3A_445, %reduce_sum3A_459 : i32
      %get3A_461 = arith.constant 64 : index
      %get3A_462 = tpu.vector_load %arg13[%get3A_461] {strides = array<i32>} : memref<256xi32, #tpu.memory_space<vmem>>, vector<16xi32>,
      %broadcast_in_dim3A_463 = arith.constant true
      %broadcast_in_dim3A_464 = vector.broadcast %broadcast_in_dim3A_463 : i1 to vector<16xi1>
      %masked_cumsum3A_465 = tpu.scan <sum>, %get3A_462 masked %broadcast_in_dim3A_464 : vector<16xi32>, vector<16xi1> -> vector<16xi32>
      %sub3A_466 = arith.subi %masked_cumsum3A_465, %get3A_462 : vector<16xi32>
      %add3A_467 = vector.broadcast %add3A_460 : i32 to vector<16xi32>
      %add3A_468 = arith.addi %sub3A_466, %add3A_467 : vector<16xi32>
      %swap3A_469 = arith.constant 64 : index
      %swap3A_470 = tpu.vector_load %arg13[%swap3A_469] {strides = array<i32>} : memref<256xi32, #tpu.memory_space<vmem>>, vector<16xi32>,
      tpu.vector_store %arg13[%swap3A_469], %add3A_468 {strides = array<i32>} : memref<256xi32, #tpu.memory_space<vmem>>, vector<16xi32>,
      %reduce_sum3A_471 = arith.constant true
      %reduce_sum3A_472 = vector.broadcast %reduce_sum3A_471 : i1 to vector<16xi1>
      %reduce_sum3A_473 = tpu.scan <sum>, %get3A_462 masked %reduce_sum3A_472 : vector<16xi32>, vector<16xi1> -> vector<16xi32>
      %reduce_sum3A_474 = vector.extract %reduce_sum3A_473[15] : i32 from vector<16xi32>
      %add3A_475 = arith.addi %add3A_460, %reduce_sum3A_474 : i32
      %get3A_476 = arith.constant 80 : index
      %get3A_477 = tpu.vector_load %arg13[%get3A_476] {strides = array<i32>} : memref<256xi32, #tpu.memory_space<vmem>>, vector<16xi32>,
      %broadcast_in_dim3A_478 = arith.constant true
      %broadcast_in_dim3A_479 = vector.broadcast %broadcast_in_dim3A_478 : i1 to vector<16xi1>
      %masked_cumsum3A_480 = tpu.scan <sum>, %get3A_477 masked %broadcast_in_dim3A_479 : vector<16xi32>, vector<16xi1> -> vector<16xi32>
      %sub3A_481 = arith.subi %masked_cumsum3A_480, %get3A_477 : vector<16xi32>
      %add3A_482 = vector.broadcast %add3A_475 : i32 to vector<16xi32>
      %add3A_483 = arith.addi %sub3A_481, %add3A_482 : vector<16xi32>
      %swap3A_484 = arith.constant 80 : index
      %swap3A_485 = tpu.vector_load %arg13[%swap3A_484] {strides = array<i32>} : memref<256xi32, #tpu.memory_space<vmem>>, vector<16xi32>,
      tpu.vector_store %arg13[%swap3A_484], %add3A_483 {strides = array<i32>} : memref<256xi32, #tpu.memory_space<vmem>>, vector<16xi32>,
      %reduce_sum3A_486 = arith.constant true
      %reduce_sum3A_487 = vector.broadcast %reduce_sum3A_486 : i1 to vector<16xi1>
      %reduce_sum3A_488 = tpu.scan <sum>, %get3A_477 masked %reduce_sum3A_487 : vector<16xi32>, vector<16xi1> -> vector<16xi32>
      %reduce_sum3A_489 = vector.extract %reduce_sum3A_488[15] : i32 from vector<16xi32>
      %add3A_490 = arith.addi %add3A_475, %reduce_sum3A_489 : i32
      %get3A_491 = arith.constant 96 : index
      %get3A_492 = tpu.vector_load %arg13[%get3A_491] {strides = array<i32>} : memref<256xi32, #tpu.memory_space<vmem>>, vector<16xi32>,
      %broadcast_in_dim3A_493 = arith.constant true
      %broadcast_in_dim3A_494 = vector.broadcast %broadcast_in_dim3A_493 : i1 to vector<16xi1>
      %masked_cumsum3A_495 = tpu.scan <sum>, %get3A_492 masked %broadcast_in_dim3A_494 : vector<16xi32>, vector<16xi1> -> vector<16xi32>
      %sub3A_496 = arith.subi %masked_cumsum3A_495, %get3A_492 : vector<16xi32>
      %add3A_497 = vector.broadcast %add3A_490 : i32 to vector<16xi32>
      %add3A_498 = arith.addi %sub3A_496, %add3A_497 : vector<16xi32>
      %swap3A_499 = arith.constant 96 : index
      %swap3A_500 = tpu.vector_load %arg13[%swap3A_499] {strides = array<i32>} : memref<256xi32, #tpu.memory_space<vmem>>, vector<16xi32>,
      tpu.vector_store %arg13[%swap3A_499], %add3A_498 {strides = array<i32>} : memref<256xi32, #tpu.memory_space<vmem>>, vector<16xi32>,
      %reduce_sum3A_501 = arith.constant true
      %reduce_sum3A_502 = vector.broadcast %reduce_sum3A_501 : i1 to vector<16xi1>
      %reduce_sum3A_503 = tpu.scan <sum>, %get3A_492 masked %reduce_sum3A_502 : vector<16xi32>, vector<16xi1> -> vector<16xi32>
      %reduce_sum3A_504 = vector.extract %reduce_sum3A_503[15] : i32 from vector<16xi32>
      %add3A_505 = arith.addi %add3A_490, %reduce_sum3A_504 : i32
      %get3A_506 = arith.constant 112 : index
      %get3A_507 = tpu.vector_load %arg13[%get3A_506] {strides = array<i32>} : memref<256xi32, #tpu.memory_space<vmem>>, vector<16xi32>,
      %broadcast_in_dim3A_508 = arith.constant true
      %broadcast_in_dim3A_509 = vector.broadcast %broadcast_in_dim3A_508 : i1 to vector<16xi1>
      %masked_cumsum3A_510 = tpu.scan <sum>, %get3A_507 masked %broadcast_in_dim3A_509 : vector<16xi32>, vector<16xi1> -> vector<16xi32>
      %sub3A_511 = arith.subi %masked_cumsum3A_510, %get3A_507 : vector<16xi32>
      %add3A_512 = vector.broadcast %add3A_505 : i32 to vector<16xi32>
      %add3A_513 = arith.addi %sub3A_511, %add3A_512 : vector<16xi32>
      %swap3A_514 = arith.constant 112 : index
      %swap3A_515 = tpu.vector_load %arg13[%swap3A_514] {strides = array<i32>} : memref<256xi32, #tpu.memory_space<vmem>>, vector<16xi32>,
      tpu.vector_store %arg13[%swap3A_514], %add3A_513 {strides = array<i32>} : memref<256xi32, #tpu.memory_space<vmem>>, vector<16xi32>,
      %reduce_sum3A_516 = arith.constant true
      %reduce_sum3A_517 = vector.broadcast %reduce_sum3A_516 : i1 to vector<16xi1>
      %reduce_sum3A_518 = tpu.scan <sum>, %get3A_507 masked %reduce_sum3A_517 : vector<16xi32>, vector<16xi1> -> vector<16xi32>
      %reduce_sum3A_519 = vector.extract %reduce_sum3A_518[15] : i32 from vector<16xi32>
      %add3A_520 = arith.addi %add3A_505, %reduce_sum3A_519 : i32
      %get3A_521 = arith.constant 128 : index
      %get3A_522 = tpu.vector_load %arg13[%get3A_521] {strides = array<i32>} : memref<256xi32, #tpu.memory_space<vmem>>, vector<16xi32>,
      %broadcast_in_dim3A_523 = arith.constant true
      %broadcast_in_dim3A_524 = vector.broadcast %broadcast_in_dim3A_523 : i1 to vector<16xi1>
      %masked_cumsum3A_525 = tpu.scan <sum>, %get3A_522 masked %broadcast_in_dim3A_524 : vector<16xi32>, vector<16xi1> -> vector<16xi32>
      %sub3A_526 = arith.subi %masked_cumsum3A_525, %get3A_522 : vector<16xi32>
      %add3A_527 = vector.broadcast %add3A_520 : i32 to vector<16xi32>
      %add3A_528 = arith.addi %sub3A_526, %add3A_527 : vector<16xi32>
      %swap3A_529 = arith.constant 128 : index
      %swap3A_530 = tpu.vector_load %arg13[%swap3A_529] {strides = array<i32>} : memref<256xi32, #tpu.memory_space<vmem>>, vector<16xi32>,
      tpu.vector_store %arg13[%swap3A_529], %add3A_528 {strides = array<i32>} : memref<256xi32, #tpu.memory_space<vmem>>, vector<16xi32>,
      %reduce_sum3A_531 = arith.constant true
      %reduce_sum3A_532 = vector.broadcast %reduce_sum3A_531 : i1 to vector<16xi1>
      %reduce_sum3A_533 = tpu.scan <sum>, %get3A_522 masked %reduce_sum3A_532 : vector<16xi32>, vector<16xi1> -> vector<16xi32>
      %reduce_sum3A_534 = vector.extract %reduce_sum3A_533[15] : i32 from vector<16xi32>
      %add3A_535 = arith.addi %add3A_520, %reduce_sum3A_534 : i32
      %get3A_536 = arith.constant 144 : index
      %get3A_537 = tpu.vector_load %arg13[%get3A_536] {strides = array<i32>} : memref<256xi32, #tpu.memory_space<vmem>>, vector<16xi32>,
      %broadcast_in_dim3A_538 = arith.constant true
      %broadcast_in_dim3A_539 = vector.broadcast %broadcast_in_dim3A_538 : i1 to vector<16xi1>
      %masked_cumsum3A_540 = tpu.scan <sum>, %get3A_537 masked %broadcast_in_dim3A_539 : vector<16xi32>, vector<16xi1> -> vector<16xi32>
      %sub3A_541 = arith.subi %masked_cumsum3A_540, %get3A_537 : vector<16xi32>
      %add3A_542 = vector.broadcast %add3A_535 : i32 to vector<16xi32>
      %add3A_543 = arith.addi %sub3A_541, %add3A_542 : vector<16xi32>
      %swap3A_544 = arith.constant 144 : index
      %swap3A_545 = tpu.vector_load %arg13[%swap3A_544] {strides = array<i32>} : memref<256xi32, #tpu.memory_space<vmem>>, vector<16xi32>,
      tpu.vector_store %arg13[%swap3A_544], %add3A_543 {strides = array<i32>} : memref<256xi32, #tpu.memory_space<vmem>>, vector<16xi32>,
      %reduce_sum3A_546 = arith.constant true
      %reduce_sum3A_547 = vector.broadcast %reduce_sum3A_546 : i1 to vector<16xi1>
      %reduce_sum3A_548 = tpu.scan <sum>, %get3A_537 masked %reduce_sum3A_547 : vector<16xi32>, vector<16xi1> -> vector<16xi32>
      %reduce_sum3A_549 = vector.extract %reduce_sum3A_548[15] : i32 from vector<16xi32>
      %add3A_550 = arith.addi %add3A_535, %reduce_sum3A_549 : i32
      %get3A_551 = arith.constant 160 : index
      %get3A_552 = tpu.vector_load %arg13[%get3A_551] {strides = array<i32>} : memref<256xi32, #tpu.memory_space<vmem>>, vector<16xi32>,
      %broadcast_in_dim3A_553 = arith.constant true
      %broadcast_in_dim3A_554 = vector.broadcast %broadcast_in_dim3A_553 : i1 to vector<16xi1>
      %masked_cumsum3A_555 = tpu.scan <sum>, %get3A_552 masked %broadcast_in_dim3A_554 : vector<16xi32>, vector<16xi1> -> vector<16xi32>
      %sub3A_556 = arith.subi %masked_cumsum3A_555, %get3A_552 : vector<16xi32>
      %add3A_557 = vector.broadcast %add3A_550 : i32 to vector<16xi32>
      %add3A_558 = arith.addi %sub3A_556, %add3A_557 : vector<16xi32>
      %swap3A_559 = arith.constant 160 : index
      %swap3A_560 = tpu.vector_load %arg13[%swap3A_559] {strides = array<i32>} : memref<256xi32, #tpu.memory_space<vmem>>, vector<16xi32>,
      tpu.vector_store %arg13[%swap3A_559], %add3A_558 {strides = array<i32>} : memref<256xi32, #tpu.memory_space<vmem>>, vector<16xi32>,
      %reduce_sum3A_561 = arith.constant true
      %reduce_sum3A_562 = vector.broadcast %reduce_sum3A_561 : i1 to vector<16xi1>
      %reduce_sum3A_563 = tpu.scan <sum>, %get3A_552 masked %reduce_sum3A_562 : vector<16xi32>, vector<16xi1> -> vector<16xi32>
      %reduce_sum3A_564 = vector.extract %reduce_sum3A_563[15] : i32 from vector<16xi32>
      %add3A_565 = arith.addi %add3A_550, %reduce_sum3A_564 : i32
      %get3A_566 = arith.constant 176 : index
      %get3A_567 = tpu.vector_load %arg13[%get3A_566] {strides = array<i32>} : memref<256xi32, #tpu.memory_space<vmem>>, vector<16xi32>,
      %broadcast_in_dim3A_568 = arith.constant true
      %broadcast_in_dim3A_569 = vector.broadcast %broadcast_in_dim3A_568 : i1 to vector<16xi1>
      %masked_cumsum3A_570 = tpu.scan <sum>, %get3A_567 masked %broadcast_in_dim3A_569 : vector<16xi32>, vector<16xi1> -> vector<16xi32>
      %sub3A_571 = arith.subi %masked_cumsum3A_570, %get3A_567 : vector<16xi32>
      %add3A_572 = vector.broadcast %add3A_565 : i32 to vector<16xi32>
      %add3A_573 = arith.addi %sub3A_571, %add3A_572 : vector<16xi32>
      %swap3A_574 = arith.constant 176 : index
      %swap3A_575 = tpu.vector_load %arg13[%swap3A_574] {strides = array<i32>} : memref<256xi32, #tpu.memory_space<vmem>>, vector<16xi32>,
      tpu.vector_store %arg13[%swap3A_574], %add3A_573 {strides = array<i32>} : memref<256xi32, #tpu.memory_space<vmem>>, vector<16xi32>,
      %reduce_sum3A_576 = arith.constant true
      %reduce_sum3A_577 = vector.broadcast %reduce_sum3A_576 : i1 to vector<16xi1>
      %reduce_sum3A_578 = tpu.scan <sum>, %get3A_567 masked %reduce_sum3A_577 : vector<16xi32>, vector<16xi1> -> vector<16xi32>
      %reduce_sum3A_579 = vector.extract %reduce_sum3A_578[15] : i32 from vector<16xi32>
      %add3A_580 = arith.addi %add3A_565, %reduce_sum3A_579 : i32
      %get3A_581 = arith.constant 192 : index
      %get3A_582 = tpu.vector_load %arg13[%get3A_581] {strides = array<i32>} : memref<256xi32, #tpu.memory_space<vmem>>, vector<16xi32>,
      %broadcast_in_dim3A_583 = arith.constant true
      %broadcast_in_dim3A_584 = vector.broadcast %broadcast_in_dim3A_583 : i1 to vector<16xi1>
      %masked_cumsum3A_585 = tpu.scan <sum>, %get3A_582 masked %broadcast_in_dim3A_584 : vector<16xi32>, vector<16xi1> -> vector<16xi32>
      %sub3A_586 = arith.subi %masked_cumsum3A_585, %get3A_582 : vector<16xi32>
      %add3A_587 = vector.broadcast %add3A_580 : i32 to vector<16xi32>
      %add3A_588 = arith.addi %sub3A_586, %add3A_587 : vector<16xi32>
      %swap3A_589 = arith.constant 192 : index
      %swap3A_590 = tpu.vector_load %arg13[%swap3A_589] {strides = array<i32>} : memref<256xi32, #tpu.memory_space<vmem>>, vector<16xi32>,
      tpu.vector_store %arg13[%swap3A_589], %add3A_588 {strides = array<i32>} : memref<256xi32, #tpu.memory_space<vmem>>, vector<16xi32>,
      %reduce_sum3A_591 = arith.constant true
      %reduce_sum3A_592 = vector.broadcast %reduce_sum3A_591 : i1 to vector<16xi1>
      %reduce_sum3A_593 = tpu.scan <sum>, %get3A_582 masked %reduce_sum3A_592 : vector<16xi32>, vector<16xi1> -> vector<16xi32>
      %reduce_sum3A_594 = vector.extract %reduce_sum3A_593[15] : i32 from vector<16xi32>
      %add3A_595 = arith.addi %add3A_580, %reduce_sum3A_594 : i32
      %get3A_596 = arith.constant 208 : index
      %get3A_597 = tpu.vector_load %arg13[%get3A_596] {strides = array<i32>} : memref<256xi32, #tpu.memory_space<vmem>>, vector<16xi32>,
      %broadcast_in_dim3A_598 = arith.constant true
      %broadcast_in_dim3A_599 = vector.broadcast %broadcast_in_dim3A_598 : i1 to vector<16xi1>
      %masked_cumsum3A_600 = tpu.scan <sum>, %get3A_597 masked %broadcast_in_dim3A_599 : vector<16xi32>, vector<16xi1> -> vector<16xi32>
      %sub3A_601 = arith.subi %masked_cumsum3A_600, %get3A_597 : vector<16xi32>
      %add3A_602 = vector.broadcast %add3A_595 : i32 to vector<16xi32>
      %add3A_603 = arith.addi %sub3A_601, %add3A_602 : vector<16xi32>
      %swap3A_604 = arith.constant 208 : index
      %swap3A_605 = tpu.vector_load %arg13[%swap3A_604] {strides = array<i32>} : memref<256xi32, #tpu.memory_space<vmem>>, vector<16xi32>,
      tpu.vector_store %arg13[%swap3A_604], %add3A_603 {strides = array<i32>} : memref<256xi32, #tpu.memory_space<vmem>>, vector<16xi32>,
      %reduce_sum3A_606 = arith.constant true
      %reduce_sum3A_607 = vector.broadcast %reduce_sum3A_606 : i1 to vector<16xi1>
      %reduce_sum3A_608 = tpu.scan <sum>, %get3A_597 masked %reduce_sum3A_607 : vector<16xi32>, vector<16xi1> -> vector<16xi32>
      %reduce_sum3A_609 = vector.extract %reduce_sum3A_608[15] : i32 from vector<16xi32>
      %add3A_610 = arith.addi %add3A_595, %reduce_sum3A_609 : i32
      %get3A_611 = arith.constant 224 : index
      %get3A_612 = tpu.vector_load %arg13[%get3A_611] {strides = array<i32>} : memref<256xi32, #tpu.memory_space<vmem>>, vector<16xi32>,
      %broadcast_in_dim3A_613 = arith.constant true
      %broadcast_in_dim3A_614 = vector.broadcast %broadcast_in_dim3A_613 : i1 to vector<16xi1>
      %masked_cumsum3A_615 = tpu.scan <sum>, %get3A_612 masked %broadcast_in_dim3A_614 : vector<16xi32>, vector<16xi1> -> vector<16xi32>
      %sub3A_616 = arith.subi %masked_cumsum3A_615, %get3A_612 : vector<16xi32>
      %add3A_617 = vector.broadcast %add3A_610 : i32 to vector<16xi32>
      %add3A_618 = arith.addi %sub3A_616, %add3A_617 : vector<16xi32>
      %swap3A_619 = arith.constant 224 : index
      %swap3A_620 = tpu.vector_load %arg13[%swap3A_619] {strides = array<i32>} : memref<256xi32, #tpu.memory_space<vmem>>, vector<16xi32>,
      tpu.vector_store %arg13[%swap3A_619], %add3A_618 {strides = array<i32>} : memref<256xi32, #tpu.memory_space<vmem>>, vector<16xi32>,
      %reduce_sum3A_621 = arith.constant true
      %reduce_sum3A_622 = vector.broadcast %reduce_sum3A_621 : i1 to vector<16xi1>
      %reduce_sum3A_623 = tpu.scan <sum>, %get3A_612 masked %reduce_sum3A_622 : vector<16xi32>, vector<16xi1> -> vector<16xi32>
      %reduce_sum3A_624 = vector.extract %reduce_sum3A_623[15] : i32 from vector<16xi32>
      %add3A_625 = arith.addi %add3A_610, %reduce_sum3A_624 : i32
      %get3A_626 = arith.constant 240 : index
      %get3A_627 = tpu.vector_load %arg13[%get3A_626] {strides = array<i32>} : memref<256xi32, #tpu.memory_space<vmem>>, vector<16xi32>,
      %broadcast_in_dim3A_628 = arith.constant true
      %broadcast_in_dim3A_629 = vector.broadcast %broadcast_in_dim3A_628 : i1 to vector<16xi1>
      %masked_cumsum3A_630 = tpu.scan <sum>, %get3A_627 masked %broadcast_in_dim3A_629 : vector<16xi32>, vector<16xi1> -> vector<16xi32>
      %sub3A_631 = arith.subi %masked_cumsum3A_630, %get3A_627 : vector<16xi32>
      %add3A_632 = vector.broadcast %add3A_625 : i32 to vector<16xi32>
      %add3A_633 = arith.addi %sub3A_631, %add3A_632 : vector<16xi32>
      %swap3A_634 = arith.constant 240 : index
      %swap3A_635 = tpu.vector_load %arg13[%swap3A_634] {strides = array<i32>} : memref<256xi32, #tpu.memory_space<vmem>>, vector<16xi32>,
      tpu.vector_store %arg13[%swap3A_634], %add3A_633 {strides = array<i32>} : memref<256xi32, #tpu.memory_space<vmem>>, vector<16xi32>,
      %reduce_sum3A_636 = arith.constant true
      %reduce_sum3A_637 = vector.broadcast %reduce_sum3A_636 : i1 to vector<16xi1>
      %reduce_sum3A_638 = tpu.scan <sum>, %get3A_627 masked %reduce_sum3A_637 : vector<16xi32>, vector<16xi1> -> vector<16xi32>
      %reduce_sum3A_639 = vector.extract %reduce_sum3A_638[15] : i32 from vector<16xi32>
      %add3A_640 = arith.addi %add3A_625, %reduce_sum3A_639 : i32
      %scan3A_641 = arith.constant 0 : i32
      %scan3A_642 = arith.constant 0 : i32
      %scan3A_643 = arith.constant 512 : i32
      %scan3A_644 = arith.addi %scan3A_642, %scan3A_643 : i32
      %scan3A_645 = arith.constant 1 : i32
      %scan3A_646 = scf.for %scan3A_1296 = %scan3A_642 to %scan3A_644 step %scan3A_645 iter_args(%scan3A_1297 = %scan3A_641) -> (i32)  : i32 {
        %mul3A_1298 = arith.constant 16 : i32
        %mul3A_1299 = arith.muli %scan3A_1296, %mul3A_1298 : i32
        %get3A_1300 = arith.index_cast %mul3A_1299 : i32 to index
        %get3A_1301 = tpu.vector_load %arg8[%get3A_1300] {strides = array<i32>} : memref<8192xi32, #tpu.memory_space<vmem>>, vector<16xi32>,
        %mul3A_1302 = arith.constant 16 : i32
        %mul3A_1303 = arith.muli %scan3A_1296, %mul3A_1302 : i32
        %get3A_1304 = arith.index_cast %mul3A_1303 : i32 to index
        %get3A_1305 = tpu.vector_load %arg10[%get3A_1304] {strides = array<i32>} : memref<8192xi32, #tpu.memory_space<vmem>>, vector<16xi32>,
        %shift_right_logical3A = arith.constant 8 : i32
        %shift_right_logical3A_1306 = vector.broadcast %shift_right_logical3A : i32 to vector<16xi32>
        %shift_right_logical3A_1307 = arith.shrui %get3A_1301, %shift_right_logical3A_1306 : vector<16xi32>
        %and3A = arith.constant 255 : i32
        %and3A_1308 = vector.broadcast %and3A : i32 to vector<16xi32>
        %and3A_1309 = arith.andi %shift_right_logical3A_1307, %and3A_1308 : vector<16xi32>
        %gather3A = tpu.vector_load_idx %arg13[%and3A_1309] : memref<256xi32, #tpu.memory_space<vmem>>[vector<16xi32>], vector<16xi32>,
        %broadcast_in_dim3A_1310 = arith.constant true
        %broadcast_in_dim3A_1311 = vector.broadcast %broadcast_in_dim3A_1310 : i1 to vector<16xi1>
        %unique3A, %unique3A_1312 = tpu.scan_count mask(%broadcast_in_dim3A_1311 : vector<16xi1>) value(%and3A_1309 : vector<16xi32>) : vector<16xi1>, vector<16xi32>
        %add3A_1313 = arith.addi %gather3A, %unique3A_1312 : vector<16xi32>
        %sub3A_1314 = arith.constant 1 : i32
        %sub3A_1315 = vector.broadcast %sub3A_1314 : i32 to vector<16xi32>
        %sub3A_1316 = arith.subi %add3A_1313, %sub3A_1315 : vector<16xi32>
        tpu.vector_store_idx %arg7[%sub3A_1316], %get3A_1301 : memref<8192xi32, #tpu.memory_space<vmem>>[vector<16xi32>], vector<16xi32>,
        tpu.vector_store_idx %arg9[%sub3A_1316], %get3A_1305 : memref<8192xi32, #tpu.memory_space<vmem>>[vector<16xi32>], vector<16xi32>,
        tpu.vector_store_idx %arg13[%and3A_1309], %unique3A_1312 masked %unique3A {add = true} : memref<256xi32, #tpu.memory_space<vmem>>[vector<16xi32>], vector<16xi32>, vector<16xi1>
        %scan3A_1317 = arith.constant 0 : i32
        scf.yield %scan3A_1317 : i32
      }
      %scan3A_647 = arith.constant 512 : i32
      %broadcast_in_dim3A_648 = arith.constant 0 : i32
      %broadcast_in_dim3A_649 = vector.broadcast %broadcast_in_dim3A_648 : i32 to vector<16xi32>
      %swap3A_650 = arith.constant 0 : index
      %swap3A_651 = tpu.vector_load %arg13[%swap3A_650] {strides = array<i32>} : memref<256xi32, #tpu.memory_space<vmem>>, vector<16xi32>,
      tpu.vector_store %arg13[%swap3A_650], %broadcast_in_dim3A_649 {strides = array<i32>} : memref<256xi32, #tpu.memory_space<vmem>>, vector<16xi32>,
      %broadcast_in_dim3A_652 = arith.constant 0 : i32
      %broadcast_in_dim3A_653 = vector.broadcast %broadcast_in_dim3A_652 : i32 to vector<16xi32>
      %swap3A_654 = arith.constant 16 : index
      %swap3A_655 = tpu.vector_load %arg13[%swap3A_654] {strides = array<i32>} : memref<256xi32, #tpu.memory_space<vmem>>, vector<16xi32>,
      tpu.vector_store %arg13[%swap3A_654], %broadcast_in_dim3A_653 {strides = array<i32>} : memref<256xi32, #tpu.memory_space<vmem>>, vector<16xi32>,
      %broadcast_in_dim3A_656 = arith.constant 0 : i32
      %broadcast_in_dim3A_657 = vector.broadcast %broadcast_in_dim3A_656 : i32 to vector<16xi32>
      %swap3A_658 = arith.constant 32 : index
      %swap3A_659 = tpu.vector_load %arg13[%swap3A_658] {strides = array<i32>} : memref<256xi32, #tpu.memory_space<vmem>>, vector<16xi32>,
      tpu.vector_store %arg13[%swap3A_658], %broadcast_in_dim3A_657 {strides = array<i32>} : memref<256xi32, #tpu.memory_space<vmem>>, vector<16xi32>,
      %broadcast_in_dim3A_660 = arith.constant 0 : i32
      %broadcast_in_dim3A_661 = vector.broadcast %broadcast_in_dim3A_660 : i32 to vector<16xi32>
      %swap3A_662 = arith.constant 48 : index
      %swap3A_663 = tpu.vector_load %arg13[%swap3A_662] {strides = array<i32>} : memref<256xi32, #tpu.memory_space<vmem>>, vector<16xi32>,
      tpu.vector_store %arg13[%swap3A_662], %broadcast_in_dim3A_661 {strides = array<i32>} : memref<256xi32, #tpu.memory_space<vmem>>, vector<16xi32>,
      %broadcast_in_dim3A_664 = arith.constant 0 : i32
      %broadcast_in_dim3A_665 = vector.broadcast %broadcast_in_dim3A_664 : i32 to vector<16xi32>
      %swap3A_666 = arith.constant 64 : index
      %swap3A_667 = tpu.vector_load %arg13[%swap3A_666] {strides = array<i32>} : memref<256xi32, #tpu.memory_space<vmem>>, vector<16xi32>,
      tpu.vector_store %arg13[%swap3A_666], %broadcast_in_dim3A_665 {strides = array<i32>} : memref<256xi32, #tpu.memory_space<vmem>>, vector<16xi32>,
      %broadcast_in_dim3A_668 = arith.constant 0 : i32
      %broadcast_in_dim3A_669 = vector.broadcast %broadcast_in_dim3A_668 : i32 to vector<16xi32>
      %swap3A_670 = arith.constant 80 : index
      %swap3A_671 = tpu.vector_load %arg13[%swap3A_670] {strides = array<i32>} : memref<256xi32, #tpu.memory_space<vmem>>, vector<16xi32>,
      tpu.vector_store %arg13[%swap3A_670], %broadcast_in_dim3A_669 {strides = array<i32>} : memref<256xi32, #tpu.memory_space<vmem>>, vector<16xi32>,
      %broadcast_in_dim3A_672 = arith.constant 0 : i32
      %broadcast_in_dim3A_673 = vector.broadcast %broadcast_in_dim3A_672 : i32 to vector<16xi32>
      %swap3A_674 = arith.constant 96 : index
      %swap3A_675 = tpu.vector_load %arg13[%swap3A_674] {strides = array<i32>} : memref<256xi32, #tpu.memory_space<vmem>>, vector<16xi32>,
      tpu.vector_store %arg13[%swap3A_674], %broadcast_in_dim3A_673 {strides = array<i32>} : memref<256xi32, #tpu.memory_space<vmem>>, vector<16xi32>,
      %broadcast_in_dim3A_676 = arith.constant 0 : i32
      %broadcast_in_dim3A_677 = vector.broadcast %broadcast_in_dim3A_676 : i32 to vector<16xi32>
      %swap3A_678 = arith.constant 112 : index
      %swap3A_679 = tpu.vector_load %arg13[%swap3A_678] {strides = array<i32>} : memref<256xi32, #tpu.memory_space<vmem>>, vector<16xi32>,
      tpu.vector_store %arg13[%swap3A_678], %broadcast_in_dim3A_677 {strides = array<i32>} : memref<256xi32, #tpu.memory_space<vmem>>, vector<16xi32>,
      %broadcast_in_dim3A_680 = arith.constant 0 : i32
      %broadcast_in_dim3A_681 = vector.broadcast %broadcast_in_dim3A_680 : i32 to vector<16xi32>
      %swap3A_682 = arith.constant 128 : index
      %swap3A_683 = tpu.vector_load %arg13[%swap3A_682] {strides = array<i32>} : memref<256xi32, #tpu.memory_space<vmem>>, vector<16xi32>,
      tpu.vector_store %arg13[%swap3A_682], %broadcast_in_dim3A_681 {strides = array<i32>} : memref<256xi32, #tpu.memory_space<vmem>>, vector<16xi32>,
      %broadcast_in_dim3A_684 = arith.constant 0 : i32
      %broadcast_in_dim3A_685 = vector.broadcast %broadcast_in_dim3A_684 : i32 to vector<16xi32>
      %swap3A_686 = arith.constant 144 : index
      %swap3A_687 = tpu.vector_load %arg13[%swap3A_686] {strides = array<i32>} : memref<256xi32, #tpu.memory_space<vmem>>, vector<16xi32>,
      tpu.vector_store %arg13[%swap3A_686], %broadcast_in_dim3A_685 {strides = array<i32>} : memref<256xi32, #tpu.memory_space<vmem>>, vector<16xi32>,
      %broadcast_in_dim3A_688 = arith.constant 0 : i32
      %broadcast_in_dim3A_689 = vector.broadcast %broadcast_in_dim3A_688 : i32 to vector<16xi32>
      %swap3A_690 = arith.constant 160 : index
      %swap3A_691 = tpu.vector_load %arg13[%swap3A_690] {strides = array<i32>} : memref<256xi32, #tpu.memory_space<vmem>>, vector<16xi32>,
      tpu.vector_store %arg13[%swap3A_690], %broadcast_in_dim3A_689 {strides = array<i32>} : memref<256xi32, #tpu.memory_space<vmem>>, vector<16xi32>,
      %broadcast_in_dim3A_692 = arith.constant 0 : i32
      %broadcast_in_dim3A_693 = vector.broadcast %broadcast_in_dim3A_692 : i32 to vector<16xi32>
      %swap3A_694 = arith.constant 176 : index
      %swap3A_695 = tpu.vector_load %arg13[%swap3A_694] {strides = array<i32>} : memref<256xi32, #tpu.memory_space<vmem>>, vector<16xi32>,
      tpu.vector_store %arg13[%swap3A_694], %broadcast_in_dim3A_693 {strides = array<i32>} : memref<256xi32, #tpu.memory_space<vmem>>, vector<16xi32>,
      %broadcast_in_dim3A_696 = arith.constant 0 : i32
      %broadcast_in_dim3A_697 = vector.broadcast %broadcast_in_dim3A_696 : i32 to vector<16xi32>
      %swap3A_698 = arith.constant 192 : index
      %swap3A_699 = tpu.vector_load %arg13[%swap3A_698] {strides = array<i32>} : memref<256xi32, #tpu.memory_space<vmem>>, vector<16xi32>,
      tpu.vector_store %arg13[%swap3A_698], %broadcast_in_dim3A_697 {strides = array<i32>} : memref<256xi32, #tpu.memory_space<vmem>>, vector<16xi32>,
      %broadcast_in_dim3A_700 = arith.constant 0 : i32
      %broadcast_in_dim3A_701 = vector.broadcast %broadcast_in_dim3A_700 : i32 to vector<16xi32>
      %swap3A_702 = arith.constant 208 : index
      %swap3A_703 = tpu.vector_load %arg13[%swap3A_702] {strides = array<i32>} : memref<256xi32, #tpu.memory_space<vmem>>, vector<16xi32>,
      tpu.vector_store %arg13[%swap3A_702], %broadcast_in_dim3A_701 {strides = array<i32>} : memref<256xi32, #tpu.memory_space<vmem>>, vector<16xi32>,
      %broadcast_in_dim3A_704 = arith.constant 0 : i32
      %broadcast_in_dim3A_705 = vector.broadcast %broadcast_in_dim3A_704 : i32 to vector<16xi32>
      %swap3A_706 = arith.constant 224 : index
      %swap3A_707 = tpu.vector_load %arg13[%swap3A_706] {strides = array<i32>} : memref<256xi32, #tpu.memory_space<vmem>>, vector<16xi32>,
      tpu.vector_store %arg13[%swap3A_706], %broadcast_in_dim3A_705 {strides = array<i32>} : memref<256xi32, #tpu.memory_space<vmem>>, vector<16xi32>,
      %broadcast_in_dim3A_708 = arith.constant 0 : i32
      %broadcast_in_dim3A_709 = vector.broadcast %broadcast_in_dim3A_708 : i32 to vector<16xi32>
      %swap3A_710 = arith.constant 240 : index
      %swap3A_711 = tpu.vector_load %arg13[%swap3A_710] {strides = array<i32>} : memref<256xi32, #tpu.memory_space<vmem>>, vector<16xi32>,
      tpu.vector_store %arg13[%swap3A_710], %broadcast_in_dim3A_709 {strides = array<i32>} : memref<256xi32, #tpu.memory_space<vmem>>, vector<16xi32>,
      %scan3A_712 = arith.constant 0 : i32
      %scan3A_713 = arith.constant 0 : i32
      %scan3A_714 = arith.constant 512 : i32
      %scan3A_715 = arith.addi %scan3A_713, %scan3A_714 : i32
      %scan3A_716 = arith.constant 1 : i32
      %scan3A_717 = scf.for %scan3A_1296 = %scan3A_713 to %scan3A_715 step %scan3A_716 iter_args(%scan3A_1297 = %scan3A_712) -> (i32)  : i32 {
        %mul3A_1298 = arith.constant 16 : i32
        %mul3A_1299 = arith.muli %scan3A_1296, %mul3A_1298 : i32
        %get3A_1300 = arith.index_cast %mul3A_1299 : i32 to index
        %get3A_1301 = tpu.vector_load %arg7[%get3A_1300] {strides = array<i32>} : memref<8192xi32, #tpu.memory_space<vmem>>, vector<16xi32>,
        %shift_right_logical3A = arith.constant 16 : i32
        %shift_right_logical3A_1302 = vector.broadcast %shift_right_logical3A : i32 to vector<16xi32>
        %shift_right_logical3A_1303 = arith.shrui %get3A_1301, %shift_right_logical3A_1302 : vector<16xi32>
        %and3A = arith.constant 255 : i32
        %and3A_1304 = vector.broadcast %and3A : i32 to vector<16xi32>
        %and3A_1305 = arith.andi %shift_right_logical3A_1303, %and3A_1304 : vector<16xi32>
        tpu.vector_store_idx %arg13[%and3A_1305], %broadcast_in_dim3A_1 {add = true} : memref<256xi32, #tpu.memory_space<vmem>>[vector<16xi32>], vector<16xi32>,
        %scan3A_1306 = arith.constant 0 : i32
        scf.yield %scan3A_1306 : i32
      }
      %scan3A_718 = arith.constant 512 : i32
      %get3A_719 = arith.constant 0 : index
      %get3A_720 = tpu.vector_load %arg13[%get3A_719] {strides = array<i32>} : memref<256xi32, #tpu.memory_space<vmem>>, vector<16xi32>,
      %broadcast_in_dim3A_721 = arith.constant true
      %broadcast_in_dim3A_722 = vector.broadcast %broadcast_in_dim3A_721 : i1 to vector<16xi1>
      %masked_cumsum3A_723 = tpu.scan <sum>, %get3A_720 masked %broadcast_in_dim3A_722 : vector<16xi32>, vector<16xi1> -> vector<16xi32>
      %sub3A_724 = arith.subi %masked_cumsum3A_723, %get3A_720 : vector<16xi32>
      %add3A_725 = arith.constant 0 : i32
      %add3A_726 = vector.broadcast %add3A_725 : i32 to vector<16xi32>
      %add3A_727 = arith.addi %sub3A_724, %add3A_726 : vector<16xi32>
      %swap3A_728 = arith.constant 0 : index
      %swap3A_729 = tpu.vector_load %arg13[%swap3A_728] {strides = array<i32>} : memref<256xi32, #tpu.memory_space<vmem>>, vector<16xi32>,
      tpu.vector_store %arg13[%swap3A_728], %add3A_727 {strides = array<i32>} : memref<256xi32, #tpu.memory_space<vmem>>, vector<16xi32>,
      %reduce_sum3A_730 = arith.constant true
      %reduce_sum3A_731 = vector.broadcast %reduce_sum3A_730 : i1 to vector<16xi1>
      %reduce_sum3A_732 = tpu.scan <sum>, %get3A_720 masked %reduce_sum3A_731 : vector<16xi32>, vector<16xi1> -> vector<16xi32>
      %reduce_sum3A_733 = vector.extract %reduce_sum3A_732[15] : i32 from vector<16xi32>
      %add3A_734 = arith.constant 0 : i32
      %add3A_735 = arith.addi %add3A_734, %reduce_sum3A_733 : i32
      %get3A_736 = arith.constant 16 : index
      %get3A_737 = tpu.vector_load %arg13[%get3A_736] {strides = array<i32>} : memref<256xi32, #tpu.memory_space<vmem>>, vector<16xi32>,
      %broadcast_in_dim3A_738 = arith.constant true
      %broadcast_in_dim3A_739 = vector.broadcast %broadcast_in_dim3A_738 : i1 to vector<16xi1>
      %masked_cumsum3A_740 = tpu.scan <sum>, %get3A_737 masked %broadcast_in_dim3A_739 : vector<16xi32>, vector<16xi1> -> vector<16xi32>
      %sub3A_741 = arith.subi %masked_cumsum3A_740, %get3A_737 : vector<16xi32>
      %add3A_742 = vector.broadcast %add3A_735 : i32 to vector<16xi32>
      %add3A_743 = arith.addi %sub3A_741, %add3A_742 : vector<16xi32>
      %swap3A_744 = arith.constant 16 : index
      %swap3A_745 = tpu.vector_load %arg13[%swap3A_744] {strides = array<i32>} : memref<256xi32, #tpu.memory_space<vmem>>, vector<16xi32>,
      tpu.vector_store %arg13[%swap3A_744], %add3A_743 {strides = array<i32>} : memref<256xi32, #tpu.memory_space<vmem>>, vector<16xi32>,
      %reduce_sum3A_746 = arith.constant true
      %reduce_sum3A_747 = vector.broadcast %reduce_sum3A_746 : i1 to vector<16xi1>
      %reduce_sum3A_748 = tpu.scan <sum>, %get3A_737 masked %reduce_sum3A_747 : vector<16xi32>, vector<16xi1> -> vector<16xi32>
      %reduce_sum3A_749 = vector.extract %reduce_sum3A_748[15] : i32 from vector<16xi32>
      %add3A_750 = arith.addi %add3A_735, %reduce_sum3A_749 : i32
      %get3A_751 = arith.constant 32 : index
      %get3A_752 = tpu.vector_load %arg13[%get3A_751] {strides = array<i32>} : memref<256xi32, #tpu.memory_space<vmem>>, vector<16xi32>,
      %broadcast_in_dim3A_753 = arith.constant true
      %broadcast_in_dim3A_754 = vector.broadcast %broadcast_in_dim3A_753 : i1 to vector<16xi1>
      %masked_cumsum3A_755 = tpu.scan <sum>, %get3A_752 masked %broadcast_in_dim3A_754 : vector<16xi32>, vector<16xi1> -> vector<16xi32>
      %sub3A_756 = arith.subi %masked_cumsum3A_755, %get3A_752 : vector<16xi32>
      %add3A_757 = vector.broadcast %add3A_750 : i32 to vector<16xi32>
      %add3A_758 = arith.addi %sub3A_756, %add3A_757 : vector<16xi32>
      %swap3A_759 = arith.constant 32 : index
      %swap3A_760 = tpu.vector_load %arg13[%swap3A_759] {strides = array<i32>} : memref<256xi32, #tpu.memory_space<vmem>>, vector<16xi32>,
      tpu.vector_store %arg13[%swap3A_759], %add3A_758 {strides = array<i32>} : memref<256xi32, #tpu.memory_space<vmem>>, vector<16xi32>,
      %reduce_sum3A_761 = arith.constant true
      %reduce_sum3A_762 = vector.broadcast %reduce_sum3A_761 : i1 to vector<16xi1>
      %reduce_sum3A_763 = tpu.scan <sum>, %get3A_752 masked %reduce_sum3A_762 : vector<16xi32>, vector<16xi1> -> vector<16xi32>
      %reduce_sum3A_764 = vector.extract %reduce_sum3A_763[15] : i32 from vector<16xi32>
      %add3A_765 = arith.addi %add3A_750, %reduce_sum3A_764 : i32
      %get3A_766 = arith.constant 48 : index
      %get3A_767 = tpu.vector_load %arg13[%get3A_766] {strides = array<i32>} : memref<256xi32, #tpu.memory_space<vmem>>, vector<16xi32>,
      %broadcast_in_dim3A_768 = arith.constant true
      %broadcast_in_dim3A_769 = vector.broadcast %broadcast_in_dim3A_768 : i1 to vector<16xi1>
      %masked_cumsum3A_770 = tpu.scan <sum>, %get3A_767 masked %broadcast_in_dim3A_769 : vector<16xi32>, vector<16xi1> -> vector<16xi32>
      %sub3A_771 = arith.subi %masked_cumsum3A_770, %get3A_767 : vector<16xi32>
      %add3A_772 = vector.broadcast %add3A_765 : i32 to vector<16xi32>
      %add3A_773 = arith.addi %sub3A_771, %add3A_772 : vector<16xi32>
      %swap3A_774 = arith.constant 48 : index
      %swap3A_775 = tpu.vector_load %arg13[%swap3A_774] {strides = array<i32>} : memref<256xi32, #tpu.memory_space<vmem>>, vector<16xi32>,
      tpu.vector_store %arg13[%swap3A_774], %add3A_773 {strides = array<i32>} : memref<256xi32, #tpu.memory_space<vmem>>, vector<16xi32>,
      %reduce_sum3A_776 = arith.constant true
      %reduce_sum3A_777 = vector.broadcast %reduce_sum3A_776 : i1 to vector<16xi1>
      %reduce_sum3A_778 = tpu.scan <sum>, %get3A_767 masked %reduce_sum3A_777 : vector<16xi32>, vector<16xi1> -> vector<16xi32>
      %reduce_sum3A_779 = vector.extract %reduce_sum3A_778[15] : i32 from vector<16xi32>
      %add3A_780 = arith.addi %add3A_765, %reduce_sum3A_779 : i32
      %get3A_781 = arith.constant 64 : index
      %get3A_782 = tpu.vector_load %arg13[%get3A_781] {strides = array<i32>} : memref<256xi32, #tpu.memory_space<vmem>>, vector<16xi32>,
      %broadcast_in_dim3A_783 = arith.constant true
      %broadcast_in_dim3A_784 = vector.broadcast %broadcast_in_dim3A_783 : i1 to vector<16xi1>
      %masked_cumsum3A_785 = tpu.scan <sum>, %get3A_782 masked %broadcast_in_dim3A_784 : vector<16xi32>, vector<16xi1> -> vector<16xi32>
      %sub3A_786 = arith.subi %masked_cumsum3A_785, %get3A_782 : vector<16xi32>
      %add3A_787 = vector.broadcast %add3A_780 : i32 to vector<16xi32>
      %add3A_788 = arith.addi %sub3A_786, %add3A_787 : vector<16xi32>
      %swap3A_789 = arith.constant 64 : index
      %swap3A_790 = tpu.vector_load %arg13[%swap3A_789] {strides = array<i32>} : memref<256xi32, #tpu.memory_space<vmem>>, vector<16xi32>,
      tpu.vector_store %arg13[%swap3A_789], %add3A_788 {strides = array<i32>} : memref<256xi32, #tpu.memory_space<vmem>>, vector<16xi32>,
      %reduce_sum3A_791 = arith.constant true
      %reduce_sum3A_792 = vector.broadcast %reduce_sum3A_791 : i1 to vector<16xi1>
      %reduce_sum3A_793 = tpu.scan <sum>, %get3A_782 masked %reduce_sum3A_792 : vector<16xi32>, vector<16xi1> -> vector<16xi32>
      %reduce_sum3A_794 = vector.extract %reduce_sum3A_793[15] : i32 from vector<16xi32>
      %add3A_795 = arith.addi %add3A_780, %reduce_sum3A_794 : i32
      %get3A_796 = arith.constant 80 : index
      %get3A_797 = tpu.vector_load %arg13[%get3A_796] {strides = array<i32>} : memref<256xi32, #tpu.memory_space<vmem>>, vector<16xi32>,
      %broadcast_in_dim3A_798 = arith.constant true
      %broadcast_in_dim3A_799 = vector.broadcast %broadcast_in_dim3A_798 : i1 to vector<16xi1>
      %masked_cumsum3A_800 = tpu.scan <sum>, %get3A_797 masked %broadcast_in_dim3A_799 : vector<16xi32>, vector<16xi1> -> vector<16xi32>
      %sub3A_801 = arith.subi %masked_cumsum3A_800, %get3A_797 : vector<16xi32>
      %add3A_802 = vector.broadcast %add3A_795 : i32 to vector<16xi32>
      %add3A_803 = arith.addi %sub3A_801, %add3A_802 : vector<16xi32>
      %swap3A_804 = arith.constant 80 : index
      %swap3A_805 = tpu.vector_load %arg13[%swap3A_804] {strides = array<i32>} : memref<256xi32, #tpu.memory_space<vmem>>, vector<16xi32>,
      tpu.vector_store %arg13[%swap3A_804], %add3A_803 {strides = array<i32>} : memref<256xi32, #tpu.memory_space<vmem>>, vector<16xi32>,
      %reduce_sum3A_806 = arith.constant true
      %reduce_sum3A_807 = vector.broadcast %reduce_sum3A_806 : i1 to vector<16xi1>
      %reduce_sum3A_808 = tpu.scan <sum>, %get3A_797 masked %reduce_sum3A_807 : vector<16xi32>, vector<16xi1> -> vector<16xi32>
      %reduce_sum3A_809 = vector.extract %reduce_sum3A_808[15] : i32 from vector<16xi32>
      %add3A_810 = arith.addi %add3A_795, %reduce_sum3A_809 : i32
      %get3A_811 = arith.constant 96 : index
      %get3A_812 = tpu.vector_load %arg13[%get3A_811] {strides = array<i32>} : memref<256xi32, #tpu.memory_space<vmem>>, vector<16xi32>,
      %broadcast_in_dim3A_813 = arith.constant true
      %broadcast_in_dim3A_814 = vector.broadcast %broadcast_in_dim3A_813 : i1 to vector<16xi1>
      %masked_cumsum3A_815 = tpu.scan <sum>, %get3A_812 masked %broadcast_in_dim3A_814 : vector<16xi32>, vector<16xi1> -> vector<16xi32>
      %sub3A_816 = arith.subi %masked_cumsum3A_815, %get3A_812 : vector<16xi32>
      %add3A_817 = vector.broadcast %add3A_810 : i32 to vector<16xi32>
      %add3A_818 = arith.addi %sub3A_816, %add3A_817 : vector<16xi32>
      %swap3A_819 = arith.constant 96 : index
      %swap3A_820 = tpu.vector_load %arg13[%swap3A_819] {strides = array<i32>} : memref<256xi32, #tpu.memory_space<vmem>>, vector<16xi32>,
      tpu.vector_store %arg13[%swap3A_819], %add3A_818 {strides = array<i32>} : memref<256xi32, #tpu.memory_space<vmem>>, vector<16xi32>,
      %reduce_sum3A_821 = arith.constant true
      %reduce_sum3A_822 = vector.broadcast %reduce_sum3A_821 : i1 to vector<16xi1>
      %reduce_sum3A_823 = tpu.scan <sum>, %get3A_812 masked %reduce_sum3A_822 : vector<16xi32>, vector<16xi1> -> vector<16xi32>
      %reduce_sum3A_824 = vector.extract %reduce_sum3A_823[15] : i32 from vector<16xi32>
      %add3A_825 = arith.addi %add3A_810, %reduce_sum3A_824 : i32
      %get3A_826 = arith.constant 112 : index
      %get3A_827 = tpu.vector_load %arg13[%get3A_826] {strides = array<i32>} : memref<256xi32, #tpu.memory_space<vmem>>, vector<16xi32>,
      %broadcast_in_dim3A_828 = arith.constant true
      %broadcast_in_dim3A_829 = vector.broadcast %broadcast_in_dim3A_828 : i1 to vector<16xi1>
      %masked_cumsum3A_830 = tpu.scan <sum>, %get3A_827 masked %broadcast_in_dim3A_829 : vector<16xi32>, vector<16xi1> -> vector<16xi32>
      %sub3A_831 = arith.subi %masked_cumsum3A_830, %get3A_827 : vector<16xi32>
      %add3A_832 = vector.broadcast %add3A_825 : i32 to vector<16xi32>
      %add3A_833 = arith.addi %sub3A_831, %add3A_832 : vector<16xi32>
      %swap3A_834 = arith.constant 112 : index
      %swap3A_835 = tpu.vector_load %arg13[%swap3A_834] {strides = array<i32>} : memref<256xi32, #tpu.memory_space<vmem>>, vector<16xi32>,
      tpu.vector_store %arg13[%swap3A_834], %add3A_833 {strides = array<i32>} : memref<256xi32, #tpu.memory_space<vmem>>, vector<16xi32>,
      %reduce_sum3A_836 = arith.constant true
      %reduce_sum3A_837 = vector.broadcast %reduce_sum3A_836 : i1 to vector<16xi1>
      %reduce_sum3A_838 = tpu.scan <sum>, %get3A_827 masked %reduce_sum3A_837 : vector<16xi32>, vector<16xi1> -> vector<16xi32>
      %reduce_sum3A_839 = vector.extract %reduce_sum3A_838[15] : i32 from vector<16xi32>
      %add3A_840 = arith.addi %add3A_825, %reduce_sum3A_839 : i32
      %get3A_841 = arith.constant 128 : index
      %get3A_842 = tpu.vector_load %arg13[%get3A_841] {strides = array<i32>} : memref<256xi32, #tpu.memory_space<vmem>>, vector<16xi32>,
      %broadcast_in_dim3A_843 = arith.constant true
      %broadcast_in_dim3A_844 = vector.broadcast %broadcast_in_dim3A_843 : i1 to vector<16xi1>
      %masked_cumsum3A_845 = tpu.scan <sum>, %get3A_842 masked %broadcast_in_dim3A_844 : vector<16xi32>, vector<16xi1> -> vector<16xi32>
      %sub3A_846 = arith.subi %masked_cumsum3A_845, %get3A_842 : vector<16xi32>
      %add3A_847 = vector.broadcast %add3A_840 : i32 to vector<16xi32>
      %add3A_848 = arith.addi %sub3A_846, %add3A_847 : vector<16xi32>
      %swap3A_849 = arith.constant 128 : index
      %swap3A_850 = tpu.vector_load %arg13[%swap3A_849] {strides = array<i32>} : memref<256xi32, #tpu.memory_space<vmem>>, vector<16xi32>,
      tpu.vector_store %arg13[%swap3A_849], %add3A_848 {strides = array<i32>} : memref<256xi32, #tpu.memory_space<vmem>>, vector<16xi32>,
      %reduce_sum3A_851 = arith.constant true
      %reduce_sum3A_852 = vector.broadcast %reduce_sum3A_851 : i1 to vector<16xi1>
      %reduce_sum3A_853 = tpu.scan <sum>, %get3A_842 masked %reduce_sum3A_852 : vector<16xi32>, vector<16xi1> -> vector<16xi32>
      %reduce_sum3A_854 = vector.extract %reduce_sum3A_853[15] : i32 from vector<16xi32>
      %add3A_855 = arith.addi %add3A_840, %reduce_sum3A_854 : i32
      %get3A_856 = arith.constant 144 : index
      %get3A_857 = tpu.vector_load %arg13[%get3A_856] {strides = array<i32>} : memref<256xi32, #tpu.memory_space<vmem>>, vector<16xi32>,
      %broadcast_in_dim3A_858 = arith.constant true
      %broadcast_in_dim3A_859 = vector.broadcast %broadcast_in_dim3A_858 : i1 to vector<16xi1>
      %masked_cumsum3A_860 = tpu.scan <sum>, %get3A_857 masked %broadcast_in_dim3A_859 : vector<16xi32>, vector<16xi1> -> vector<16xi32>
      %sub3A_861 = arith.subi %masked_cumsum3A_860, %get3A_857 : vector<16xi32>
      %add3A_862 = vector.broadcast %add3A_855 : i32 to vector<16xi32>
      %add3A_863 = arith.addi %sub3A_861, %add3A_862 : vector<16xi32>
      %swap3A_864 = arith.constant 144 : index
      %swap3A_865 = tpu.vector_load %arg13[%swap3A_864] {strides = array<i32>} : memref<256xi32, #tpu.memory_space<vmem>>, vector<16xi32>,
      tpu.vector_store %arg13[%swap3A_864], %add3A_863 {strides = array<i32>} : memref<256xi32, #tpu.memory_space<vmem>>, vector<16xi32>,
      %reduce_sum3A_866 = arith.constant true
      %reduce_sum3A_867 = vector.broadcast %reduce_sum3A_866 : i1 to vector<16xi1>
      %reduce_sum3A_868 = tpu.scan <sum>, %get3A_857 masked %reduce_sum3A_867 : vector<16xi32>, vector<16xi1> -> vector<16xi32>
      %reduce_sum3A_869 = vector.extract %reduce_sum3A_868[15] : i32 from vector<16xi32>
      %add3A_870 = arith.addi %add3A_855, %reduce_sum3A_869 : i32
      %get3A_871 = arith.constant 160 : index
      %get3A_872 = tpu.vector_load %arg13[%get3A_871] {strides = array<i32>} : memref<256xi32, #tpu.memory_space<vmem>>, vector<16xi32>,
      %broadcast_in_dim3A_873 = arith.constant true
      %broadcast_in_dim3A_874 = vector.broadcast %broadcast_in_dim3A_873 : i1 to vector<16xi1>
      %masked_cumsum3A_875 = tpu.scan <sum>, %get3A_872 masked %broadcast_in_dim3A_874 : vector<16xi32>, vector<16xi1> -> vector<16xi32>
      %sub3A_876 = arith.subi %masked_cumsum3A_875, %get3A_872 : vector<16xi32>
      %add3A_877 = vector.broadcast %add3A_870 : i32 to vector<16xi32>
      %add3A_878 = arith.addi %sub3A_876, %add3A_877 : vector<16xi32>
      %swap3A_879 = arith.constant 160 : index
      %swap3A_880 = tpu.vector_load %arg13[%swap3A_879] {strides = array<i32>} : memref<256xi32, #tpu.memory_space<vmem>>, vector<16xi32>,
      tpu.vector_store %arg13[%swap3A_879], %add3A_878 {strides = array<i32>} : memref<256xi32, #tpu.memory_space<vmem>>, vector<16xi32>,
      %reduce_sum3A_881 = arith.constant true
      %reduce_sum3A_882 = vector.broadcast %reduce_sum3A_881 : i1 to vector<16xi1>
      %reduce_sum3A_883 = tpu.scan <sum>, %get3A_872 masked %reduce_sum3A_882 : vector<16xi32>, vector<16xi1> -> vector<16xi32>
      %reduce_sum3A_884 = vector.extract %reduce_sum3A_883[15] : i32 from vector<16xi32>
      %add3A_885 = arith.addi %add3A_870, %reduce_sum3A_884 : i32
      %get3A_886 = arith.constant 176 : index
      %get3A_887 = tpu.vector_load %arg13[%get3A_886] {strides = array<i32>} : memref<256xi32, #tpu.memory_space<vmem>>, vector<16xi32>,
      %broadcast_in_dim3A_888 = arith.constant true
      %broadcast_in_dim3A_889 = vector.broadcast %broadcast_in_dim3A_888 : i1 to vector<16xi1>
      %masked_cumsum3A_890 = tpu.scan <sum>, %get3A_887 masked %broadcast_in_dim3A_889 : vector<16xi32>, vector<16xi1> -> vector<16xi32>
      %sub3A_891 = arith.subi %masked_cumsum3A_890, %get3A_887 : vector<16xi32>
      %add3A_892 = vector.broadcast %add3A_885 : i32 to vector<16xi32>
      %add3A_893 = arith.addi %sub3A_891, %add3A_892 : vector<16xi32>
      %swap3A_894 = arith.constant 176 : index
      %swap3A_895 = tpu.vector_load %arg13[%swap3A_894] {strides = array<i32>} : memref<256xi32, #tpu.memory_space<vmem>>, vector<16xi32>,
      tpu.vector_store %arg13[%swap3A_894], %add3A_893 {strides = array<i32>} : memref<256xi32, #tpu.memory_space<vmem>>, vector<16xi32>,
      %reduce_sum3A_896 = arith.constant true
      %reduce_sum3A_897 = vector.broadcast %reduce_sum3A_896 : i1 to vector<16xi1>
      %reduce_sum3A_898 = tpu.scan <sum>, %get3A_887 masked %reduce_sum3A_897 : vector<16xi32>, vector<16xi1> -> vector<16xi32>
      %reduce_sum3A_899 = vector.extract %reduce_sum3A_898[15] : i32 from vector<16xi32>
      %add3A_900 = arith.addi %add3A_885, %reduce_sum3A_899 : i32
      %get3A_901 = arith.constant 192 : index
      %get3A_902 = tpu.vector_load %arg13[%get3A_901] {strides = array<i32>} : memref<256xi32, #tpu.memory_space<vmem>>, vector<16xi32>,
      %broadcast_in_dim3A_903 = arith.constant true
      %broadcast_in_dim3A_904 = vector.broadcast %broadcast_in_dim3A_903 : i1 to vector<16xi1>
      %masked_cumsum3A_905 = tpu.scan <sum>, %get3A_902 masked %broadcast_in_dim3A_904 : vector<16xi32>, vector<16xi1> -> vector<16xi32>
      %sub3A_906 = arith.subi %masked_cumsum3A_905, %get3A_902 : vector<16xi32>
      %add3A_907 = vector.broadcast %add3A_900 : i32 to vector<16xi32>
      %add3A_908 = arith.addi %sub3A_906, %add3A_907 : vector<16xi32>
      %swap3A_909 = arith.constant 192 : index
      %swap3A_910 = tpu.vector_load %arg13[%swap3A_909] {strides = array<i32>} : memref<256xi32, #tpu.memory_space<vmem>>, vector<16xi32>,
      tpu.vector_store %arg13[%swap3A_909], %add3A_908 {strides = array<i32>} : memref<256xi32, #tpu.memory_space<vmem>>, vector<16xi32>,
      %reduce_sum3A_911 = arith.constant true
      %reduce_sum3A_912 = vector.broadcast %reduce_sum3A_911 : i1 to vector<16xi1>
      %reduce_sum3A_913 = tpu.scan <sum>, %get3A_902 masked %reduce_sum3A_912 : vector<16xi32>, vector<16xi1> -> vector<16xi32>
      %reduce_sum3A_914 = vector.extract %reduce_sum3A_913[15] : i32 from vector<16xi32>
      %add3A_915 = arith.addi %add3A_900, %reduce_sum3A_914 : i32
      %get3A_916 = arith.constant 208 : index
      %get3A_917 = tpu.vector_load %arg13[%get3A_916] {strides = array<i32>} : memref<256xi32, #tpu.memory_space<vmem>>, vector<16xi32>,
      %broadcast_in_dim3A_918 = arith.constant true
      %broadcast_in_dim3A_919 = vector.broadcast %broadcast_in_dim3A_918 : i1 to vector<16xi1>
      %masked_cumsum3A_920 = tpu.scan <sum>, %get3A_917 masked %broadcast_in_dim3A_919 : vector<16xi32>, vector<16xi1> -> vector<16xi32>
      %sub3A_921 = arith.subi %masked_cumsum3A_920, %get3A_917 : vector<16xi32>
      %add3A_922 = vector.broadcast %add3A_915 : i32 to vector<16xi32>
      %add3A_923 = arith.addi %sub3A_921, %add3A_922 : vector<16xi32>
      %swap3A_924 = arith.constant 208 : index
      %swap3A_925 = tpu.vector_load %arg13[%swap3A_924] {strides = array<i32>} : memref<256xi32, #tpu.memory_space<vmem>>, vector<16xi32>,
      tpu.vector_store %arg13[%swap3A_924], %add3A_923 {strides = array<i32>} : memref<256xi32, #tpu.memory_space<vmem>>, vector<16xi32>,
      %reduce_sum3A_926 = arith.constant true
      %reduce_sum3A_927 = vector.broadcast %reduce_sum3A_926 : i1 to vector<16xi1>
      %reduce_sum3A_928 = tpu.scan <sum>, %get3A_917 masked %reduce_sum3A_927 : vector<16xi32>, vector<16xi1> -> vector<16xi32>
      %reduce_sum3A_929 = vector.extract %reduce_sum3A_928[15] : i32 from vector<16xi32>
      %add3A_930 = arith.addi %add3A_915, %reduce_sum3A_929 : i32
      %get3A_931 = arith.constant 224 : index
      %get3A_932 = tpu.vector_load %arg13[%get3A_931] {strides = array<i32>} : memref<256xi32, #tpu.memory_space<vmem>>, vector<16xi32>,
      %broadcast_in_dim3A_933 = arith.constant true
      %broadcast_in_dim3A_934 = vector.broadcast %broadcast_in_dim3A_933 : i1 to vector<16xi1>
      %masked_cumsum3A_935 = tpu.scan <sum>, %get3A_932 masked %broadcast_in_dim3A_934 : vector<16xi32>, vector<16xi1> -> vector<16xi32>
      %sub3A_936 = arith.subi %masked_cumsum3A_935, %get3A_932 : vector<16xi32>
      %add3A_937 = vector.broadcast %add3A_930 : i32 to vector<16xi32>
      %add3A_938 = arith.addi %sub3A_936, %add3A_937 : vector<16xi32>
      %swap3A_939 = arith.constant 224 : index
      %swap3A_940 = tpu.vector_load %arg13[%swap3A_939] {strides = array<i32>} : memref<256xi32, #tpu.memory_space<vmem>>, vector<16xi32>,
      tpu.vector_store %arg13[%swap3A_939], %add3A_938 {strides = array<i32>} : memref<256xi32, #tpu.memory_space<vmem>>, vector<16xi32>,
      %reduce_sum3A_941 = arith.constant true
      %reduce_sum3A_942 = vector.broadcast %reduce_sum3A_941 : i1 to vector<16xi1>
      %reduce_sum3A_943 = tpu.scan <sum>, %get3A_932 masked %reduce_sum3A_942 : vector<16xi32>, vector<16xi1> -> vector<16xi32>
      %reduce_sum3A_944 = vector.extract %reduce_sum3A_943[15] : i32 from vector<16xi32>
      %add3A_945 = arith.addi %add3A_930, %reduce_sum3A_944 : i32
      %get3A_946 = arith.constant 240 : index
      %get3A_947 = tpu.vector_load %arg13[%get3A_946] {strides = array<i32>} : memref<256xi32, #tpu.memory_space<vmem>>, vector<16xi32>,
      %broadcast_in_dim3A_948 = arith.constant true
      %broadcast_in_dim3A_949 = vector.broadcast %broadcast_in_dim3A_948 : i1 to vector<16xi1>
      %masked_cumsum3A_950 = tpu.scan <sum>, %get3A_947 masked %broadcast_in_dim3A_949 : vector<16xi32>, vector<16xi1> -> vector<16xi32>
      %sub3A_951 = arith.subi %masked_cumsum3A_950, %get3A_947 : vector<16xi32>
      %add3A_952 = vector.broadcast %add3A_945 : i32 to vector<16xi32>
      %add3A_953 = arith.addi %sub3A_951, %add3A_952 : vector<16xi32>
      %swap3A_954 = arith.constant 240 : index
      %swap3A_955 = tpu.vector_load %arg13[%swap3A_954] {strides = array<i32>} : memref<256xi32, #tpu.memory_space<vmem>>, vector<16xi32>,
      tpu.vector_store %arg13[%swap3A_954], %add3A_953 {strides = array<i32>} : memref<256xi32, #tpu.memory_space<vmem>>, vector<16xi32>,
      %reduce_sum3A_956 = arith.constant true
      %reduce_sum3A_957 = vector.broadcast %reduce_sum3A_956 : i1 to vector<16xi1>
      %reduce_sum3A_958 = tpu.scan <sum>, %get3A_947 masked %reduce_sum3A_957 : vector<16xi32>, vector<16xi1> -> vector<16xi32>
      %reduce_sum3A_959 = vector.extract %reduce_sum3A_958[15] : i32 from vector<16xi32>
      %add3A_960 = arith.addi %add3A_945, %reduce_sum3A_959 : i32
      %scan3A_961 = arith.constant 0 : i32
      %scan3A_962 = arith.constant 0 : i32
      %scan3A_963 = arith.constant 512 : i32
      %scan3A_964 = arith.addi %scan3A_962, %scan3A_963 : i32
      %scan3A_965 = arith.constant 1 : i32
      %scan3A_966 = scf.for %scan3A_1296 = %scan3A_962 to %scan3A_964 step %scan3A_965 iter_args(%scan3A_1297 = %scan3A_961) -> (i32)  : i32 {
        %mul3A_1298 = arith.constant 16 : i32
        %mul3A_1299 = arith.muli %scan3A_1296, %mul3A_1298 : i32
        %get3A_1300 = arith.index_cast %mul3A_1299 : i32 to index
        %get3A_1301 = tpu.vector_load %arg7[%get3A_1300] {strides = array<i32>} : memref<8192xi32, #tpu.memory_space<vmem>>, vector<16xi32>,
        %mul3A_1302 = arith.constant 16 : i32
        %mul3A_1303 = arith.muli %scan3A_1296, %mul3A_1302 : i32
        %get3A_1304 = arith.index_cast %mul3A_1303 : i32 to index
        %get3A_1305 = tpu.vector_load %arg9[%get3A_1304] {strides = array<i32>} : memref<8192xi32, #tpu.memory_space<vmem>>, vector<16xi32>,
        %shift_right_logical3A = arith.constant 16 : i32
        %shift_right_logical3A_1306 = vector.broadcast %shift_right_logical3A : i32 to vector<16xi32>
        %shift_right_logical3A_1307 = arith.shrui %get3A_1301, %shift_right_logical3A_1306 : vector<16xi32>
        %and3A = arith.constant 255 : i32
        %and3A_1308 = vector.broadcast %and3A : i32 to vector<16xi32>
        %and3A_1309 = arith.andi %shift_right_logical3A_1307, %and3A_1308 : vector<16xi32>
        %gather3A = tpu.vector_load_idx %arg13[%and3A_1309] : memref<256xi32, #tpu.memory_space<vmem>>[vector<16xi32>], vector<16xi32>,
        %broadcast_in_dim3A_1310 = arith.constant true
        %broadcast_in_dim3A_1311 = vector.broadcast %broadcast_in_dim3A_1310 : i1 to vector<16xi1>
        %unique3A, %unique3A_1312 = tpu.scan_count mask(%broadcast_in_dim3A_1311 : vector<16xi1>) value(%and3A_1309 : vector<16xi32>) : vector<16xi1>, vector<16xi32>
        %add3A_1313 = arith.addi %gather3A, %unique3A_1312 : vector<16xi32>
        %sub3A_1314 = arith.constant 1 : i32
        %sub3A_1315 = vector.broadcast %sub3A_1314 : i32 to vector<16xi32>
        %sub3A_1316 = arith.subi %add3A_1313, %sub3A_1315 : vector<16xi32>
        tpu.vector_store_idx %arg8[%sub3A_1316], %get3A_1301 : memref<8192xi32, #tpu.memory_space<vmem>>[vector<16xi32>], vector<16xi32>,
        tpu.vector_store_idx %arg10[%sub3A_1316], %get3A_1305 : memref<8192xi32, #tpu.memory_space<vmem>>[vector<16xi32>], vector<16xi32>,
        tpu.vector_store_idx %arg13[%and3A_1309], %unique3A_1312 masked %unique3A {add = true} : memref<256xi32, #tpu.memory_space<vmem>>[vector<16xi32>], vector<16xi32>, vector<16xi1>
        %scan3A_1317 = arith.constant 0 : i32
        scf.yield %scan3A_1317 : i32
      }
      %scan3A_967 = arith.constant 512 : i32
      %broadcast_in_dim3A_968 = arith.constant 0 : i32
      %broadcast_in_dim3A_969 = vector.broadcast %broadcast_in_dim3A_968 : i32 to vector<16xi32>
      %swap3A_970 = arith.constant 0 : index
      %swap3A_971 = tpu.vector_load %arg13[%swap3A_970] {strides = array<i32>} : memref<256xi32, #tpu.memory_space<vmem>>, vector<16xi32>,
      tpu.vector_store %arg13[%swap3A_970], %broadcast_in_dim3A_969 {strides = array<i32>} : memref<256xi32, #tpu.memory_space<vmem>>, vector<16xi32>,
      %broadcast_in_dim3A_972 = arith.constant 0 : i32
      %broadcast_in_dim3A_973 = vector.broadcast %broadcast_in_dim3A_972 : i32 to vector<16xi32>
      %swap3A_974 = arith.constant 16 : index
      %swap3A_975 = tpu.vector_load %arg13[%swap3A_974] {strides = array<i32>} : memref<256xi32, #tpu.memory_space<vmem>>, vector<16xi32>,
      tpu.vector_store %arg13[%swap3A_974], %broadcast_in_dim3A_973 {strides = array<i32>} : memref<256xi32, #tpu.memory_space<vmem>>, vector<16xi32>,
      %broadcast_in_dim3A_976 = arith.constant 0 : i32
      %broadcast_in_dim3A_977 = vector.broadcast %broadcast_in_dim3A_976 : i32 to vector<16xi32>
      %swap3A_978 = arith.constant 32 : index
      %swap3A_979 = tpu.vector_load %arg13[%swap3A_978] {strides = array<i32>} : memref<256xi32, #tpu.memory_space<vmem>>, vector<16xi32>,
      tpu.vector_store %arg13[%swap3A_978], %broadcast_in_dim3A_977 {strides = array<i32>} : memref<256xi32, #tpu.memory_space<vmem>>, vector<16xi32>,
      %broadcast_in_dim3A_980 = arith.constant 0 : i32
      %broadcast_in_dim3A_981 = vector.broadcast %broadcast_in_dim3A_980 : i32 to vector<16xi32>
      %swap3A_982 = arith.constant 48 : index
      %swap3A_983 = tpu.vector_load %arg13[%swap3A_982] {strides = array<i32>} : memref<256xi32, #tpu.memory_space<vmem>>, vector<16xi32>,
      tpu.vector_store %arg13[%swap3A_982], %broadcast_in_dim3A_981 {strides = array<i32>} : memref<256xi32, #tpu.memory_space<vmem>>, vector<16xi32>,
      %broadcast_in_dim3A_984 = arith.constant 0 : i32
      %broadcast_in_dim3A_985 = vector.broadcast %broadcast_in_dim3A_984 : i32 to vector<16xi32>
      %swap3A_986 = arith.constant 64 : index
      %swap3A_987 = tpu.vector_load %arg13[%swap3A_986] {strides = array<i32>} : memref<256xi32, #tpu.memory_space<vmem>>, vector<16xi32>,
      tpu.vector_store %arg13[%swap3A_986], %broadcast_in_dim3A_985 {strides = array<i32>} : memref<256xi32, #tpu.memory_space<vmem>>, vector<16xi32>,
      %broadcast_in_dim3A_988 = arith.constant 0 : i32
      %broadcast_in_dim3A_989 = vector.broadcast %broadcast_in_dim3A_988 : i32 to vector<16xi32>
      %swap3A_990 = arith.constant 80 : index
      %swap3A_991 = tpu.vector_load %arg13[%swap3A_990] {strides = array<i32>} : memref<256xi32, #tpu.memory_space<vmem>>, vector<16xi32>,
      tpu.vector_store %arg13[%swap3A_990], %broadcast_in_dim3A_989 {strides = array<i32>} : memref<256xi32, #tpu.memory_space<vmem>>, vector<16xi32>,
      %broadcast_in_dim3A_992 = arith.constant 0 : i32
      %broadcast_in_dim3A_993 = vector.broadcast %broadcast_in_dim3A_992 : i32 to vector<16xi32>
      %swap3A_994 = arith.constant 96 : index
      %swap3A_995 = tpu.vector_load %arg13[%swap3A_994] {strides = array<i32>} : memref<256xi32, #tpu.memory_space<vmem>>, vector<16xi32>,
      tpu.vector_store %arg13[%swap3A_994], %broadcast_in_dim3A_993 {strides = array<i32>} : memref<256xi32, #tpu.memory_space<vmem>>, vector<16xi32>,
      %broadcast_in_dim3A_996 = arith.constant 0 : i32
      %broadcast_in_dim3A_997 = vector.broadcast %broadcast_in_dim3A_996 : i32 to vector<16xi32>
      %swap3A_998 = arith.constant 112 : index
      %swap3A_999 = tpu.vector_load %arg13[%swap3A_998] {strides = array<i32>} : memref<256xi32, #tpu.memory_space<vmem>>, vector<16xi32>,
      tpu.vector_store %arg13[%swap3A_998], %broadcast_in_dim3A_997 {strides = array<i32>} : memref<256xi32, #tpu.memory_space<vmem>>, vector<16xi32>,
      %broadcast_in_dim3A_1000 = arith.constant 0 : i32
      %broadcast_in_dim3A_1001 = vector.broadcast %broadcast_in_dim3A_1000 : i32 to vector<16xi32>
      %swap3A_1002 = arith.constant 128 : index
      %swap3A_1003 = tpu.vector_load %arg13[%swap3A_1002] {strides = array<i32>} : memref<256xi32, #tpu.memory_space<vmem>>, vector<16xi32>,
      tpu.vector_store %arg13[%swap3A_1002], %broadcast_in_dim3A_1001 {strides = array<i32>} : memref<256xi32, #tpu.memory_space<vmem>>, vector<16xi32>,
      %broadcast_in_dim3A_1004 = arith.constant 0 : i32
      %broadcast_in_dim3A_1005 = vector.broadcast %broadcast_in_dim3A_1004 : i32 to vector<16xi32>
      %swap3A_1006 = arith.constant 144 : index
      %swap3A_1007 = tpu.vector_load %arg13[%swap3A_1006] {strides = array<i32>} : memref<256xi32, #tpu.memory_space<vmem>>, vector<16xi32>,
      tpu.vector_store %arg13[%swap3A_1006], %broadcast_in_dim3A_1005 {strides = array<i32>} : memref<256xi32, #tpu.memory_space<vmem>>, vector<16xi32>,
      %broadcast_in_dim3A_1008 = arith.constant 0 : i32
      %broadcast_in_dim3A_1009 = vector.broadcast %broadcast_in_dim3A_1008 : i32 to vector<16xi32>
      %swap3A_1010 = arith.constant 160 : index
      %swap3A_1011 = tpu.vector_load %arg13[%swap3A_1010] {strides = array<i32>} : memref<256xi32, #tpu.memory_space<vmem>>, vector<16xi32>,
      tpu.vector_store %arg13[%swap3A_1010], %broadcast_in_dim3A_1009 {strides = array<i32>} : memref<256xi32, #tpu.memory_space<vmem>>, vector<16xi32>,
      %broadcast_in_dim3A_1012 = arith.constant 0 : i32
      %broadcast_in_dim3A_1013 = vector.broadcast %broadcast_in_dim3A_1012 : i32 to vector<16xi32>
      %swap3A_1014 = arith.constant 176 : index
      %swap3A_1015 = tpu.vector_load %arg13[%swap3A_1014] {strides = array<i32>} : memref<256xi32, #tpu.memory_space<vmem>>, vector<16xi32>,
      tpu.vector_store %arg13[%swap3A_1014], %broadcast_in_dim3A_1013 {strides = array<i32>} : memref<256xi32, #tpu.memory_space<vmem>>, vector<16xi32>,
      %broadcast_in_dim3A_1016 = arith.constant 0 : i32
      %broadcast_in_dim3A_1017 = vector.broadcast %broadcast_in_dim3A_1016 : i32 to vector<16xi32>
      %swap3A_1018 = arith.constant 192 : index
      %swap3A_1019 = tpu.vector_load %arg13[%swap3A_1018] {strides = array<i32>} : memref<256xi32, #tpu.memory_space<vmem>>, vector<16xi32>,
      tpu.vector_store %arg13[%swap3A_1018], %broadcast_in_dim3A_1017 {strides = array<i32>} : memref<256xi32, #tpu.memory_space<vmem>>, vector<16xi32>,
      %broadcast_in_dim3A_1020 = arith.constant 0 : i32
      %broadcast_in_dim3A_1021 = vector.broadcast %broadcast_in_dim3A_1020 : i32 to vector<16xi32>
      %swap3A_1022 = arith.constant 208 : index
      %swap3A_1023 = tpu.vector_load %arg13[%swap3A_1022] {strides = array<i32>} : memref<256xi32, #tpu.memory_space<vmem>>, vector<16xi32>,
      tpu.vector_store %arg13[%swap3A_1022], %broadcast_in_dim3A_1021 {strides = array<i32>} : memref<256xi32, #tpu.memory_space<vmem>>, vector<16xi32>,
      %broadcast_in_dim3A_1024 = arith.constant 0 : i32
      %broadcast_in_dim3A_1025 = vector.broadcast %broadcast_in_dim3A_1024 : i32 to vector<16xi32>
      %swap3A_1026 = arith.constant 224 : index
      %swap3A_1027 = tpu.vector_load %arg13[%swap3A_1026] {strides = array<i32>} : memref<256xi32, #tpu.memory_space<vmem>>, vector<16xi32>,
      tpu.vector_store %arg13[%swap3A_1026], %broadcast_in_dim3A_1025 {strides = array<i32>} : memref<256xi32, #tpu.memory_space<vmem>>, vector<16xi32>,
      %broadcast_in_dim3A_1028 = arith.constant 0 : i32
      %broadcast_in_dim3A_1029 = vector.broadcast %broadcast_in_dim3A_1028 : i32 to vector<16xi32>
      %swap3A_1030 = arith.constant 240 : index
      %swap3A_1031 = tpu.vector_load %arg13[%swap3A_1030] {strides = array<i32>} : memref<256xi32, #tpu.memory_space<vmem>>, vector<16xi32>,
      tpu.vector_store %arg13[%swap3A_1030], %broadcast_in_dim3A_1029 {strides = array<i32>} : memref<256xi32, #tpu.memory_space<vmem>>, vector<16xi32>,
      %scan3A_1032 = arith.constant 0 : i32
      %scan3A_1033 = arith.constant 0 : i32
      %scan3A_1034 = arith.constant 512 : i32
      %scan3A_1035 = arith.addi %scan3A_1033, %scan3A_1034 : i32
      %scan3A_1036 = arith.constant 1 : i32
      %scan3A_1037 = scf.for %scan3A_1296 = %scan3A_1033 to %scan3A_1035 step %scan3A_1036 iter_args(%scan3A_1297 = %scan3A_1032) -> (i32)  : i32 {
        %mul3A_1298 = arith.constant 16 : i32
        %mul3A_1299 = arith.muli %scan3A_1296, %mul3A_1298 : i32
        %get3A_1300 = arith.index_cast %mul3A_1299 : i32 to index
        %get3A_1301 = tpu.vector_load %arg8[%get3A_1300] {strides = array<i32>} : memref<8192xi32, #tpu.memory_space<vmem>>, vector<16xi32>,
        %shift_right_logical3A = arith.constant 24 : i32
        %shift_right_logical3A_1302 = vector.broadcast %shift_right_logical3A : i32 to vector<16xi32>
        %shift_right_logical3A_1303 = arith.shrui %get3A_1301, %shift_right_logical3A_1302 : vector<16xi32>
        %and3A = arith.constant 255 : i32
        %and3A_1304 = vector.broadcast %and3A : i32 to vector<16xi32>
        %and3A_1305 = arith.andi %shift_right_logical3A_1303, %and3A_1304 : vector<16xi32>
        tpu.vector_store_idx %arg13[%and3A_1305], %broadcast_in_dim3A_1 {add = true} : memref<256xi32, #tpu.memory_space<vmem>>[vector<16xi32>], vector<16xi32>,
        %scan3A_1306 = arith.constant 0 : i32
        scf.yield %scan3A_1306 : i32
      }
      %scan3A_1038 = arith.constant 512 : i32
      %get3A_1039 = arith.constant 0 : index
      %get3A_1040 = tpu.vector_load %arg13[%get3A_1039] {strides = array<i32>} : memref<256xi32, #tpu.memory_space<vmem>>, vector<16xi32>,
      %broadcast_in_dim3A_1041 = arith.constant true
      %broadcast_in_dim3A_1042 = vector.broadcast %broadcast_in_dim3A_1041 : i1 to vector<16xi1>
      %masked_cumsum3A_1043 = tpu.scan <sum>, %get3A_1040 masked %broadcast_in_dim3A_1042 : vector<16xi32>, vector<16xi1> -> vector<16xi32>
      %sub3A_1044 = arith.subi %masked_cumsum3A_1043, %get3A_1040 : vector<16xi32>
      %add3A_1045 = arith.constant 0 : i32
      %add3A_1046 = vector.broadcast %add3A_1045 : i32 to vector<16xi32>
      %add3A_1047 = arith.addi %sub3A_1044, %add3A_1046 : vector<16xi32>
      %swap3A_1048 = arith.constant 0 : index
      %swap3A_1049 = tpu.vector_load %arg13[%swap3A_1048] {strides = array<i32>} : memref<256xi32, #tpu.memory_space<vmem>>, vector<16xi32>,
      tpu.vector_store %arg13[%swap3A_1048], %add3A_1047 {strides = array<i32>} : memref<256xi32, #tpu.memory_space<vmem>>, vector<16xi32>,
      %reduce_sum3A_1050 = arith.constant true
      %reduce_sum3A_1051 = vector.broadcast %reduce_sum3A_1050 : i1 to vector<16xi1>
      %reduce_sum3A_1052 = tpu.scan <sum>, %get3A_1040 masked %reduce_sum3A_1051 : vector<16xi32>, vector<16xi1> -> vector<16xi32>
      %reduce_sum3A_1053 = vector.extract %reduce_sum3A_1052[15] : i32 from vector<16xi32>
      %add3A_1054 = arith.constant 0 : i32
      %add3A_1055 = arith.addi %add3A_1054, %reduce_sum3A_1053 : i32
      %get3A_1056 = arith.constant 16 : index
      %get3A_1057 = tpu.vector_load %arg13[%get3A_1056] {strides = array<i32>} : memref<256xi32, #tpu.memory_space<vmem>>, vector<16xi32>,
      %broadcast_in_dim3A_1058 = arith.constant true
      %broadcast_in_dim3A_1059 = vector.broadcast %broadcast_in_dim3A_1058 : i1 to vector<16xi1>
      %masked_cumsum3A_1060 = tpu.scan <sum>, %get3A_1057 masked %broadcast_in_dim3A_1059 : vector<16xi32>, vector<16xi1> -> vector<16xi32>
      %sub3A_1061 = arith.subi %masked_cumsum3A_1060, %get3A_1057 : vector<16xi32>
      %add3A_1062 = vector.broadcast %add3A_1055 : i32 to vector<16xi32>
      %add3A_1063 = arith.addi %sub3A_1061, %add3A_1062 : vector<16xi32>
      %swap3A_1064 = arith.constant 16 : index
      %swap3A_1065 = tpu.vector_load %arg13[%swap3A_1064] {strides = array<i32>} : memref<256xi32, #tpu.memory_space<vmem>>, vector<16xi32>,
      tpu.vector_store %arg13[%swap3A_1064], %add3A_1063 {strides = array<i32>} : memref<256xi32, #tpu.memory_space<vmem>>, vector<16xi32>,
      %reduce_sum3A_1066 = arith.constant true
      %reduce_sum3A_1067 = vector.broadcast %reduce_sum3A_1066 : i1 to vector<16xi1>
      %reduce_sum3A_1068 = tpu.scan <sum>, %get3A_1057 masked %reduce_sum3A_1067 : vector<16xi32>, vector<16xi1> -> vector<16xi32>
      %reduce_sum3A_1069 = vector.extract %reduce_sum3A_1068[15] : i32 from vector<16xi32>
      %add3A_1070 = arith.addi %add3A_1055, %reduce_sum3A_1069 : i32
      %get3A_1071 = arith.constant 32 : index
      %get3A_1072 = tpu.vector_load %arg13[%get3A_1071] {strides = array<i32>} : memref<256xi32, #tpu.memory_space<vmem>>, vector<16xi32>,
      %broadcast_in_dim3A_1073 = arith.constant true
      %broadcast_in_dim3A_1074 = vector.broadcast %broadcast_in_dim3A_1073 : i1 to vector<16xi1>
      %masked_cumsum3A_1075 = tpu.scan <sum>, %get3A_1072 masked %broadcast_in_dim3A_1074 : vector<16xi32>, vector<16xi1> -> vector<16xi32>
      %sub3A_1076 = arith.subi %masked_cumsum3A_1075, %get3A_1072 : vector<16xi32>
      %add3A_1077 = vector.broadcast %add3A_1070 : i32 to vector<16xi32>
      %add3A_1078 = arith.addi %sub3A_1076, %add3A_1077 : vector<16xi32>
      %swap3A_1079 = arith.constant 32 : index
      %swap3A_1080 = tpu.vector_load %arg13[%swap3A_1079] {strides = array<i32>} : memref<256xi32, #tpu.memory_space<vmem>>, vector<16xi32>,
      tpu.vector_store %arg13[%swap3A_1079], %add3A_1078 {strides = array<i32>} : memref<256xi32, #tpu.memory_space<vmem>>, vector<16xi32>,
      %reduce_sum3A_1081 = arith.constant true
      %reduce_sum3A_1082 = vector.broadcast %reduce_sum3A_1081 : i1 to vector<16xi1>
      %reduce_sum3A_1083 = tpu.scan <sum>, %get3A_1072 masked %reduce_sum3A_1082 : vector<16xi32>, vector<16xi1> -> vector<16xi32>
      %reduce_sum3A_1084 = vector.extract %reduce_sum3A_1083[15] : i32 from vector<16xi32>
      %add3A_1085 = arith.addi %add3A_1070, %reduce_sum3A_1084 : i32
      %get3A_1086 = arith.constant 48 : index
      %get3A_1087 = tpu.vector_load %arg13[%get3A_1086] {strides = array<i32>} : memref<256xi32, #tpu.memory_space<vmem>>, vector<16xi32>,
      %broadcast_in_dim3A_1088 = arith.constant true
      %broadcast_in_dim3A_1089 = vector.broadcast %broadcast_in_dim3A_1088 : i1 to vector<16xi1>
      %masked_cumsum3A_1090 = tpu.scan <sum>, %get3A_1087 masked %broadcast_in_dim3A_1089 : vector<16xi32>, vector<16xi1> -> vector<16xi32>
      %sub3A_1091 = arith.subi %masked_cumsum3A_1090, %get3A_1087 : vector<16xi32>
      %add3A_1092 = vector.broadcast %add3A_1085 : i32 to vector<16xi32>
      %add3A_1093 = arith.addi %sub3A_1091, %add3A_1092 : vector<16xi32>
      %swap3A_1094 = arith.constant 48 : index
      %swap3A_1095 = tpu.vector_load %arg13[%swap3A_1094] {strides = array<i32>} : memref<256xi32, #tpu.memory_space<vmem>>, vector<16xi32>,
      tpu.vector_store %arg13[%swap3A_1094], %add3A_1093 {strides = array<i32>} : memref<256xi32, #tpu.memory_space<vmem>>, vector<16xi32>,
      %reduce_sum3A_1096 = arith.constant true
      %reduce_sum3A_1097 = vector.broadcast %reduce_sum3A_1096 : i1 to vector<16xi1>
      %reduce_sum3A_1098 = tpu.scan <sum>, %get3A_1087 masked %reduce_sum3A_1097 : vector<16xi32>, vector<16xi1> -> vector<16xi32>
      %reduce_sum3A_1099 = vector.extract %reduce_sum3A_1098[15] : i32 from vector<16xi32>
      %add3A_1100 = arith.addi %add3A_1085, %reduce_sum3A_1099 : i32
      %get3A_1101 = arith.constant 64 : index
      %get3A_1102 = tpu.vector_load %arg13[%get3A_1101] {strides = array<i32>} : memref<256xi32, #tpu.memory_space<vmem>>, vector<16xi32>,
      %broadcast_in_dim3A_1103 = arith.constant true
      %broadcast_in_dim3A_1104 = vector.broadcast %broadcast_in_dim3A_1103 : i1 to vector<16xi1>
      %masked_cumsum3A_1105 = tpu.scan <sum>, %get3A_1102 masked %broadcast_in_dim3A_1104 : vector<16xi32>, vector<16xi1> -> vector<16xi32>
      %sub3A_1106 = arith.subi %masked_cumsum3A_1105, %get3A_1102 : vector<16xi32>
      %add3A_1107 = vector.broadcast %add3A_1100 : i32 to vector<16xi32>
      %add3A_1108 = arith.addi %sub3A_1106, %add3A_1107 : vector<16xi32>
      %swap3A_1109 = arith.constant 64 : index
      %swap3A_1110 = tpu.vector_load %arg13[%swap3A_1109] {strides = array<i32>} : memref<256xi32, #tpu.memory_space<vmem>>, vector<16xi32>,
      tpu.vector_store %arg13[%swap3A_1109], %add3A_1108 {strides = array<i32>} : memref<256xi32, #tpu.memory_space<vmem>>, vector<16xi32>,
      %reduce_sum3A_1111 = arith.constant true
      %reduce_sum3A_1112 = vector.broadcast %reduce_sum3A_1111 : i1 to vector<16xi1>
      %reduce_sum3A_1113 = tpu.scan <sum>, %get3A_1102 masked %reduce_sum3A_1112 : vector<16xi32>, vector<16xi1> -> vector<16xi32>
      %reduce_sum3A_1114 = vector.extract %reduce_sum3A_1113[15] : i32 from vector<16xi32>
      %add3A_1115 = arith.addi %add3A_1100, %reduce_sum3A_1114 : i32
      %get3A_1116 = arith.constant 80 : index
      %get3A_1117 = tpu.vector_load %arg13[%get3A_1116] {strides = array<i32>} : memref<256xi32, #tpu.memory_space<vmem>>, vector<16xi32>,
      %broadcast_in_dim3A_1118 = arith.constant true
      %broadcast_in_dim3A_1119 = vector.broadcast %broadcast_in_dim3A_1118 : i1 to vector<16xi1>
      %masked_cumsum3A_1120 = tpu.scan <sum>, %get3A_1117 masked %broadcast_in_dim3A_1119 : vector<16xi32>, vector<16xi1> -> vector<16xi32>
      %sub3A_1121 = arith.subi %masked_cumsum3A_1120, %get3A_1117 : vector<16xi32>
      %add3A_1122 = vector.broadcast %add3A_1115 : i32 to vector<16xi32>
      %add3A_1123 = arith.addi %sub3A_1121, %add3A_1122 : vector<16xi32>
      %swap3A_1124 = arith.constant 80 : index
      %swap3A_1125 = tpu.vector_load %arg13[%swap3A_1124] {strides = array<i32>} : memref<256xi32, #tpu.memory_space<vmem>>, vector<16xi32>,
      tpu.vector_store %arg13[%swap3A_1124], %add3A_1123 {strides = array<i32>} : memref<256xi32, #tpu.memory_space<vmem>>, vector<16xi32>,
      %reduce_sum3A_1126 = arith.constant true
      %reduce_sum3A_1127 = vector.broadcast %reduce_sum3A_1126 : i1 to vector<16xi1>
      %reduce_sum3A_1128 = tpu.scan <sum>, %get3A_1117 masked %reduce_sum3A_1127 : vector<16xi32>, vector<16xi1> -> vector<16xi32>
      %reduce_sum3A_1129 = vector.extract %reduce_sum3A_1128[15] : i32 from vector<16xi32>
      %add3A_1130 = arith.addi %add3A_1115, %reduce_sum3A_1129 : i32
      %get3A_1131 = arith.constant 96 : index
      %get3A_1132 = tpu.vector_load %arg13[%get3A_1131] {strides = array<i32>} : memref<256xi32, #tpu.memory_space<vmem>>, vector<16xi32>,
      %broadcast_in_dim3A_1133 = arith.constant true
      %broadcast_in_dim3A_1134 = vector.broadcast %broadcast_in_dim3A_1133 : i1 to vector<16xi1>
      %masked_cumsum3A_1135 = tpu.scan <sum>, %get3A_1132 masked %broadcast_in_dim3A_1134 : vector<16xi32>, vector<16xi1> -> vector<16xi32>
      %sub3A_1136 = arith.subi %masked_cumsum3A_1135, %get3A_1132 : vector<16xi32>
      %add3A_1137 = vector.broadcast %add3A_1130 : i32 to vector<16xi32>
      %add3A_1138 = arith.addi %sub3A_1136, %add3A_1137 : vector<16xi32>
      %swap3A_1139 = arith.constant 96 : index
      %swap3A_1140 = tpu.vector_load %arg13[%swap3A_1139] {strides = array<i32>} : memref<256xi32, #tpu.memory_space<vmem>>, vector<16xi32>,
      tpu.vector_store %arg13[%swap3A_1139], %add3A_1138 {strides = array<i32>} : memref<256xi32, #tpu.memory_space<vmem>>, vector<16xi32>,
      %reduce_sum3A_1141 = arith.constant true
      %reduce_sum3A_1142 = vector.broadcast %reduce_sum3A_1141 : i1 to vector<16xi1>
      %reduce_sum3A_1143 = tpu.scan <sum>, %get3A_1132 masked %reduce_sum3A_1142 : vector<16xi32>, vector<16xi1> -> vector<16xi32>
      %reduce_sum3A_1144 = vector.extract %reduce_sum3A_1143[15] : i32 from vector<16xi32>
      %add3A_1145 = arith.addi %add3A_1130, %reduce_sum3A_1144 : i32
      %get3A_1146 = arith.constant 112 : index
      %get3A_1147 = tpu.vector_load %arg13[%get3A_1146] {strides = array<i32>} : memref<256xi32, #tpu.memory_space<vmem>>, vector<16xi32>,
      %broadcast_in_dim3A_1148 = arith.constant true
      %broadcast_in_dim3A_1149 = vector.broadcast %broadcast_in_dim3A_1148 : i1 to vector<16xi1>
      %masked_cumsum3A_1150 = tpu.scan <sum>, %get3A_1147 masked %broadcast_in_dim3A_1149 : vector<16xi32>, vector<16xi1> -> vector<16xi32>
      %sub3A_1151 = arith.subi %masked_cumsum3A_1150, %get3A_1147 : vector<16xi32>
      %add3A_1152 = vector.broadcast %add3A_1145 : i32 to vector<16xi32>
      %add3A_1153 = arith.addi %sub3A_1151, %add3A_1152 : vector<16xi32>
      %swap3A_1154 = arith.constant 112 : index
      %swap3A_1155 = tpu.vector_load %arg13[%swap3A_1154] {strides = array<i32>} : memref<256xi32, #tpu.memory_space<vmem>>, vector<16xi32>,
      tpu.vector_store %arg13[%swap3A_1154], %add3A_1153 {strides = array<i32>} : memref<256xi32, #tpu.memory_space<vmem>>, vector<16xi32>,
      %reduce_sum3A_1156 = arith.constant true
      %reduce_sum3A_1157 = vector.broadcast %reduce_sum3A_1156 : i1 to vector<16xi1>
      %reduce_sum3A_1158 = tpu.scan <sum>, %get3A_1147 masked %reduce_sum3A_1157 : vector<16xi32>, vector<16xi1> -> vector<16xi32>
      %reduce_sum3A_1159 = vector.extract %reduce_sum3A_1158[15] : i32 from vector<16xi32>
      %add3A_1160 = arith.addi %add3A_1145, %reduce_sum3A_1159 : i32
      %get3A_1161 = arith.constant 128 : index
      %get3A_1162 = tpu.vector_load %arg13[%get3A_1161] {strides = array<i32>} : memref<256xi32, #tpu.memory_space<vmem>>, vector<16xi32>,
      %broadcast_in_dim3A_1163 = arith.constant true
      %broadcast_in_dim3A_1164 = vector.broadcast %broadcast_in_dim3A_1163 : i1 to vector<16xi1>
      %masked_cumsum3A_1165 = tpu.scan <sum>, %get3A_1162 masked %broadcast_in_dim3A_1164 : vector<16xi32>, vector<16xi1> -> vector<16xi32>
      %sub3A_1166 = arith.subi %masked_cumsum3A_1165, %get3A_1162 : vector<16xi32>
      %add3A_1167 = vector.broadcast %add3A_1160 : i32 to vector<16xi32>
      %add3A_1168 = arith.addi %sub3A_1166, %add3A_1167 : vector<16xi32>
      %swap3A_1169 = arith.constant 128 : index
      %swap3A_1170 = tpu.vector_load %arg13[%swap3A_1169] {strides = array<i32>} : memref<256xi32, #tpu.memory_space<vmem>>, vector<16xi32>,
      tpu.vector_store %arg13[%swap3A_1169], %add3A_1168 {strides = array<i32>} : memref<256xi32, #tpu.memory_space<vmem>>, vector<16xi32>,
      %reduce_sum3A_1171 = arith.constant true
      %reduce_sum3A_1172 = vector.broadcast %reduce_sum3A_1171 : i1 to vector<16xi1>
      %reduce_sum3A_1173 = tpu.scan <sum>, %get3A_1162 masked %reduce_sum3A_1172 : vector<16xi32>, vector<16xi1> -> vector<16xi32>
      %reduce_sum3A_1174 = vector.extract %reduce_sum3A_1173[15] : i32 from vector<16xi32>
      %add3A_1175 = arith.addi %add3A_1160, %reduce_sum3A_1174 : i32
      %get3A_1176 = arith.constant 144 : index
      %get3A_1177 = tpu.vector_load %arg13[%get3A_1176] {strides = array<i32>} : memref<256xi32, #tpu.memory_space<vmem>>, vector<16xi32>,
      %broadcast_in_dim3A_1178 = arith.constant true
      %broadcast_in_dim3A_1179 = vector.broadcast %broadcast_in_dim3A_1178 : i1 to vector<16xi1>
      %masked_cumsum3A_1180 = tpu.scan <sum>, %get3A_1177 masked %broadcast_in_dim3A_1179 : vector<16xi32>, vector<16xi1> -> vector<16xi32>
      %sub3A_1181 = arith.subi %masked_cumsum3A_1180, %get3A_1177 : vector<16xi32>
      %add3A_1182 = vector.broadcast %add3A_1175 : i32 to vector<16xi32>
      %add3A_1183 = arith.addi %sub3A_1181, %add3A_1182 : vector<16xi32>
      %swap3A_1184 = arith.constant 144 : index
      %swap3A_1185 = tpu.vector_load %arg13[%swap3A_1184] {strides = array<i32>} : memref<256xi32, #tpu.memory_space<vmem>>, vector<16xi32>,
      tpu.vector_store %arg13[%swap3A_1184], %add3A_1183 {strides = array<i32>} : memref<256xi32, #tpu.memory_space<vmem>>, vector<16xi32>,
      %reduce_sum3A_1186 = arith.constant true
      %reduce_sum3A_1187 = vector.broadcast %reduce_sum3A_1186 : i1 to vector<16xi1>
      %reduce_sum3A_1188 = tpu.scan <sum>, %get3A_1177 masked %reduce_sum3A_1187 : vector<16xi32>, vector<16xi1> -> vector<16xi32>
      %reduce_sum3A_1189 = vector.extract %reduce_sum3A_1188[15] : i32 from vector<16xi32>
      %add3A_1190 = arith.addi %add3A_1175, %reduce_sum3A_1189 : i32
      %get3A_1191 = arith.constant 160 : index
      %get3A_1192 = tpu.vector_load %arg13[%get3A_1191] {strides = array<i32>} : memref<256xi32, #tpu.memory_space<vmem>>, vector<16xi32>,
      %broadcast_in_dim3A_1193 = arith.constant true
      %broadcast_in_dim3A_1194 = vector.broadcast %broadcast_in_dim3A_1193 : i1 to vector<16xi1>
      %masked_cumsum3A_1195 = tpu.scan <sum>, %get3A_1192 masked %broadcast_in_dim3A_1194 : vector<16xi32>, vector<16xi1> -> vector<16xi32>
      %sub3A_1196 = arith.subi %masked_cumsum3A_1195, %get3A_1192 : vector<16xi32>
      %add3A_1197 = vector.broadcast %add3A_1190 : i32 to vector<16xi32>
      %add3A_1198 = arith.addi %sub3A_1196, %add3A_1197 : vector<16xi32>
      %swap3A_1199 = arith.constant 160 : index
      %swap3A_1200 = tpu.vector_load %arg13[%swap3A_1199] {strides = array<i32>} : memref<256xi32, #tpu.memory_space<vmem>>, vector<16xi32>,
      tpu.vector_store %arg13[%swap3A_1199], %add3A_1198 {strides = array<i32>} : memref<256xi32, #tpu.memory_space<vmem>>, vector<16xi32>,
      %reduce_sum3A_1201 = arith.constant true
      %reduce_sum3A_1202 = vector.broadcast %reduce_sum3A_1201 : i1 to vector<16xi1>
      %reduce_sum3A_1203 = tpu.scan <sum>, %get3A_1192 masked %reduce_sum3A_1202 : vector<16xi32>, vector<16xi1> -> vector<16xi32>
      %reduce_sum3A_1204 = vector.extract %reduce_sum3A_1203[15] : i32 from vector<16xi32>
      %add3A_1205 = arith.addi %add3A_1190, %reduce_sum3A_1204 : i32
      %get3A_1206 = arith.constant 176 : index
      %get3A_1207 = tpu.vector_load %arg13[%get3A_1206] {strides = array<i32>} : memref<256xi32, #tpu.memory_space<vmem>>, vector<16xi32>,
      %broadcast_in_dim3A_1208 = arith.constant true
      %broadcast_in_dim3A_1209 = vector.broadcast %broadcast_in_dim3A_1208 : i1 to vector<16xi1>
      %masked_cumsum3A_1210 = tpu.scan <sum>, %get3A_1207 masked %broadcast_in_dim3A_1209 : vector<16xi32>, vector<16xi1> -> vector<16xi32>
      %sub3A_1211 = arith.subi %masked_cumsum3A_1210, %get3A_1207 : vector<16xi32>
      %add3A_1212 = vector.broadcast %add3A_1205 : i32 to vector<16xi32>
      %add3A_1213 = arith.addi %sub3A_1211, %add3A_1212 : vector<16xi32>
      %swap3A_1214 = arith.constant 176 : index
      %swap3A_1215 = tpu.vector_load %arg13[%swap3A_1214] {strides = array<i32>} : memref<256xi32, #tpu.memory_space<vmem>>, vector<16xi32>,
      tpu.vector_store %arg13[%swap3A_1214], %add3A_1213 {strides = array<i32>} : memref<256xi32, #tpu.memory_space<vmem>>, vector<16xi32>,
      %reduce_sum3A_1216 = arith.constant true
      %reduce_sum3A_1217 = vector.broadcast %reduce_sum3A_1216 : i1 to vector<16xi1>
      %reduce_sum3A_1218 = tpu.scan <sum>, %get3A_1207 masked %reduce_sum3A_1217 : vector<16xi32>, vector<16xi1> -> vector<16xi32>
      %reduce_sum3A_1219 = vector.extract %reduce_sum3A_1218[15] : i32 from vector<16xi32>
      %add3A_1220 = arith.addi %add3A_1205, %reduce_sum3A_1219 : i32
      %get3A_1221 = arith.constant 192 : index
      %get3A_1222 = tpu.vector_load %arg13[%get3A_1221] {strides = array<i32>} : memref<256xi32, #tpu.memory_space<vmem>>, vector<16xi32>,
      %broadcast_in_dim3A_1223 = arith.constant true
      %broadcast_in_dim3A_1224 = vector.broadcast %broadcast_in_dim3A_1223 : i1 to vector<16xi1>
      %masked_cumsum3A_1225 = tpu.scan <sum>, %get3A_1222 masked %broadcast_in_dim3A_1224 : vector<16xi32>, vector<16xi1> -> vector<16xi32>
      %sub3A_1226 = arith.subi %masked_cumsum3A_1225, %get3A_1222 : vector<16xi32>
      %add3A_1227 = vector.broadcast %add3A_1220 : i32 to vector<16xi32>
      %add3A_1228 = arith.addi %sub3A_1226, %add3A_1227 : vector<16xi32>
      %swap3A_1229 = arith.constant 192 : index
      %swap3A_1230 = tpu.vector_load %arg13[%swap3A_1229] {strides = array<i32>} : memref<256xi32, #tpu.memory_space<vmem>>, vector<16xi32>,
      tpu.vector_store %arg13[%swap3A_1229], %add3A_1228 {strides = array<i32>} : memref<256xi32, #tpu.memory_space<vmem>>, vector<16xi32>,
      %reduce_sum3A_1231 = arith.constant true
      %reduce_sum3A_1232 = vector.broadcast %reduce_sum3A_1231 : i1 to vector<16xi1>
      %reduce_sum3A_1233 = tpu.scan <sum>, %get3A_1222 masked %reduce_sum3A_1232 : vector<16xi32>, vector<16xi1> -> vector<16xi32>
      %reduce_sum3A_1234 = vector.extract %reduce_sum3A_1233[15] : i32 from vector<16xi32>
      %add3A_1235 = arith.addi %add3A_1220, %reduce_sum3A_1234 : i32
      %get3A_1236 = arith.constant 208 : index
      %get3A_1237 = tpu.vector_load %arg13[%get3A_1236] {strides = array<i32>} : memref<256xi32, #tpu.memory_space<vmem>>, vector<16xi32>,
      %broadcast_in_dim3A_1238 = arith.constant true
      %broadcast_in_dim3A_1239 = vector.broadcast %broadcast_in_dim3A_1238 : i1 to vector<16xi1>
      %masked_cumsum3A_1240 = tpu.scan <sum>, %get3A_1237 masked %broadcast_in_dim3A_1239 : vector<16xi32>, vector<16xi1> -> vector<16xi32>
      %sub3A_1241 = arith.subi %masked_cumsum3A_1240, %get3A_1237 : vector<16xi32>
      %add3A_1242 = vector.broadcast %add3A_1235 : i32 to vector<16xi32>
      %add3A_1243 = arith.addi %sub3A_1241, %add3A_1242 : vector<16xi32>
      %swap3A_1244 = arith.constant 208 : index
      %swap3A_1245 = tpu.vector_load %arg13[%swap3A_1244] {strides = array<i32>} : memref<256xi32, #tpu.memory_space<vmem>>, vector<16xi32>,
      tpu.vector_store %arg13[%swap3A_1244], %add3A_1243 {strides = array<i32>} : memref<256xi32, #tpu.memory_space<vmem>>, vector<16xi32>,
      %reduce_sum3A_1246 = arith.constant true
      %reduce_sum3A_1247 = vector.broadcast %reduce_sum3A_1246 : i1 to vector<16xi1>
      %reduce_sum3A_1248 = tpu.scan <sum>, %get3A_1237 masked %reduce_sum3A_1247 : vector<16xi32>, vector<16xi1> -> vector<16xi32>
      %reduce_sum3A_1249 = vector.extract %reduce_sum3A_1248[15] : i32 from vector<16xi32>
      %add3A_1250 = arith.addi %add3A_1235, %reduce_sum3A_1249 : i32
      %get3A_1251 = arith.constant 224 : index
      %get3A_1252 = tpu.vector_load %arg13[%get3A_1251] {strides = array<i32>} : memref<256xi32, #tpu.memory_space<vmem>>, vector<16xi32>,
      %broadcast_in_dim3A_1253 = arith.constant true
      %broadcast_in_dim3A_1254 = vector.broadcast %broadcast_in_dim3A_1253 : i1 to vector<16xi1>
      %masked_cumsum3A_1255 = tpu.scan <sum>, %get3A_1252 masked %broadcast_in_dim3A_1254 : vector<16xi32>, vector<16xi1> -> vector<16xi32>
      %sub3A_1256 = arith.subi %masked_cumsum3A_1255, %get3A_1252 : vector<16xi32>
      %add3A_1257 = vector.broadcast %add3A_1250 : i32 to vector<16xi32>
      %add3A_1258 = arith.addi %sub3A_1256, %add3A_1257 : vector<16xi32>
      %swap3A_1259 = arith.constant 224 : index
      %swap3A_1260 = tpu.vector_load %arg13[%swap3A_1259] {strides = array<i32>} : memref<256xi32, #tpu.memory_space<vmem>>, vector<16xi32>,
      tpu.vector_store %arg13[%swap3A_1259], %add3A_1258 {strides = array<i32>} : memref<256xi32, #tpu.memory_space<vmem>>, vector<16xi32>,
      %reduce_sum3A_1261 = arith.constant true
      %reduce_sum3A_1262 = vector.broadcast %reduce_sum3A_1261 : i1 to vector<16xi1>
      %reduce_sum3A_1263 = tpu.scan <sum>, %get3A_1252 masked %reduce_sum3A_1262 : vector<16xi32>, vector<16xi1> -> vector<16xi32>
      %reduce_sum3A_1264 = vector.extract %reduce_sum3A_1263[15] : i32 from vector<16xi32>
      %add3A_1265 = arith.addi %add3A_1250, %reduce_sum3A_1264 : i32
      %get3A_1266 = arith.constant 240 : index
      %get3A_1267 = tpu.vector_load %arg13[%get3A_1266] {strides = array<i32>} : memref<256xi32, #tpu.memory_space<vmem>>, vector<16xi32>,
      %broadcast_in_dim3A_1268 = arith.constant true
      %broadcast_in_dim3A_1269 = vector.broadcast %broadcast_in_dim3A_1268 : i1 to vector<16xi1>
      %masked_cumsum3A_1270 = tpu.scan <sum>, %get3A_1267 masked %broadcast_in_dim3A_1269 : vector<16xi32>, vector<16xi1> -> vector<16xi32>
      %sub3A_1271 = arith.subi %masked_cumsum3A_1270, %get3A_1267 : vector<16xi32>
      %add3A_1272 = vector.broadcast %add3A_1265 : i32 to vector<16xi32>
      %add3A_1273 = arith.addi %sub3A_1271, %add3A_1272 : vector<16xi32>
      %swap3A_1274 = arith.constant 240 : index
      %swap3A_1275 = tpu.vector_load %arg13[%swap3A_1274] {strides = array<i32>} : memref<256xi32, #tpu.memory_space<vmem>>, vector<16xi32>,
      tpu.vector_store %arg13[%swap3A_1274], %add3A_1273 {strides = array<i32>} : memref<256xi32, #tpu.memory_space<vmem>>, vector<16xi32>,
      %reduce_sum3A_1276 = arith.constant true
      %reduce_sum3A_1277 = vector.broadcast %reduce_sum3A_1276 : i1 to vector<16xi1>
      %reduce_sum3A_1278 = tpu.scan <sum>, %get3A_1267 masked %reduce_sum3A_1277 : vector<16xi32>, vector<16xi1> -> vector<16xi32>
      %reduce_sum3A_1279 = vector.extract %reduce_sum3A_1278[15] : i32 from vector<16xi32>
      %add3A_1280 = arith.addi %add3A_1265, %reduce_sum3A_1279 : i32
      %scan3A_1281 = arith.constant 0 : i32
      %scan3A_1282 = arith.constant 0 : i32
      %scan3A_1283 = arith.constant 512 : i32
      %scan3A_1284 = arith.addi %scan3A_1282, %scan3A_1283 : i32
      %scan3A_1285 = arith.constant 1 : i32
      %scan3A_1286 = scf.for %scan3A_1296 = %scan3A_1282 to %scan3A_1284 step %scan3A_1285 iter_args(%scan3A_1297 = %scan3A_1281) -> (i32)  : i32 {
        %mul3A_1298 = arith.constant 16 : i32
        %mul3A_1299 = arith.muli %scan3A_1296, %mul3A_1298 : i32
        %get3A_1300 = arith.index_cast %mul3A_1299 : i32 to index
        %get3A_1301 = tpu.vector_load %arg8[%get3A_1300] {strides = array<i32>} : memref<8192xi32, #tpu.memory_space<vmem>>, vector<16xi32>,
        %mul3A_1302 = arith.constant 16 : i32
        %mul3A_1303 = arith.muli %scan3A_1296, %mul3A_1302 : i32
        %get3A_1304 = arith.index_cast %mul3A_1303 : i32 to index
        %get3A_1305 = tpu.vector_load %arg10[%get3A_1304] {strides = array<i32>} : memref<8192xi32, #tpu.memory_space<vmem>>, vector<16xi32>,
        %shift_right_logical3A = arith.constant 24 : i32
        %shift_right_logical3A_1306 = vector.broadcast %shift_right_logical3A : i32 to vector<16xi32>
        %shift_right_logical3A_1307 = arith.shrui %get3A_1301, %shift_right_logical3A_1306 : vector<16xi32>
        %and3A = arith.constant 255 : i32
        %and3A_1308 = vector.broadcast %and3A : i32 to vector<16xi32>
        %and3A_1309 = arith.andi %shift_right_logical3A_1307, %and3A_1308 : vector<16xi32>
        %gather3A = tpu.vector_load_idx %arg13[%and3A_1309] : memref<256xi32, #tpu.memory_space<vmem>>[vector<16xi32>], vector<16xi32>,
        %broadcast_in_dim3A_1310 = arith.constant true
        %broadcast_in_dim3A_1311 = vector.broadcast %broadcast_in_dim3A_1310 : i1 to vector<16xi1>
        %unique3A, %unique3A_1312 = tpu.scan_count mask(%broadcast_in_dim3A_1311 : vector<16xi1>) value(%and3A_1309 : vector<16xi32>) : vector<16xi1>, vector<16xi32>
        %add3A_1313 = arith.addi %gather3A, %unique3A_1312 : vector<16xi32>
        %sub3A_1314 = arith.constant 1 : i32
        %sub3A_1315 = vector.broadcast %sub3A_1314 : i32 to vector<16xi32>
        %sub3A_1316 = arith.subi %add3A_1313, %sub3A_1315 : vector<16xi32>
        tpu.vector_store_idx %arg7[%sub3A_1316], %get3A_1301 : memref<8192xi32, #tpu.memory_space<vmem>>[vector<16xi32>], vector<16xi32>,
        tpu.vector_store_idx %arg9[%sub3A_1316], %get3A_1305 : memref<8192xi32, #tpu.memory_space<vmem>>[vector<16xi32>], vector<16xi32>,
        tpu.vector_store_idx %arg13[%and3A_1309], %unique3A_1312 masked %unique3A {add = true} : memref<256xi32, #tpu.memory_space<vmem>>[vector<16xi32>], vector<16xi32>, vector<16xi1>
        %scan3A_1317 = arith.constant 0 : i32
        scf.yield %scan3A_1317 : i32
      }
      %scan3A_1287 = arith.constant 512 : i32
      %scan3A_1288 = arith.constant 0 : i32
      %scan3A_1289 = arith.constant 0 : i32
      %scan3A_1290 = arith.constant 512 : i32
      %scan3A_1291 = arith.addi %scan3A_1289, %scan3A_1290 : i32
      %scan3A_1292 = arith.constant 1 : i32
      %scan3A_1293 = scf.for %scan3A_1296 = %scan3A_1289 to %scan3A_1291 step %scan3A_1292 iter_args(%scan3A_1297 = %scan3A_1288) -> (i32)  : i32 {
        %mul3A_1298 = arith.constant 16 : i32
        %mul3A_1299 = arith.muli %scan3A_1296, %mul3A_1298 : i32
        %get3A_1300 = arith.index_cast %mul3A_1299 : i32 to index
        %get3A_1301 = tpu.vector_load %arg9[%get3A_1300] {strides = array<i32>} : memref<8192xi32, #tpu.memory_space<vmem>>, vector<16xi32>,
        %gather3A = tpu.vector_load_idx %arg11[%get3A_1301] : memref<8192xf32, #tpu.memory_space<vmem>>[vector<16xi32>], vector<16xf32>,
        %mul3A_1302 = arith.constant 16 : i32
        %mul3A_1303 = arith.muli %scan3A_1296, %mul3A_1302 : i32
        %swap3A_1304 = arith.index_cast %mul3A_1303 : i32 to index
        %swap3A_1305 = tpu.vector_load %arg12[%swap3A_1304] {strides = array<i32>} : memref<8192xf32, #tpu.memory_space<vmem>>, vector<16xf32>,
        tpu.vector_store %arg12[%swap3A_1304], %gather3A {strides = array<i32>} : memref<8192xf32, #tpu.memory_space<vmem>>, vector<16xf32>,
        %scan3A_1306 = arith.constant 0 : i32
        scf.yield %scan3A_1306 : i32
      }
      %scan3A_1294 = arith.constant 512 : i32
      "tpu.region"() ({
        %run_scoped3A = tpu.sem_alloc : memref<!tpu.dma_semaphore, #tpu.memory_space<semaphore_mem>>
        %dma_start3A = arith.constant 0 : i32
        %dma_start3A_1296 = tpu.memref_slice %arg5[%add3A_12, %dma_start3A] : memref<128x8192xi32, #tpu.memory_space<hbm>> -> memref<1x8192xi32, #tpu.memory_space<hbm>>
        %dma_start3A_1297 = tpu.memref_squeeze %dma_start3A_1296 : memref<1x8192xi32, #tpu.memory_space<hbm>> -> memref<8192xi32, #tpu.memory_space<hbm>>
        %dma_start3A_1298 = arith.constant 0 : i32
        %dma_start3A_1299 = tpu.memref_slice %arg5[%add3A_12, %dma_start3A_1298] : memref<128x8192xi32, #tpu.memory_space<hbm>> -> memref<1x8192xi32, #tpu.memory_space<hbm>>
        %dma_start3A_1300 = tpu.memref_squeeze %dma_start3A_1299 : memref<1x8192xi32, #tpu.memory_space<hbm>> -> memref<8192xi32, #tpu.memory_space<hbm>>
        tpu.enqueue_dma source(%arg9 : memref<8192xi32, #tpu.memory_space<vmem>>) target(%dma_start3A_1300 : memref<8192xi32, #tpu.memory_space<hbm>>) target_semaphore(%run_scoped3A : memref<!tpu.dma_semaphore, #tpu.memory_space<semaphore_mem>>)
        %dma_wait3A = arith.constant 0 : i32
        %dma_wait3A_1301 = tpu.memref_slice %arg5[%add3A_12, %dma_wait3A] : memref<128x8192xi32, #tpu.memory_space<hbm>> -> memref<1x8192xi32, #tpu.memory_space<hbm>>
        %dma_wait3A_1302 = tpu.memref_squeeze %dma_wait3A_1301 : memref<1x8192xi32, #tpu.memory_space<hbm>> -> memref<8192xi32, #tpu.memory_space<hbm>>
        %dma_wait3A_1303 = arith.constant 0 : i32
        %dma_wait3A_1304 = tpu.memref_slice %arg5[%add3A_12, %dma_wait3A_1303] : memref<128x8192xi32, #tpu.memory_space<hbm>> -> memref<1x8192xi32, #tpu.memory_space<hbm>>
        %dma_wait3A_1305 = tpu.memref_squeeze %dma_wait3A_1304 : memref<1x8192xi32, #tpu.memory_space<hbm>> -> memref<8192xi32, #tpu.memory_space<hbm>>
        tpu.wait_dma2 semaphore(%run_scoped3A : memref<!tpu.dma_semaphore, #tpu.memory_space<semaphore_mem>>) src(%arg9 : memref<8192xi32, #tpu.memory_space<vmem>>) dst(%dma_wait3A_1305 : memref<8192xi32, #tpu.memory_space<hbm>>)
        tpu.yield
      }) : () -> ()
      "tpu.region"() ({
        %run_scoped3A = tpu.sem_alloc : memref<!tpu.dma_semaphore, #tpu.memory_space<semaphore_mem>>
        %dma_start3A = arith.constant 0 : i32
        %dma_start3A_1296 = tpu.memref_slice %arg6[%add3A_12, %dma_start3A] : memref<128x8192xf32, #tpu.memory_space<hbm>> -> memref<1x8192xf32, #tpu.memory_space<hbm>>
        %dma_start3A_1297 = tpu.memref_squeeze %dma_start3A_1296 : memref<1x8192xf32, #tpu.memory_space<hbm>> -> memref<8192xf32, #tpu.memory_space<hbm>>
        %dma_start3A_1298 = arith.constant 0 : i32
        %dma_start3A_1299 = tpu.memref_slice %arg6[%add3A_12, %dma_start3A_1298] : memref<128x8192xf32, #tpu.memory_space<hbm>> -> memref<1x8192xf32, #tpu.memory_space<hbm>>
        %dma_start3A_1300 = tpu.memref_squeeze %dma_start3A_1299 : memref<1x8192xf32, #tpu.memory_space<hbm>> -> memref<8192xf32, #tpu.memory_space<hbm>>
        tpu.enqueue_dma source(%arg12 : memref<8192xf32, #tpu.memory_space<vmem>>) target(%dma_start3A_1300 : memref<8192xf32, #tpu.memory_space<hbm>>) target_semaphore(%run_scoped3A : memref<!tpu.dma_semaphore, #tpu.memory_space<semaphore_mem>>)
        %dma_wait3A = arith.constant 0 : i32
        %dma_wait3A_1301 = tpu.memref_slice %arg6[%add3A_12, %dma_wait3A] : memref<128x8192xf32, #tpu.memory_space<hbm>> -> memref<1x8192xf32, #tpu.memory_space<hbm>>
        %dma_wait3A_1302 = tpu.memref_squeeze %dma_wait3A_1301 : memref<1x8192xf32, #tpu.memory_space<hbm>> -> memref<8192xf32, #tpu.memory_space<hbm>>
        %dma_wait3A_1303 = arith.constant 0 : i32
        %dma_wait3A_1304 = tpu.memref_slice %arg6[%add3A_12, %dma_wait3A_1303] : memref<128x8192xf32, #tpu.memory_space<hbm>> -> memref<1x8192xf32, #tpu.memory_space<hbm>>
        %dma_wait3A_1305 = tpu.memref_squeeze %dma_wait3A_1304 : memref<1x8192xf32, #tpu.memory_space<hbm>> -> memref<8192xf32, #tpu.memory_space<hbm>>
        tpu.wait_dma2 semaphore(%run_scoped3A : memref<!tpu.dma_semaphore, #tpu.memory_space<semaphore_mem>>) src(%arg12 : memref<8192xf32, #tpu.memory_space<vmem>>) dst(%dma_wait3A_1305 : memref<8192xf32, #tpu.memory_space<hbm>>)
        tpu.yield
      }) : () -> ()
      %scan3A_1295 = arith.constant 0 : i32
      scf.yield %scan3A_1295 : i32
    }
    %scan3A_7 = arith.constant 4 : i32
    return
  }
}

module attributes {stable_mosaic.version = 14 : i64} {
  func.func @_scores_keys_body(%arg0: i32, %arg1: memref<1x2048x128xf32, #tpu.memory_space<vmem>>, %arg2: memref<128x4xf32, #tpu.memory_space<vmem>>, %arg3: memref<1x1xf32, #tpu.memory_space<vmem>>, %arg4: memref<1x2048x4xf32, #tpu.memory_space<vmem>>, %arg5: memref<1x2048x4xf32, #tpu.memory_space<vmem>>, %arg6: memref<1x2048x4xi32, #tpu.memory_space<vmem>>) attributes {dimension_semantics = [#tpu.dimension_semantics<arbitrary>], iteration_bounds = array<i64: 128>, scalar_prefetch = 0 : i64, scratch_operands = 0 : i64, tpu.core_type = #tpu.core_type<tc>, window_params = [{transform_indices = @transform_0, window_bounds = array<i64: 1, 2048, 128>}, {pipeline_mode = #tpu.pipeline_mode<synchronous>, transform_indices = @transform_1, window_bounds = array<i64: 128, 4>}, {pipeline_mode = #tpu.pipeline_mode<synchronous>, transform_indices = @transform_2, window_bounds = array<i64: 1, 1>}, {transform_indices = @transform_3, window_bounds = array<i64: 1, 2048, 4>}, {transform_indices = @transform_4, window_bounds = array<i64: 1, 2048, 4>}, {transform_indices = @transform_5, window_bounds = array<i64: 1, 2048, 4>}]} {
    %get3A = arith.constant 0 : index
    %get3A_0 = arith.constant 0 : index
    %get3A_1 = arith.constant 0 : index
    %get3A_2 = vector.load %arg1[%get3A, %get3A_0, %get3A_1] : memref<1x2048x128xf32, #tpu.memory_space<vmem>>, vector<1x2048x128xf32>
    %get3A_3 = vector.shape_cast %get3A_2 : vector<1x2048x128xf32> to vector<2048x128xf32>
    %get3A_4 = arith.constant 0 : index
    %get3A_5 = arith.constant 0 : index
    %get3A_6 = vector.load %arg2[%get3A_4, %get3A_5] : memref<128x4xf32, #tpu.memory_space<vmem>>, vector<128x4xf32>
    %dot_general3A = arith.constant dense<0.000000e+00> : vector<2048x4xf32>
    %dot_general3A_7 = tpu.matmul %get3A_3, %get3A_6, %dot_general3A {dimension_numbers = #tpu.dot_dimension_numbers<[1], [0], [0], [1], [0, 0, 1, 1], [], []>, transpose_lhs_hint = false} : vector<2048x128xf32>, vector<128x4xf32>, vector<2048x4xf32> -> vector<2048x4xf32>
    %get3A_8 = arith.constant 0 : index
    %get3A_9 = arith.constant 0 : index
    %get3A_10 = vector.load %arg3[%get3A_8, %get3A_9] : memref<1x1xf32, #tpu.memory_space<vmem>>, vector<1x1xf32>
    %get3A_11 = vector.extract %get3A_10[0, 0] : f32 from vector<1x1xf32>
    %add3A = vector.broadcast %get3A_11 : f32 to vector<2048x4xf32>
    %add3A_12 = arith.addf %dot_general3A_7, %add3A : vector<2048x4xf32>
    %reduce_sum3A = arith.constant dense<0.000000e+00> : vector<4xf32>
    %reduce_sum3A_13 = vector.multi_reduction <add>, %add3A_12, %reduce_sum3A [0] : vector<2048x4xf32> to vector<4xf32>
    %broadcast_in_dim3A = vector.shape_cast %reduce_sum3A_13 : vector<4xf32> to vector<1x4xf32>
    %reduce_sum3A_14 = arith.constant dense<0.000000e+00> : vector<1xf32>
    %reduce_sum3A_15 = vector.multi_reduction <add>, %broadcast_in_dim3A, %reduce_sum3A_14 [1] : vector<1x4xf32> to vector<1xf32>
    %broadcast_in_dim3A_16 = vector.shape_cast %reduce_sum3A_15 : vector<1xf32> to vector<1x1xf32>
    %div3A = arith.constant 8.192000e+03 : f32
    %div3A_17 = vector.broadcast %div3A : f32 to vector<1x1xf32>
    %div3A_18 = arith.divf %broadcast_in_dim3A_16, %div3A_17 : vector<1x1xf32>
    %sub3A = vector.broadcast %div3A_18 : vector<1x1xf32> to vector<2048x4xf32>
    %sub3A_19 = arith.subf %add3A_12, %sub3A : vector<2048x4xf32>
    %swap3A = arith.constant 0 : index
    %swap3A_20 = arith.constant 0 : index
    %swap3A_21 = arith.constant 0 : index
    %swap3A_22 = vector.load %arg5[%swap3A, %swap3A_20, %swap3A_21] : memref<1x2048x4xf32, #tpu.memory_space<vmem>>, vector<1x2048x4xf32>
    %swap3A_23 = vector.shape_cast %swap3A_22 : vector<1x2048x4xf32> to vector<2048x4xf32>
    %swap3A_24 = vector.shape_cast %sub3A_19 : vector<2048x4xf32> to vector<1x2048x4xf32>
    tpu.vector_store %arg5[%swap3A, %swap3A_20, %swap3A_21], %swap3A_24 {strides = array<i32>} : memref<1x2048x4xf32, #tpu.memory_space<vmem>>, vector<1x2048x4xf32>,
    %get3A_25 = arith.constant 0 : index
    %get3A_26 = arith.constant 0 : index
    %get3A_27 = arith.constant 0 : index
    %get3A_28 = vector.load %arg4[%get3A_25, %get3A_26, %get3A_27] : memref<1x2048x4xf32, #tpu.memory_space<vmem>>, vector<1x2048x4xf32>
    %get3A_29 = vector.shape_cast %get3A_28 : vector<1x2048x4xf32> to vector<2048x4xf32>
    %add3A_30 = arith.addf %sub3A_19, %get3A_29 : vector<2048x4xf32>
    %bitcast_convert_type3A = tpu.bitcast %add3A_30 : vector<2048x4xf32> -> vector<2048x4xi32>
    %shift_right_arithmetic3A = arith.constant 31 : i32
    %shift_right_arithmetic3A_31 = vector.broadcast %shift_right_arithmetic3A : i32 to vector<2048x4xi32>
    %shift_right_arithmetic3A_32 = arith.shrsi %bitcast_convert_type3A, %shift_right_arithmetic3A_31 : vector<2048x4xi32>
    %or3A = arith.constant -2147483648 : i32
    %or3A_33 = vector.broadcast %or3A : i32 to vector<2048x4xi32>
    %or3A_34 = arith.ori %shift_right_arithmetic3A_32, %or3A_33 : vector<2048x4xi32>
    %xor3A = arith.xori %bitcast_convert_type3A, %or3A_34 : vector<2048x4xi32>
    %not3A = arith.constant dense<-1> : vector<2048x4xi32>
    %not3A_35 = arith.xori %xor3A, %not3A : vector<2048x4xi32>
    %swap3A_36 = arith.constant 0 : index
    %swap3A_37 = arith.constant 0 : index
    %swap3A_38 = arith.constant 0 : index
    %swap3A_39 = vector.load %arg6[%swap3A_36, %swap3A_37, %swap3A_38] : memref<1x2048x4xi32, #tpu.memory_space<vmem>>, vector<1x2048x4xi32>
    %swap3A_40 = vector.shape_cast %swap3A_39 : vector<1x2048x4xi32> to vector<2048x4xi32>
    %swap3A_41 = vector.shape_cast %not3A_35 : vector<2048x4xi32> to vector<1x2048x4xi32>
    tpu.vector_store %arg6[%swap3A_36, %swap3A_37, %swap3A_38], %swap3A_41 {strides = array<i32>} : memref<1x2048x4xi32, #tpu.memory_space<vmem>>, vector<1x2048x4xi32>,
    return
  }
  func.func @transform_0(%arg0: i32) -> (i32, i32, i32) {
    %c0_i32 = arith.constant 0 : i32
    %c0_i32_0 = arith.constant 0 : i32
    %c0_i32_1 = arith.constant 0 : i32
    return %arg0, %c0_i32, %c0_i32_0 : i32, i32, i32
  }
  func.func @transform_1(%arg0: i32) -> (i32, i32) {
    %c0_i32 = arith.constant 0 : i32
    %c0_i32_0 = arith.constant 0 : i32
    %c0_i32_1 = arith.constant 0 : i32
    return %c0_i32, %c0_i32_0 : i32, i32
  }
  func.func @transform_2(%arg0: i32) -> (i32, i32) {
    %c0_i32 = arith.constant 0 : i32
    %c0_i32_0 = arith.constant 0 : i32
    %c0_i32_1 = arith.constant 0 : i32
    return %c0_i32, %c0_i32_0 : i32, i32
  }
  func.func @transform_3(%arg0: i32) -> (i32, i32, i32) {
    %c0_i32 = arith.constant 0 : i32
    %c0_i32_0 = arith.constant 0 : i32
    %c0_i32_1 = arith.constant 0 : i32
    return %arg0, %c0_i32, %c0_i32_0 : i32, i32, i32
  }
  func.func @transform_4(%arg0: i32) -> (i32, i32, i32) {
    %c0_i32 = arith.constant 0 : i32
    %c0_i32_0 = arith.constant 0 : i32
    %c0_i32_1 = arith.constant 0 : i32
    return %arg0, %c0_i32, %c0_i32_0 : i32, i32, i32
  }
  func.func @transform_5(%arg0: i32) -> (i32, i32, i32) {
    %c0_i32 = arith.constant 0 : i32
    %c0_i32_0 = arith.constant 0 : i32
    %c0_i32_1 = arith.constant 0 : i32
    return %arg0, %c0_i32, %c0_i32_0 : i32, i32, i32
  }
}

module attributes {stable_mosaic.version = 14 : i64} {
  func.func @_logprob_body(%arg0: i32, %arg1: memref<16x8192xf32, #tpu.memory_space<vmem>>, %arg2: memref<16x1xf32, #tpu.memory_space<vmem>>) attributes {dimension_semantics = [#tpu.dimension_semantics<arbitrary>], iteration_bounds = array<i64: 8>, scalar_prefetch = 0 : i64, scratch_operands = 0 : i64, tpu.core_type = #tpu.core_type<tc>, window_params = [{transform_indices = @transform_0, window_bounds = array<i64: 16, 8192>}, {transform_indices = @transform_1, window_bounds = array<i64: 16, 1>}]} {
    %get3A = arith.constant 0 : index
    %get3A_0 = arith.constant 0 : index
    %get3A_1 = vector.load %arg1[%get3A, %get3A_0] : memref<16x8192xf32, #tpu.memory_space<vmem>>, vector<16x8192xf32>
    %reduce_max3A = arith.constant dense<0xFF800000> : vector<16xf32>
    %reduce_max3A_2 = vector.multi_reduction <maximumf>, %get3A_1, %reduce_max3A [1] : vector<16x8192xf32> to vector<16xf32>
    %broadcast_in_dim3A = vector.shape_cast %reduce_max3A_2 : vector<16xf32> to vector<16x1xf32>
    %sub3A = vector.broadcast %broadcast_in_dim3A : vector<16x1xf32> to vector<16x8192xf32>
    %sub3A_3 = arith.subf %get3A_1, %sub3A : vector<16x8192xf32>
    %exp3A = math.exp %sub3A_3 : vector<16x8192xf32>
    %iota3A = tpu.iota {dimensions = array<i32: 1>} : vector<16x8192xi32>
    %roll3A = arith.constant 8191 : i32
    %roll3A_4 = tpu.dynamic_rotate %exp3A by %roll3A dim 1 : vector<16x8192xf32>, i32 -> vector<16x8192xf32>
    %lt3A = arith.constant 8191 : i32
    %lt3A_5 = vector.broadcast %lt3A : i32 to vector<16x8192xi32>
    %lt3A_6 = arith.cmpi slt, %iota3A, %lt3A_5 : vector<16x8192xi32>
    %jit3A = arith.constant 0.000000e+00 : f32
    %broadcast_in_dim3A_7 = vector.broadcast %jit3A : f32 to vector<16x8192xf32>
    %select_n3A = arith.select %lt3A_6, %roll3A_4, %broadcast_in_dim3A_7 : vector<16x8192xi1>, vector<16x8192xf32>
    %add3A = arith.addf %exp3A, %select_n3A : vector<16x8192xf32>
    %roll3A_8 = arith.constant 8190 : i32
    %roll3A_9 = tpu.dynamic_rotate %add3A by %roll3A_8 dim 1 : vector<16x8192xf32>, i32 -> vector<16x8192xf32>
    %lt3A_10 = arith.constant 8190 : i32
    %lt3A_11 = vector.broadcast %lt3A_10 : i32 to vector<16x8192xi32>
    %lt3A_12 = arith.cmpi slt, %iota3A, %lt3A_11 : vector<16x8192xi32>
    %jit3A_13 = arith.constant 0.000000e+00 : f32
    %broadcast_in_dim3A_14 = vector.broadcast %jit3A_13 : f32 to vector<16x8192xf32>
    %select_n3A_15 = arith.select %lt3A_12, %roll3A_9, %broadcast_in_dim3A_14 : vector<16x8192xi1>, vector<16x8192xf32>
    %add3A_16 = arith.addf %add3A, %select_n3A_15 : vector<16x8192xf32>
    %roll3A_17 = arith.constant 8188 : i32
    %roll3A_18 = tpu.dynamic_rotate %add3A_16 by %roll3A_17 dim 1 : vector<16x8192xf32>, i32 -> vector<16x8192xf32>
    %lt3A_19 = arith.constant 8188 : i32
    %lt3A_20 = vector.broadcast %lt3A_19 : i32 to vector<16x8192xi32>
    %lt3A_21 = arith.cmpi slt, %iota3A, %lt3A_20 : vector<16x8192xi32>
    %jit3A_22 = arith.constant 0.000000e+00 : f32
    %broadcast_in_dim3A_23 = vector.broadcast %jit3A_22 : f32 to vector<16x8192xf32>
    %select_n3A_24 = arith.select %lt3A_21, %roll3A_18, %broadcast_in_dim3A_23 : vector<16x8192xi1>, vector<16x8192xf32>
    %add3A_25 = arith.addf %add3A_16, %select_n3A_24 : vector<16x8192xf32>
    %roll3A_26 = arith.constant 8184 : i32
    %roll3A_27 = tpu.dynamic_rotate %add3A_25 by %roll3A_26 dim 1 : vector<16x8192xf32>, i32 -> vector<16x8192xf32>
    %lt3A_28 = arith.constant 8184 : i32
    %lt3A_29 = vector.broadcast %lt3A_28 : i32 to vector<16x8192xi32>
    %lt3A_30 = arith.cmpi slt, %iota3A, %lt3A_29 : vector<16x8192xi32>
    %jit3A_31 = arith.constant 0.000000e+00 : f32
    %broadcast_in_dim3A_32 = vector.broadcast %jit3A_31 : f32 to vector<16x8192xf32>
    %select_n3A_33 = arith.select %lt3A_30, %roll3A_27, %broadcast_in_dim3A_32 : vector<16x8192xi1>, vector<16x8192xf32>
    %add3A_34 = arith.addf %add3A_25, %select_n3A_33 : vector<16x8192xf32>
    %roll3A_35 = arith.constant 8176 : i32
    %roll3A_36 = tpu.dynamic_rotate %add3A_34 by %roll3A_35 dim 1 : vector<16x8192xf32>, i32 -> vector<16x8192xf32>
    %lt3A_37 = arith.constant 8176 : i32
    %lt3A_38 = vector.broadcast %lt3A_37 : i32 to vector<16x8192xi32>
    %lt3A_39 = arith.cmpi slt, %iota3A, %lt3A_38 : vector<16x8192xi32>
    %jit3A_40 = arith.constant 0.000000e+00 : f32
    %broadcast_in_dim3A_41 = vector.broadcast %jit3A_40 : f32 to vector<16x8192xf32>
    %select_n3A_42 = arith.select %lt3A_39, %roll3A_36, %broadcast_in_dim3A_41 : vector<16x8192xi1>, vector<16x8192xf32>
    %add3A_43 = arith.addf %add3A_34, %select_n3A_42 : vector<16x8192xf32>
    %roll3A_44 = arith.constant 8160 : i32
    %roll3A_45 = tpu.dynamic_rotate %add3A_43 by %roll3A_44 dim 1 : vector<16x8192xf32>, i32 -> vector<16x8192xf32>
    %lt3A_46 = arith.constant 8160 : i32
    %lt3A_47 = vector.broadcast %lt3A_46 : i32 to vector<16x8192xi32>
    %lt3A_48 = arith.cmpi slt, %iota3A, %lt3A_47 : vector<16x8192xi32>
    %jit3A_49 = arith.constant 0.000000e+00 : f32
    %broadcast_in_dim3A_50 = vector.broadcast %jit3A_49 : f32 to vector<16x8192xf32>
    %select_n3A_51 = arith.select %lt3A_48, %roll3A_45, %broadcast_in_dim3A_50 : vector<16x8192xi1>, vector<16x8192xf32>
    %add3A_52 = arith.addf %add3A_43, %select_n3A_51 : vector<16x8192xf32>
    %roll3A_53 = arith.constant 8128 : i32
    %roll3A_54 = tpu.dynamic_rotate %add3A_52 by %roll3A_53 dim 1 : vector<16x8192xf32>, i32 -> vector<16x8192xf32>
    %lt3A_55 = arith.constant 8128 : i32
    %lt3A_56 = vector.broadcast %lt3A_55 : i32 to vector<16x8192xi32>
    %lt3A_57 = arith.cmpi slt, %iota3A, %lt3A_56 : vector<16x8192xi32>
    %jit3A_58 = arith.constant 0.000000e+00 : f32
    %broadcast_in_dim3A_59 = vector.broadcast %jit3A_58 : f32 to vector<16x8192xf32>
    %select_n3A_60 = arith.select %lt3A_57, %roll3A_54, %broadcast_in_dim3A_59 : vector<16x8192xi1>, vector<16x8192xf32>
    %add3A_61 = arith.addf %add3A_52, %select_n3A_60 : vector<16x8192xf32>
    %roll3A_62 = arith.constant 8064 : i32
    %roll3A_63 = tpu.dynamic_rotate %add3A_61 by %roll3A_62 dim 1 : vector<16x8192xf32>, i32 -> vector<16x8192xf32>
    %lt3A_64 = arith.constant 8064 : i32
    %lt3A_65 = vector.broadcast %lt3A_64 : i32 to vector<16x8192xi32>
    %lt3A_66 = arith.cmpi slt, %iota3A, %lt3A_65 : vector<16x8192xi32>
    %jit3A_67 = arith.constant 0.000000e+00 : f32
    %broadcast_in_dim3A_68 = vector.broadcast %jit3A_67 : f32 to vector<16x8192xf32>
    %select_n3A_69 = arith.select %lt3A_66, %roll3A_63, %broadcast_in_dim3A_68 : vector<16x8192xi1>, vector<16x8192xf32>
    %add3A_70 = arith.addf %add3A_61, %select_n3A_69 : vector<16x8192xf32>
    %roll3A_71 = arith.constant 7936 : i32
    %roll3A_72 = tpu.dynamic_rotate %add3A_70 by %roll3A_71 dim 1 : vector<16x8192xf32>, i32 -> vector<16x8192xf32>
    %lt3A_73 = arith.constant 7936 : i32
    %lt3A_74 = vector.broadcast %lt3A_73 : i32 to vector<16x8192xi32>
    %lt3A_75 = arith.cmpi slt, %iota3A, %lt3A_74 : vector<16x8192xi32>
    %jit3A_76 = arith.constant 0.000000e+00 : f32
    %broadcast_in_dim3A_77 = vector.broadcast %jit3A_76 : f32 to vector<16x8192xf32>
    %select_n3A_78 = arith.select %lt3A_75, %roll3A_72, %broadcast_in_dim3A_77 : vector<16x8192xi1>, vector<16x8192xf32>
    %add3A_79 = arith.addf %add3A_70, %select_n3A_78 : vector<16x8192xf32>
    %roll3A_80 = arith.constant 7680 : i32
    %roll3A_81 = tpu.dynamic_rotate %add3A_79 by %roll3A_80 dim 1 : vector<16x8192xf32>, i32 -> vector<16x8192xf32>
    %lt3A_82 = arith.constant 7680 : i32
    %lt3A_83 = vector.broadcast %lt3A_82 : i32 to vector<16x8192xi32>
    %lt3A_84 = arith.cmpi slt, %iota3A, %lt3A_83 : vector<16x8192xi32>
    %jit3A_85 = arith.constant 0.000000e+00 : f32
    %broadcast_in_dim3A_86 = vector.broadcast %jit3A_85 : f32 to vector<16x8192xf32>
    %select_n3A_87 = arith.select %lt3A_84, %roll3A_81, %broadcast_in_dim3A_86 : vector<16x8192xi1>, vector<16x8192xf32>
    %add3A_88 = arith.addf %add3A_79, %select_n3A_87 : vector<16x8192xf32>
    %roll3A_89 = arith.constant 7168 : i32
    %roll3A_90 = tpu.dynamic_rotate %add3A_88 by %roll3A_89 dim 1 : vector<16x8192xf32>, i32 -> vector<16x8192xf32>
    %lt3A_91 = arith.constant 7168 : i32
    %lt3A_92 = vector.broadcast %lt3A_91 : i32 to vector<16x8192xi32>
    %lt3A_93 = arith.cmpi slt, %iota3A, %lt3A_92 : vector<16x8192xi32>
    %jit3A_94 = arith.constant 0.000000e+00 : f32
    %broadcast_in_dim3A_95 = vector.broadcast %jit3A_94 : f32 to vector<16x8192xf32>
    %select_n3A_96 = arith.select %lt3A_93, %roll3A_90, %broadcast_in_dim3A_95 : vector<16x8192xi1>, vector<16x8192xf32>
    %add3A_97 = arith.addf %add3A_88, %select_n3A_96 : vector<16x8192xf32>
    %roll3A_98 = arith.constant 6144 : i32
    %roll3A_99 = tpu.dynamic_rotate %add3A_97 by %roll3A_98 dim 1 : vector<16x8192xf32>, i32 -> vector<16x8192xf32>
    %lt3A_100 = arith.constant 6144 : i32
    %lt3A_101 = vector.broadcast %lt3A_100 : i32 to vector<16x8192xi32>
    %lt3A_102 = arith.cmpi slt, %iota3A, %lt3A_101 : vector<16x8192xi32>
    %jit3A_103 = arith.constant 0.000000e+00 : f32
    %broadcast_in_dim3A_104 = vector.broadcast %jit3A_103 : f32 to vector<16x8192xf32>
    %select_n3A_105 = arith.select %lt3A_102, %roll3A_99, %broadcast_in_dim3A_104 : vector<16x8192xi1>, vector<16x8192xf32>
    %add3A_106 = arith.addf %add3A_97, %select_n3A_105 : vector<16x8192xf32>
    %roll3A_107 = arith.constant 4096 : i32
    %roll3A_108 = tpu.dynamic_rotate %add3A_106 by %roll3A_107 dim 1 : vector<16x8192xf32>, i32 -> vector<16x8192xf32>
    %lt3A_109 = arith.constant 4096 : i32
    %lt3A_110 = vector.broadcast %lt3A_109 : i32 to vector<16x8192xi32>
    %lt3A_111 = arith.cmpi slt, %iota3A, %lt3A_110 : vector<16x8192xi32>
    %jit3A_112 = arith.constant 0.000000e+00 : f32
    %broadcast_in_dim3A_113 = vector.broadcast %jit3A_112 : f32 to vector<16x8192xf32>
    %select_n3A_114 = arith.select %lt3A_111, %roll3A_108, %broadcast_in_dim3A_113 : vector<16x8192xi1>, vector<16x8192xf32>
    %add3A_115 = arith.addf %add3A_106, %select_n3A_114 : vector<16x8192xf32>
    %log3A = math.log %add3A_115 : vector<16x8192xf32>
    %add3A_116 = vector.broadcast %broadcast_in_dim3A : vector<16x1xf32> to vector<16x8192xf32>
    %add3A_117 = arith.addf %add3A_116, %log3A : vector<16x8192xf32>
    %sub3A_118 = arith.subf %get3A_1, %add3A_117 : vector<16x8192xf32>
    %reduce_sum3A = arith.constant dense<0.000000e+00> : vector<16xf32>
    %reduce_sum3A_119 = vector.multi_reduction <add>, %sub3A_118, %reduce_sum3A [1] : vector<16x8192xf32> to vector<16xf32>
    %broadcast_in_dim3A_120 = vector.shape_cast %reduce_sum3A_119 : vector<16xf32> to vector<16x1xf32>
    %swap3A = arith.constant 0 : index
    %swap3A_121 = arith.constant 0 : index
    %swap3A_122 = vector.load %arg2[%swap3A, %swap3A_121] : memref<16x1xf32, #tpu.memory_space<vmem>>, vector<16x1xf32>
    tpu.vector_store %arg2[%swap3A, %swap3A_121], %broadcast_in_dim3A_120 {strides = array<i32>} : memref<16x1xf32, #tpu.memory_space<vmem>>, vector<16x1xf32>,
    return
  }
  func.func @transform_0(%arg0: i32) -> (i32, i32) {
    %c0_i32 = arith.constant 0 : i32
    %c0_i32_0 = arith.constant 0 : i32
    return %arg0, %c0_i32 : i32, i32
  }
  func.func @transform_1(%arg0: i32) -> (i32, i32) {
    %c0_i32 = arith.constant 0 : i32
    %c0_i32_0 = arith.constant 0 : i32
    return %arg0, %c0_i32 : i32, i32
  }
}

</mosaic_0001>

<sc_bundles>
// kernel: kernel.5.cloned.1.call-start
scs
__scs_entry_jumppad:
0x0: {  	(pc) =	sbr.rel $0x88, $3  }
0x1: {  	(tag) =	ssettag $0x0;
	lr =	simm.s32 $0x1  }
0x2: {  	[smem:$0x3F9E] =	sst lr;
	_ =	strace $0xD0000000  }
0x3: {  	_ = 	snop  }
0x4: {  	_ = 	snop  }
0x5: {  	_ = 	snop  }
0x6: {  	_ = 	snop  }
0x7: {  	_ = 	snop  }
__scs_overlays_trampoline_lowered:
0x8: {  	[smem:$0x3FAD] =	sst s0  }
0x9: {  	[smem:$0x3FAE] =	sst s1  }
0xa: {  	[smem:$0x3FAF] =	sst s2  }
0xb: {  	[smem:$0x3FB0] =	sst s3  }
0xc: {  	[smem:$0x3FB1] =	sst s4  }
0xd: {  	[smem:$0x3FB2] =	sst s5  }
0xe: {  	[smem:$0x3FB3] =	sst s6  }
0xf: {  	[smem:$0x3FB4] =	sst s7  }
0x10: {  	[smem:$0x3FB5] =	sst s8  }
0x11: {  	[smem:$0x3FB6] =	sst s9;
	s0 =	simm.s32 @!p0 $0x0  }
0x12: {  	s1 =	sld [smem:$0x3F9C];
	s0 =	simm.s32 @p0 $0x1  }
0x13: {  	[smem:$0x3FB7] =	sst s0;
	s0 =	simm.s32 @!p1 $0x0  }
0x14: {  	s2 =	sld [smem:$0x3F9B];
	s0 =	simm.s32 @p1 $0x1  }
0x15: {  	[smem:$0x3FB8] =	sst s0;
	s0 =	simm.s32 @!p2 $0x0  }
0x16: {  	s3 =	sld [smem:$0x3FDB];
	s0 =	simm.s32 @p2 $0x1  }
0x17: {  	s4 =	simm.s32 $0x1BF5;
	[smem:$0x3FBA] =	sst s0  }
0x18: {  	s0 =	sld [smem:$0x3F9D];
	_ =	swait.ge [sflag:s4], $0x0  }
0x19: {  	s7 =	sld [smem:$0x3F9E]  }
0x1a: {  	s8 =	sadd.s32 $0xFFFFE003, lr  }
0x1b: {  	s9 =	sadd.s32 $0xFFFFFEF7, lr;
	s5 =	simm.s32 $0xFFFFFFFF;
	p2 =	slt.u32 s8, $0xFFFFF086  }
0x1c: {  	p1 =	slt.u32 s9, $0xF7A;
	s5 =	simm.s32 @!p2 $0x0  }
0x1d: {  	s5 =	simm.s32 @p1 $0x1;
	p0 =	seq.s32 s7, s2  }
0x1e: {  	s7 =	smul.u32 @!p0 $0xF7A, s2;
	p2 =	seq.s32 @!p0 s5, $0x0  }
0x1f: {  	s9 =	smul.u32 $0xF7A, s1;
	s8 =	simm.s32 @!p0 $0x1BF5;
	p2 =	por !p2, p0  }
0x20: {  	[sflag:s8] =	ssyncset.s32 @!p0 $0xFFFFF086;
	s6 =	sadd.s32 @!p0 s3, s7;
	s7 =	simm.s32 @!p0 $0x108  }
0x21: {  	s3 =	sadd.s32 s3, s9;
	s6 =	sadd.s32 @!p0 $0x88, s6;
	s7 =	simm.s32 @p2 $0x1082  }
0x22: {  	[simem:s7], [sflag:s8] =	dma.local @!p0 [hbm:s6], $0xF7A  }
0x23: {  	s9 =	sor.u32 $0xD0000000, s2;
	s6 =	simm.s32 $0x108;
	_ =	swait.ge @!p0 [sflag:s8], $0x0  }
0x24: {  	s3 =	sadd.s32 $0x88, s3;
	s6 =	simm.s32 @!p1 $0x1082;
	[sflag:s4] =	ssyncset.s32 $0xFFFFF086  }
0x25: {  	[simem:s6], [sflag:s4] =	dma.local [hbm:s3], $0xF7A  }
0x26: {  	[smem:$0x3F9E] =	sst s1;
	(tag) =	ssettag s2;
	_ =	strace s9  }
0x27: {  	s1 =	sld [smem:$0x3FAE]  }
0x28: {  	s2 =	sld [smem:$0x3FAF]  }
0x29: {  	s4 =	sld [smem:$0x3FB1]  }
0x2a: {  	p0 =	seq.s32 s5, $0x0;
	s5 =	sld [smem:$0x3FB2]  }
0x2b: {  	s6 =	sld [smem:$0x3FB3]  }
0x2c: {  	s7 =	sld [smem:$0x3FB4]  }
0x2d: {  	s3 =	simm.s32 $0x108;
	s8 =	sld [smem:$0x3FB5]  }
0x2e: {  	s3 =	simm.s32 @!p0 $0x1082;
	s9 =	sld [smem:$0x3FB6]  }
0x2f: {  	lr =	sadd.s32 s0, s3;
	s0 =	sld [smem:$0x3FAD]  }
0x30: {  	s3 =	sld [smem:$0x3FB0]  }
0x31: {  	[smem:$0x3FB9] =	sst s10  }
0x32: {  	s10 =	sld [smem:$0x3FB7];
	_ =	sdelay $0x3  }
0x33: {  	p0 =	seq.s32 s10, $0x1;
	s10 =	sld [smem:$0x3FB9];
	_ =	sdelay $0x3  }
0x34: {  	[smem:$0x3FB9] =	sst s10  }
0x35: {  	s10 =	sld [smem:$0x3FB8];
	_ =	sdelay $0x3  }
0x36: {  	p1 =	seq.s32 s10, $0x1;
	s10 =	sld [smem:$0x3FB9];
	_ =	sdelay $0x3  }
0x37: {  	[smem:$0x3FB9] =	sst s10  }
0x38: {  	s10 =	sld [smem:$0x3FBA]  }
0x39: {  	_ = 	snop;
	(pc) =	sbr.ind lr, $3  }
0x3a: {  	_ = 	snop  }
0x3b: {  	_ = 	snop  }
0x3c: {  	p2 =	seq.s32 s10, $0x1;
	s10 =	sld [smem:$0x3FB9]  }
0x3d: {  	_ =	shalt  }
0x3e: {  	_ =	shalt  }
0x3f: {  	_ =	shalt  }
0x40: {  	_ =	shalt  }
0x41: {  	_ =	shalt  }
0x42: {  	_ =	shalt  }
0x43: {  	_ =	shalt  }
0x44: {  	_ =	shalt  }
0x45: {  	_ =	shalt  }
0x46: {  	_ =	shalt  }
0x47: {  	_ =	shalt  }
0x48: {  	_ =	shalt  }
0x49: {  	_ =	shalt  }
0x4a: {  	_ =	shalt  }
0x4b: {  	_ =	shalt  }
0x4c: {  	_ =	shalt  }
0x4d: {  	_ =	shalt  }
0x4e: {  	_ =	shalt  }
0x4f: {  	_ =	shalt  }
0x50: {  	_ =	shalt  }
0x51: {  	_ =	shalt  }
0x52: {  	_ =	shalt  }
0x53: {  	_ =	shalt  }
0x54: {  	_ =	shalt  }
0x55: {  	_ =	shalt  }
0x56: {  	_ =	shalt  }
0x57: {  	_ =	shalt  }
0x58: {  	_ =	shalt  }
0x59: {  	_ =	shalt  }
0x5a: {  	_ =	shalt  }
0x5b: {  	_ =	shalt  }
0x5c: {  	_ =	shalt  }
0x5d: {  	_ =	shalt  }
0x5e: {  	_ =	shalt  }
0x5f: {  	_ =	shalt  }
0x60: {  	_ =	shalt  }
0x61: {  	_ =	shalt  }
0x62: {  	_ =	shalt  }
0x63: {  	_ =	shalt  }
0x64: {  	_ =	shalt  }
0x65: {  	_ =	shalt  }
0x66: {  	_ =	shalt  }
0x67: {  	_ =	shalt  }
0x68: {  	_ =	shalt  }
0x69: {  	_ =	shalt  }
0x6a: {  	_ =	shalt  }
0x6b: {  	_ =	shalt  }
0x6c: {  	_ =	shalt  }
0x6d: {  	_ =	shalt  }
0x6e: {  	_ =	shalt  }
0x6f: {  	_ =	shalt  }
0x70: {  	_ =	shalt  }
0x71: {  	_ =	shalt  }
0x72: {  	_ =	shalt  }
0x73: {  	_ =	shalt  }
0x74: {  	_ =	shalt  }
0x75: {  	_ =	shalt  }
0x76: {  	_ =	shalt  }
0x77: {  	_ =	shalt  }
0x78: {  	_ =	shalt  }
0x79: {  	_ =	shalt  }
0x7a: {  	_ =	shalt  }
0x7b: {  	_ =	shalt  }
0x7c: {  	_ =	shalt  }
0x7d: {  	_ =	shalt  }
0x7e: {  	_ =	shalt  }
0x7f: {  	_ =	shalt  }
0x80: {  	_ =	shalt  }
0x81: {  	_ =	shalt  }
0x82: {  	_ =	shalt  }
0x83: {  	_ =	shalt  }
0x84: {  	_ =	shalt  }
0x85: {  	_ =	shalt  }
0x86: {  	_ =	shalt  }
0x87: {  	_ =	shalt  }
.Lfunc_end0:
.L_simem_size_0:
called_computation_lowered:
.L_overlay_start_0:
0x88: {  	s2 =	sld [smem:$0x3FD9]  }
0x89: {  	s3 =	sld [smem:$0x3FFE];
	_ =	sdelay $0x1  }
0x8a: {  	s1 =	srdreg.scid  }
0x8b: {  	s0 =	sand.u32 $0x1, s1  }
0x8c: {  	s14 =	sshll.u32 s0, $0xA;
	s2 =	sadd.s32 s3, s2  }
0x8d: {  	s2 =	sadd.s32 s2, s14  }
0x8e: {  	[smem:$0x3FC5] =	sst s2  }
0x8f: {  	_ = 	snop  }
0x90: {  	s2 =	sld [smem:$0x3FD0];
	_ =	sdelay $0x2  }
0x91: {  	s15 =	simm.s32 $0xA;
	s4 =	simm.s32 $0x10  }
0x92: {  	[smem:s4], [sflag:s15] =	dma.local [hbm:s2], $0x1  }
0x93: {  	_ =	swait.eq [sflag:s15], $0x1  }
0x94: {  	[sflag:s15] =	ssyncset.done $0x0  }
0x95: {  	[sflag:s15] =	ssyncadd.s32 $0xFFFFFFFF  }
0x96: {  	s16 =	sld [smem:$0x10];
	(tm) =	ssettm $0x1  }
0x97: {  	s17 =	sld [smem:$0x3FFB];
	_ =	sdelay $0x3  }
0x98: {  	_ =	strace s17  }
0x99: {  	s3 =	sld [smem:$0x3FFC];
	_ =	sdelay $0x3  }
0x9a: {  	_ =	strace s3  }
0x9b: {  	s3 =	sld [smem:$0x3FFD];
	_ =	sdelay $0x3  }
0x9c: {  	_ =	strace s3  }
0x9d: {  	_ =	strace $0x8FFFFFFF  }
0x9e: {  	s18 =	sld [smem:$0x3FDB];
	_ =	sdelay $0x1  }
0x9f: {  	s19 =	simm.s32 $_scs_section_size  }
0xa0: {  	s5 =	simm.s32 $_size__tile_overlayer_lowered;
	s6 =	simm.s32 $_tile_overlayer_lowered  }
0xa1: {  	s22 =	simm.s32 $0x1BFF;
	s21 =	sshll.u32 s6, $0x1;
	s3 =	sadd.s32 s19, s18  }
0xa2: {  	s7 =	simm.s32 $0x0;
	s20 =	sshll.u32 s5, $0x1;
	s5 =	sadd.s32 s21, s3  }
0xa3: {  	[timem:s7], [sflag:s22] =	dma.local [hbm:s5], s20  }
0xa4: {  	_ =	swait.ge [sflag:s22], s20  }
0xa5: {  	s4 =	ssub.s32 $0x0, s20;
	[sflag:s22] =	ssyncset.done $0x0  }
0xa6: {  	[sflag:s22] =	ssyncadd.s32 s4;
	_ =	sdelay $0x1  }
0xa7: {  	s23 =	simm.s32 $0x1B8B  }
0xa8: {  	_ =	swait.ge [sflag:s23], $0x1  }
0xa9: {  	[sflag:s23] =	ssyncset.done $0x0  }
0xaa: {  	s25 =	simm.s32 $0x1B8E;
	s24 =	sld [smem:$0x3FFE];
	[sflag:s23] =	ssyncadd.s32 $0xFFFFFFFF  }
0xab: {  	s26 =	simm.s32 $execute0_lowered;
	[smem:$0x3FD2] =	sst s25  }
0xac: {  	s5 =	sshll.u32 s26, $0x1;
	_ =	strace $0x80000046;
	[dreg:$0x1] =	wrdreg $0xFFFFFFFF  }
0xad: {  	s28 =	simm.s32 $_size_execute0_lowered;
	s3 =	sadd.s32 s3, s5;
	[dreg:$0x0] =	wrdreg $0x0  }
0xae: {  	s5 =	sshll.u32 s28, $0x1;
	[dreg:$0x2] =	wrdreg s3  }
0xaf: {  	[dreg:$0x3] =	wrdreg s5  }
0xb0: {  	[dreg:$0x4] =	wrdreg $0xC0  }
0xb1: {  	_ =	task [dreg:s7], $0x5FFFF  }
0xb2: {  	[dreg:$0x1] =	wrdreg $0xFFFFFFFF  }
0xb3: {  	[dreg:$0x0] =	wrdreg $0x60  }
0xb4: {  	[dreg:$0x2] =	wrdreg s24  }
0xb5: {  	[dreg:$0x3] =	wrdreg s16  }
0xb6: {  	[dreg:$0x4] =	wrdreg $0x9  }
0xb7: {  	_ =	task.clear_ibuf [dreg:s7], $0x5FFFF;
	_ =	strace $0x90000046  }
0xb8: {  	s29 =	simm.s32 $0x9;
	_ =	strace $0x80000048  }
0xb9: {  	_ =	swait.ge [sflag:s29], $0x1  }
0xba: {  	[sflag:s29] =	ssyncadd.s32 $0xFFFFFFFF  }
0xbb: {  	_ =	strace $0x90000048  }
0xbc: {  	_ =	sfence  }
0xbd: {  	s30 =	sld [smem:$0x0];
	_ =	sdelay $0x2  }
0xbe: {  	s31 =	sshll.u32 s1, $0xD;
	s1 =	sshrl.u32 s1, $0x2  }
0xbf: {  	s3 =	sand.u32 $0x4000, s31;
	s1 =	sadd.s32 s1, s30  }
0xc0: {  	s0 =	sor.u32 s3, s0;
	s1 =	sshll.u32 s1, $0x11  }
0xc1: {  	s0 =	sor.u32 s1, s0  }
0xc2: {  	s0 =	sadd.s32 $0x8F2B, s0  }
0xc3: {  	[sflag:s0] =	ssyncadd.remote.s32 $0x1  }
0xc4: {  	_ =	sfence.sel $0xFFFF  }
0xc5: {  	[dreg:$0x0] =	wrdreg $0xFFFFFFFF;
	(pc) =	sbr.abs _section_cstart, $3  }
0xc6: {  	[dreg:$0x1] =	wrdreg $0xFFFFFFFF  }
0xc7: {  	_ =	task.clear_ibuf [dreg:s7], $0x2FFFF;
	_ =	strace $0x9FFFFFFF  }
0xc8: {  	(tm) =	ssettm $0x7FFFFFFF  }
0xc9: {  	_ =	shalt  }
tec
execute0_lowered:
.L_overlay_start_1:
0x0: {  	(tag) =	ssettag $0x1  }
0x1: {  	s4 =	rddreg [dreg:$0x0]  }
0x2: {  	s1 =	rddreg [dreg:$0x1]  }
0x3: {  	s0 =	rddreg [dreg:$0x2]  }
0x4: {  	s2 =	simm.s32 $0x0;
	s5 =	srdreg.scid;
	s11 =	simm.s32 $0x400  }
0x5: {  	s12 =	simm.s32 $0x1;
	s13 =	simm.s32 $0x4000;
	s14 =	simm.s32 $0x8000  }
0x6: {  	s15 =	simm.s32 $0xC000;
	s16 =	simm.s32 $0x2000;
	s17 =	simm.s32 $0x6000  }
0x7: {  	s18 =	simm.s32 $0xA000;
	s19 =	simm.s32 $0x0;
	[smem:$0x7FF] =	sst s2  }
0x8: {  	s3 =	sadd.s32 $0x1600, s4;
	s8 =	sand.u32 $0x1, s5;
	s5 =	sadd.s32 $0x21600, s4  }
0x9: {  	s6 =	sadd.s32 $0x41600, s4;
	s7 =	sadd.s32 $0x41A00, s4;
	s9 =	ssub.s32 $0x2, s8  }
0xa: {  	s4 =	stileid.u32;
	_ =	strace $0x80000047;
	s10 =	sshrl.u32 s9, $0x1  }
0xb: {  	s31 =	sshll.u32 s4, $0xD;
	s8 =	sshll.u32 s8, $0x6;
	s9 =	ssub.s32 s9, s10  }
0xc: {  	v0 =	vimm.s32 $0x0;
	v1 =	vimm.s32 $0x1;
	s8 =	sor.u32 s31, s8;
	s10 =	simm.s32 $0x80;
	s9 =	smax.u32 s9, $0x1  }
.LBB2_1:
0xd: {  	s20 =	simm.s32 $0x0  }
.LBB2_2:
0xe: {  	s21 =	sshll.u32 s20, $0x4  }
0xf: {  	s21 =	sadd.s32 s8, s21  }
0x10: {  	s23 =	simm.s32 $0x0;
	s22 =	sadd.s32 s3, s21  }
0x11: {  	[tilespmem:s23], [sflag:$0x1] =	stream.strided.gather [hbm4b:s22+s10], $0x2000, s11, s10, $0x38;
	[tilespmem:$0xC100] =	vst v63  }
0x12: {  	_ =	swait.ge [sflag:s12], $0x2000  }
0x13: {  	[sflag:s12] =	ssyncset.done $0x0  }
0x14: {  	[sflag:s12] =	ssyncadd.s32 $0xFFFFE000  }
0x15: {  	[tilespmem:s13], [sflag:$0x1] =	stream.linear.gather [hbm4b:s6+s23], $0x2000, $0x38;
	[tilespmem:$0xC100] =	vst v63  }
0x16: {  	_ =	swait.ge [sflag:s12], $0x2000  }
0x17: {  	[sflag:s12] =	ssyncset.done $0x0  }
0x18: {  	s31 =	sadd.s32 s5, s21;
	[sflag:s12] =	ssyncadd.s32 $0xFFFFE000  }
0x19: {  	[tilespmem:s14], [sflag:$0x1] =	stream.strided.gather [hbm4b:s31+s10], $0x2000, s11, s10, $0x38;
	[tilespmem:$0xC100] =	vst v63  }
0x1a: {  	_ =	swait.ge [sflag:s12], $0x2000  }
0x1b: {  	[sflag:s12] =	ssyncset.done $0x0  }
0x1c: {  	[sflag:s12] =	ssyncadd.s32 $0xFFFFE000  }
0x1d: {  	[tilespmem:$0xC000] =	vst v0  }
0x1e: {  	[tilespmem:$0xC010] =	vst v0  }
0x1f: {  	[tilespmem:$0xC020] =	vst v0  }
0x20: {  	[tilespmem:$0xC030] =	vst v0  }
0x21: {  	[tilespmem:$0xC040] =	vst v0  }
0x22: {  	[tilespmem:$0xC050] =	vst v0  }
0x23: {  	[tilespmem:$0xC060] =	vst v0  }
0x24: {  	[tilespmem:$0xC070] =	vst v0  }
0x25: {  	[tilespmem:$0xC080] =	vst v0  }
0x26: {  	[tilespmem:$0xC090] =	vst v0  }
0x27: {  	[tilespmem:$0xC0A0] =	vst v0  }
0x28: {  	[tilespmem:$0xC0B0] =	vst v0  }
0x29: {  	[tilespmem:$0xC0C0] =	vst v0  }
0x2a: {  	[tilespmem:$0xC0D0] =	vst v0  }
0x2b: {  	[tilespmem:$0xC0E0] =	vst v0  }
0x2c: {  	s22 =	simm.s32 $0x40;
	s23 =	simm.s32 $0x0;
	[tilespmem:$0xC0F0] =	vst v0  }
.LBB2_3:
0x2d: {  	p0 =	sne.s32 s22, $0x7FC0;
	v2 =	vld [tilespmem:s23+$0x0];
	_ =	sdelay $0x4  }
0x2e: {  	v2 =	vand.u32 $0xFF, v2  }
.Ltmp0:
0x2f: {  	(pc) =	sbr.rel @p0 .LBB2_3-.Ltmp0, $2  }
0x30: {  	_ =	sdelay $0x2  }
0x31: {  	s23 =	sshra.s32 s22, $0x2;
	s22 =	sadd.s32 $0x40, s22;
	[tilespmem:v2+s15+$0x0] =	vst.idx.add.s32.msk $0xffff, v1  }
0x32: {  	v2 =	vld [tilespmem:s23+$0x0];
	_ =	sdelay $0x4  }
0x33: {  	v2 =	vand.u32 $0xFF, v2;
	_ =	sdelay $0x4  }
0x34: {  	[tilespmem:v2+s15+$0x0] =	vst.idx.add.s32.msk $0xffff, v1  }
0x35: {  	v2 =	vld [tilespmem:$0xC000]  }
0x36: {  	v3 =	vld [tilespmem:$0xC010]  }
0x37: {  	v4 =	vld [tilespmem:$0xC020]  }
0x38: {  	v5 =	vld [tilespmem:$0xC030]  }
0x39: {  	v6 =	vld [tilespmem:$0xC040]  }
0x3a: {  	v7 =	vld [tilespmem:$0xC050];
	(xrf0) =	vadd.scan.msk.s32 $0xffff, v2  }
0x3b: {  	v8 =	vld [tilespmem:$0xC060];
	(xrf0) =	vadd.scan.msk.s32 $0xffff, v3  }
0x3c: {  	v9 =	vld [tilespmem:$0xC070];
	(xrf0) =	vadd.scan.msk.s32 $0xffff, v4  }
0x3d: {  	v10 =	vld [tilespmem:$0xC080];
	(xrf0) =	vadd.scan.msk.s32 $0xffff, v5  }
0x3e: {  	v11 =	vld [tilespmem:$0xC090];
	(xrf0) =	vadd.scan.msk.s32 $0xffff, v6  }
0x3f: {  	v12 =	vld [tilespmem:$0xC0A0];
	(xrf0) =	vadd.scan.msk.s32 $0xffff, v7  }
0x40: {  	v14 =	vld [tilespmem:$0xC0B0];
	v13, _, _ =	vpop (xrf0);
	(xrf0) =	vadd.scan.msk.s32 $0xffff, v8  }
0x41: {  	v16 =	vld [tilespmem:$0xC0C0];
	(v2sf) =	vpush v13, $0xF;
	v15, _, _ =	vpop (xrf0);
	(xrf0) =	vadd.scan.msk.s32 $0xffff, v9  }
0x42: {  	v18 =	vld [tilespmem:$0xC0D0];
	(v2sf) =	vpush v15, $0xF;
	v17, _, _ =	vpop (xrf0);
	(xrf0) =	vadd.scan.msk.s32 $0xffff, v10  }
0x43: {  	v20 =	vld [tilespmem:$0xC0E0];
	(v2sf) =	vpush v17, $0xF;
	v19, _, _ =	vpop (xrf0);
	(xrf0) =	vadd.scan.msk.s32 $0xffff, v11  }
0x44: {  	(v2sf) =	vpush v19, $0xF;
	v21, _, _ =	vpop (xrf0);
	(xrf0) =	vadd.scan.msk.s32 $0xffff, v12  }
0x45: {  	(v2sf) =	vpush v21, $0xF;
	v22, _, _ =	vpop (xrf0);
	(xrf0) =	vadd.scan.msk.s32 $0xffff, v14  }
0x46: {  	(v2sf) =	vpush v22, $0xF;
	v23, _, _ =	vpop (xrf0);
	(xrf0) =	vadd.scan.msk.s32 $0xffff, v16  }
0x47: {  	(v2sf) =	vpush v23, $0xF;
	v24, _, _ =	vpop (xrf0);
	(xrf0) =	vadd.scan.msk.s32 $0xffff, v18  }
0x48: {  	(v2sf) =	vpush v24, $0xF;
	v25, _, _ =	vpop (xrf0);
	(xrf0) =	vadd.scan.msk.s32 $0xffff, v20  }
0x49: {  	v26, _, _ =	vpop (xrf0);
	(v2sf) =	vpush v25, $0xF  }
0x4a: {  	v27, _, _ =	vpop (xrf0);
	(v2sf) =	vpush v26, $0xF  }
0x4b: {  	v28, _, _ =	vpop (xrf0);
	(v2sf) =	vpush v27, $0xF  }
0x4c: {  	v29, _, _ =	vpop (xrf0);
	(v2sf) =	vpush v28, $0xF  }
0x4d: {  	v30, _, _ =	vpop (xrf0);
	(v2sf) =	vpush v29, $0xF  }
0x4e: {  	(v2sf) =	vpush v30, $0xF;
	v31, _, _ =	vpop (xrf0)  }
0x4f: {  	v32 =	vbroadcast v13, $0xF;
	(v2sf) =	vpush v31, $0xF  }
0x50: {  	s22 =	spop (v2sf)  }
0x51: {  	v2 =	vsub.s32 v13, v2;
	v3 =	vsub.s32 v32, v3;
	s31 =	spop (v2sf)  }
0x52: {  	[tilespmem:$0xC000] =	vst v2;
	v2 =	vadd.s32 v15, v3;
	v3 =	vsub.s32 v17, v4;
	s22 =	sadd.s32 s22, s31;
	s24 =	spop (v2sf)  }
0x53: {  	v4 =	vld [tilespmem:$0xC0F0];
	[tilespmem:$0xC010] =	vst v2;
	v2 =	vadd.s32 s22, v3;
	s22 =	sadd.s32 s22, s24;
	s25 =	spop (v2sf);
	v3 =	vsub.s32 v19, v5  }
0x54: {  	[tilespmem:$0xC020] =	vst v2;
	v2 =	vsub.s32 v21, v6;
	v3 =	vadd.s32 s22, v3;
	s22 =	sadd.s32 s22, s25;
	s26 =	spop (v2sf)  }
0x55: {  	[tilespmem:$0xC030] =	vst v3;
	v3 =	vsub.s32 v22, v7;
	v2 =	vadd.s32 s22, v2;
	s22 =	sadd.s32 s22, s26;
	s28 =	spop (v2sf)  }
0x56: {  	[tilespmem:$0xC040] =	vst v2;
	v2 =	vsub.s32 v23, v8;
	v3 =	vadd.s32 s22, v3;
	s22 =	sadd.s32 s22, s28;
	s29 =	spop (v2sf)  }
0x57: {  	[tilespmem:$0xC050] =	vst v3;
	v3 =	vsub.s32 v24, v9;
	v2 =	vadd.s32 s22, v2;
	s22 =	sadd.s32 s22, s29;
	s30 =	spop (v2sf)  }
0x58: {  	(xrf0) =	vadd.scan.msk.s32 $0xffff, v4;
	[tilespmem:$0xC060] =	vst v2;
	v2 =	vsub.s32 v25, v10;
	v3 =	vadd.s32 s22, v3;
	s22 =	sadd.s32 s22, s30;
	s31 =	spop (v2sf)  }
0x59: {  	[tilespmem:$0xC070] =	vst v3;
	v3 =	vsub.s32 v26, v11;
	v2 =	vadd.s32 s22, v2;
	s22 =	sadd.s32 s22, s31;
	s24 =	spop (v2sf)  }
0x5a: {  	[tilespmem:$0xC080] =	vst v2;
	v2 =	vsub.s32 v27, v12;
	v3 =	vadd.s32 s22, v3;
	s22 =	sadd.s32 s22, s24;
	s25 =	spop (v2sf)  }
0x5b: {  	[tilespmem:$0xC090] =	vst v3;
	v3 =	vsub.s32 v28, v14;
	v2 =	vadd.s32 s22, v2;
	s22 =	sadd.s32 s22, s25;
	s26 =	spop (v2sf)  }
0x5c: {  	[tilespmem:$0xC0A0] =	vst v2;
	v2 =	vsub.s32 v29, v16;
	v3 =	vadd.s32 s22, v3;
	s22 =	sadd.s32 s22, s26;
	s28 =	spop (v2sf)  }
0x5d: {  	[tilespmem:$0xC0B0] =	vst v3;
	v3 =	vsub.s32 v30, v18;
	v2 =	vadd.s32 s22, v2;
	s22 =	sadd.s32 s22, s28;
	s29 =	spop (v2sf)  }
0x5e: {  	v5, _, _ =	vpop (xrf0);
	[tilespmem:$0xC0C0] =	vst v2;
	v2 =	vadd.s32 s22, v3;
	s22 =	sadd.s32 s22, s29;
	v3 =	vsub.s32 v31, v20;
	s30 =	spop (v2sf)  }
0x5f: {  	[tilespmem:$0xC0D0] =	vst v2;
	v2 =	vadd.s32 s22, v3;
	s22 =	sadd.s32 s22, s30;
	v3 =	vsub.s32 v5, v4  }
0x60: {  	[tilespmem:$0xC0E0] =	vst v2;
	v2 =	vadd.s32 s22, v3  }
0x61: {  	s31 =	simm.s32 $0x0;
	[tilespmem:$0xC0F0] =	vst v2  }
0x62: {  	v2 =	vld [tilespmem:s31+$0x0]  }
0x63: {  	s22 =	simm.s32 $0x40;
	v3 =	vld [tilespmem:s31+$0x4000]  }
.LBB2_5:
0x64: {  	p0 =	sne.s32 s22, $0x7FC0;
	_ =	sdelay $0x2  }
0x65: {  	v4 =	vand.u32 $0xFF, v2  }
0x66: {  	(xrf1) =	vunique.msk.u32 $0xffff, v4;
	_ =	sdelay $0x8  }
0x67: {  	v5 =	vld.idx.msk [tilespmem:v4+s15+$0x0], $0xffff;
	_ =	sdelay $0x4  }
0x68: {  	_, v6, vm0 =	vpop (xrf1)  }
0x69: {  	v5 =	vadd.s32 v6, v5  }
0x6a: {  	v5 =	vadd.s32 $0xFFFFFFFF, v5;
	_ =	sdelay $0x4  }
.Ltmp1:
0x6b: {  	[tilespmem:v5+s16+$0x0] =	vst.idx.msk $0xffff, v2;
	(pc) =	sbr.rel @p0 .LBB2_5-.Ltmp1, $4  }
0x6c: {  	[tilespmem:v5+s17+$0x0] =	vst.idx.msk $0xffff, v3  }
0x6d: {  	s23 =	sshra.s32 s22, $0x2;
	[tilespmem:v4+s15+$0x0] =	vst.idx.add.s32.msk vm0, v6  }
0x6e: {  	v2 =	vld [tilespmem:s23+$0x0]  }
0x6f: {  	s22 =	sadd.s32 $0x40, s22;
	v3 =	vld [tilespmem:s23+$0x4000]  }
0x70: {  	_ =	sdelay $0x2  }
0x71: {  	v4 =	vand.u32 $0xFF, v2  }
0x72: {  	(xrf1) =	vunique.msk.u32 $0xffff, v4;
	_ =	sdelay $0x9  }
0x73: {  	v5 =	vld.idx.msk [tilespmem:v4+s15+$0x0], $0xffff;
	_ =	sdelay $0x3  }
0x74: {  	_, v6, vm0 =	vpop (xrf1)  }
0x75: {  	v5 =	vadd.s32 v6, v5  }
0x76: {  	v5 =	vadd.s32 $0xFFFFFFFF, v5;
	_ =	sdelay $0x4  }
0x77: {  	[tilespmem:v5+s16+$0x0] =	vst.idx.msk $0xffff, v2  }
0x78: {  	[tilespmem:v5+s17+$0x0] =	vst.idx.msk $0xffff, v3  }
0x79: {  	[tilespmem:v4+s15+$0x0] =	vst.idx.add.s32.msk vm0, v6  }
0x7a: {  	[tilespmem:$0xC000] =	vst v0  }
0x7b: {  	[tilespmem:$0xC010] =	vst v0  }
0x7c: {  	[tilespmem:$0xC020] =	vst v0  }
0x7d: {  	[tilespmem:$0xC030] =	vst v0  }
0x7e: {  	[tilespmem:$0xC040] =	vst v0  }
0x7f: {  	[tilespmem:$0xC050] =	vst v0  }
0x80: {  	[tilespmem:$0xC060] =	vst v0  }
0x81: {  	[tilespmem:$0xC070] =	vst v0  }
0x82: {  	[tilespmem:$0xC080] =	vst v0  }
0x83: {  	[tilespmem:$0xC090] =	vst v0  }
0x84: {  	[tilespmem:$0xC0A0] =	vst v0  }
0x85: {  	[tilespmem:$0xC0B0] =	vst v0  }
0x86: {  	[tilespmem:$0xC0C0] =	vst v0  }
0x87: {  	[tilespmem:$0xC0D0] =	vst v0  }
0x88: {  	[tilespmem:$0xC0E0] =	vst v0  }
0x89: {  	s23 =	simm.s32 $0x0;
	s22 =	simm.s32 $0x40;
	[tilespmem:$0xC0F0] =	vst v0  }
.LBB2_7:
0x8a: {  	p0 =	sne.s32 s22, $0x7FC0;
	v2 =	vld [tilespmem:s23+$0x2000];
	_ =	sdelay $0x4  }
0x8b: {  	v2 =	vshrl.u32 v2, $0x8  }
0x8c: {  	v2 =	vand.u32 $0xFF, v2  }
.Ltmp2:
0x8d: {  	(pc) =	sbr.rel @p0 .LBB2_7-.Ltmp2, $2  }
0x8e: {  	_ =	sdelay $0x2  }
0x8f: {  	s23 =	sshra.s32 s22, $0x2;
	s22 =	sadd.s32 $0x40, s22;
	[tilespmem:v2+s15+$0x0] =	vst.idx.add.s32.msk $0xffff, v1  }
0x90: {  	v2 =	vld [tilespmem:s23+$0x2000];
	_ =	sdelay $0x4  }
0x91: {  	v2 =	vshrl.u32 v2, $0x8  }
0x92: {  	v2 =	vand.u32 $0xFF, v2;
	_ =	sdelay $0x4  }
0x93: {  	[tilespmem:v2+s15+$0x0] =	vst.idx.add.s32.msk $0xffff, v1  }
0x94: {  	v2 =	vld [tilespmem:$0xC000]  }
0x95: {  	v3 =	vld [tilespmem:$0xC010]  }
0x96: {  	v4 =	vld [tilespmem:$0xC020]  }
0x97: {  	v5 =	vld [tilespmem:$0xC030]  }
0x98: {  	v6 =	vld [tilespmem:$0xC040]  }
0x99: {  	v7 =	vld [tilespmem:$0xC050];
	(xrf0) =	vadd.scan.msk.s32 $0xffff, v2  }
0x9a: {  	v8 =	vld [tilespmem:$0xC060];
	(xrf0) =	vadd.scan.msk.s32 $0xffff, v3  }
0x9b: {  	v9 =	vld [tilespmem:$0xC070];
	(xrf0) =	vadd.scan.msk.s32 $0xffff, v4  }
0x9c: {  	v10 =	vld [tilespmem:$0xC080];
	(xrf0) =	vadd.scan.msk.s32 $0xffff, v5  }
0x9d: {  	v11 =	vld [tilespmem:$0xC090];
	(xrf0) =	vadd.scan.msk.s32 $0xffff, v6  }
0x9e: {  	v12 =	vld [tilespmem:$0xC0A0];
	(xrf0) =	vadd.scan.msk.s32 $0xffff, v7  }
0x9f: {  	v14 =	vld [tilespmem:$0xC0B0];
	v13, _, _ =	vpop (xrf0);
	(xrf0) =	vadd.scan.msk.s32 $0xffff, v8  }
0xa0: {  	v16 =	vld [tilespmem:$0xC0C0];
	(v2sf) =	vpush v13, $0xF;
	v15, _, _ =	vpop (xrf0);
	(xrf0) =	vadd.scan.msk.s32 $0xffff, v9  }
0xa1: {  	v18 =	vld [tilespmem:$0xC0D0];
	(v2sf) =	vpush v15, $0xF;
	v17, _, _ =	vpop (xrf0);
	(xrf0) =	vadd.scan.msk.s32 $0xffff, v10  }
0xa2: {  	v20 =	vld [tilespmem:$0xC0E0];
	(v2sf) =	vpush v17, $0xF;
	v19, _, _ =	vpop (xrf0);
	(xrf0) =	vadd.scan.msk.s32 $0xffff, v11  }
0xa3: {  	(v2sf) =	vpush v19, $0xF;
	v21, _, _ =	vpop (xrf0);
	(xrf0) =	vadd.scan.msk.s32 $0xffff, v12  }
0xa4: {  	(v2sf) =	vpush v21, $0xF;
	v22, _, _ =	vpop (xrf0);
	(xrf0) =	vadd.scan.msk.s32 $0xffff, v14  }
0xa5: {  	(v2sf) =	vpush v22, $0xF;
	v23, _, _ =	vpop (xrf0);
	(xrf0) =	vadd.scan.msk.s32 $0xffff, v16  }
0xa6: {  	(v2sf) =	vpush v23, $0xF;
	v24, _, _ =	vpop (xrf0);
	(xrf0) =	vadd.scan.msk.s32 $0xffff, v18  }
0xa7: {  	(v2sf) =	vpush v24, $0xF;
	v25, _, _ =	vpop (xrf0);
	(xrf0) =	vadd.scan.msk.s32 $0xffff, v20  }
0xa8: {  	v26, _, _ =	vpop (xrf0);
	(v2sf) =	vpush v25, $0xF  }
0xa9: {  	v27, _, _ =	vpop (xrf0);
	(v2sf) =	vpush v26, $0xF  }
0xaa: {  	v28, _, _ =	vpop (xrf0);
	(v2sf) =	vpush v27, $0xF  }
0xab: {  	v29, _, _ =	vpop (xrf0);
	(v2sf) =	vpush v28, $0xF  }
0xac: {  	v30, _, _ =	vpop (xrf0);
	(v2sf) =	vpush v29, $0xF  }
0xad: {  	(v2sf) =	vpush v30, $0xF;
	v31, _, _ =	vpop (xrf0)  }
0xae: {  	v32 =	vbroadcast v13, $0xF;
	(v2sf) =	vpush v31, $0xF  }
0xaf: {  	s22 =	spop (v2sf)  }
0xb0: {  	v2 =	vsub.s32 v13, v2;
	v3 =	vsub.s32 v32, v3;
	s31 =	spop (v2sf)  }
0xb1: {  	[tilespmem:$0xC000] =	vst v2;
	v2 =	vadd.s32 v15, v3;
	v3 =	vsub.s32 v17, v4;
	s22 =	sadd.s32 s22, s31;
	s24 =	spop (v2sf)  }
0xb2: {  	v4 =	vld [tilespmem:$0xC0F0];
	[tilespmem:$0xC010] =	vst v2;
	v2 =	vadd.s32 s22, v3;
	s22 =	sadd.s32 s22, s24;
	s25 =	spop (v2sf);
	v3 =	vsub.s32 v19, v5  }
0xb3: {  	[tilespmem:$0xC020] =	vst v2;
	v2 =	vsub.s32 v21, v6;
	v3 =	vadd.s32 s22, v3;
	s22 =	sadd.s32 s22, s25;
	s26 =	spop (v2sf)  }
0xb4: {  	[tilespmem:$0xC030] =	vst v3;
	v3 =	vsub.s32 v22, v7;
	v2 =	vadd.s32 s22, v2;
	s22 =	sadd.s32 s22, s26;
	s28 =	spop (v2sf)  }
0xb5: {  	[tilespmem:$0xC040] =	vst v2;
	v2 =	vsub.s32 v23, v8;
	v3 =	vadd.s32 s22, v3;
	s22 =	sadd.s32 s22, s28;
	s29 =	spop (v2sf)  }
0xb6: {  	[tilespmem:$0xC050] =	vst v3;
	v3 =	vsub.s32 v24, v9;
	v2 =	vadd.s32 s22, v2;
	s22 =	sadd.s32 s22, s29;
	s30 =	spop (v2sf)  }
0xb7: {  	(xrf0) =	vadd.scan.msk.s32 $0xffff, v4;
	[tilespmem:$0xC060] =	vst v2;
	v2 =	vsub.s32 v25, v10;
	v3 =	vadd.s32 s22, v3;
	s22 =	sadd.s32 s22, s30;
	s31 =	spop (v2sf)  }
0xb8: {  	[tilespmem:$0xC070] =	vst v3;
	v3 =	vsub.s32 v26, v11;
	v2 =	vadd.s32 s22, v2;
	s22 =	sadd.s32 s22, s31;
	s24 =	spop (v2sf)  }
0xb9: {  	[tilespmem:$0xC080] =	vst v2;
	v2 =	vsub.s32 v27, v12;
	v3 =	vadd.s32 s22, v3;
	s22 =	sadd.s32 s22, s24;
	s25 =	spop (v2sf)  }
0xba: {  	[tilespmem:$0xC090] =	vst v3;
	v3 =	vsub.s32 v28, v14;
	v2 =	vadd.s32 s22, v2;
	s22 =	sadd.s32 s22, s25;
	s26 =	spop (v2sf)  }
0xbb: {  	[tilespmem:$0xC0A0] =	vst v2;
	v2 =	vsub.s32 v29, v16;
	v3 =	vadd.s32 s22, v3;
	s22 =	sadd.s32 s22, s26;
	s28 =	spop (v2sf)  }
0xbc: {  	[tilespmem:$0xC0B0] =	vst v3;
	v3 =	vsub.s32 v30, v18;
	v2 =	vadd.s32 s22, v2;
	s22 =	sadd.s32 s22, s28;
	s29 =	spop (v2sf)  }
0xbd: {  	v5, _, _ =	vpop (xrf0);
	[tilespmem:$0xC0C0] =	vst v2;
	v2 =	vadd.s32 s22, v3;
	s22 =	sadd.s32 s22, s29;
	v3 =	vsub.s32 v31, v20;
	s30 =	spop (v2sf)  }
0xbe: {  	[tilespmem:$0xC0D0] =	vst v2;
	v2 =	vadd.s32 s22, v3;
	s22 =	sadd.s32 s22, s30;
	v3 =	vsub.s32 v5, v4  }
0xbf: {  	[tilespmem:$0xC0E0] =	vst v2;
	v2 =	vadd.s32 s22, v3  }
0xc0: {  	s31 =	simm.s32 $0x0;
	[tilespmem:$0xC0F0] =	vst v2  }
0xc1: {  	v2 =	vld [tilespmem:s31+$0x2000]  }
0xc2: {  	s22 =	simm.s32 $0x40;
	v3 =	vld [tilespmem:s31+$0x6000]  }
.LBB2_9:
0xc3: {  	p0 =	sne.s32 s22, $0x7FC0;
	_ =	sdelay $0x2  }
0xc4: {  	v4 =	vshrl.u32 v2, $0x8  }
0xc5: {  	v4 =	vand.u32 $0xFF, v4  }
0xc6: {  	(xrf1) =	vunique.msk.u32 $0xffff, v4;
	_ =	sdelay $0x8  }
0xc7: {  	v5 =	vld.idx.msk [tilespmem:v4+s15+$0x0], $0xffff;
	_ =	sdelay $0x4  }
0xc8: {  	_, v6, vm0 =	vpop (xrf1)  }
0xc9: {  	v5 =	vadd.s32 v6, v5  }
0xca: {  	v5 =	vadd.s32 $0xFFFFFFFF, v5;
	_ =	sdelay $0x4  }
.Ltmp3:
0xcb: {  	[tilespmem:v5+s2+$0x0] =	vst.idx.msk $0xffff, v2;
	(pc) =	sbr.rel @p0 .LBB2_9-.Ltmp3, $4  }
0xcc: {  	[tilespmem:v5+s13+$0x0] =	vst.idx.msk $0xffff, v3  }
0xcd: {  	s23 =	sshra.s32 s22, $0x2;
	[tilespmem:v4+s15+$0x0] =	vst.idx.add.s32.msk vm0, v6  }
0xce: {  	v2 =	vld [tilespmem:s23+$0x2000]  }
0xcf: {  	s22 =	sadd.s32 $0x40, s22;
	v3 =	vld [tilespmem:s23+$0x6000]  }
0xd0: {  	_ =	sdelay $0x2  }
0xd1: {  	v4 =	vshrl.u32 v2, $0x8  }
0xd2: {  	v4 =	vand.u32 $0xFF, v4  }
0xd3: {  	(xrf1) =	vunique.msk.u32 $0xffff, v4;
	_ =	sdelay $0x9  }
0xd4: {  	v5 =	vld.idx.msk [tilespmem:v4+s15+$0x0], $0xffff;
	_ =	sdelay $0x3  }
0xd5: {  	_, v6, vm0 =	vpop (xrf1)  }
0xd6: {  	v5 =	vadd.s32 v6, v5  }
0xd7: {  	v5 =	vadd.s32 $0xFFFFFFFF, v5;
	_ =	sdelay $0x4  }
0xd8: {  	[tilespmem:v5+s2+$0x0] =	vst.idx.msk $0xffff, v2  }
0xd9: {  	[tilespmem:v5+s13+$0x0] =	vst.idx.msk $0xffff, v3  }
0xda: {  	[tilespmem:v4+s15+$0x0] =	vst.idx.add.s32.msk vm0, v6  }
0xdb: {  	[tilespmem:$0xC000] =	vst v0  }
0xdc: {  	[tilespmem:$0xC010] =	vst v0  }
0xdd: {  	[tilespmem:$0xC020] =	vst v0  }
0xde: {  	[tilespmem:$0xC030] =	vst v0  }
0xdf: {  	[tilespmem:$0xC040] =	vst v0  }
0xe0: {  	[tilespmem:$0xC050] =	vst v0  }
0xe1: {  	[tilespmem:$0xC060] =	vst v0  }
0xe2: {  	[tilespmem:$0xC070] =	vst v0  }
0xe3: {  	[tilespmem:$0xC080] =	vst v0  }
0xe4: {  	[tilespmem:$0xC090] =	vst v0  }
0xe5: {  	[tilespmem:$0xC0A0] =	vst v0  }
0xe6: {  	[tilespmem:$0xC0B0] =	vst v0  }
0xe7: {  	[tilespmem:$0xC0C0] =	vst v0  }
0xe8: {  	[tilespmem:$0xC0D0] =	vst v0  }
0xe9: {  	[tilespmem:$0xC0E0] =	vst v0  }
0xea: {  	s23 =	simm.s32 $0x0;
	s22 =	simm.s32 $0x40;
	[tilespmem:$0xC0F0] =	vst v0  }
.LBB2_11:
0xeb: {  	p0 =	sne.s32 s22, $0x7FC0;
	v2 =	vld [tilespmem:s23+$0x0];
	_ =	sdelay $0x4  }
0xec: {  	v2 =	vshrl.u32 v2, $0x10  }
0xed: {  	v2 =	vand.u32 $0xFF, v2  }
.Ltmp4:
0xee: {  	(pc) =	sbr.rel @p0 .LBB2_11-.Ltmp4, $2  }
0xef: {  	_ =	sdelay $0x2  }
0xf0: {  	s23 =	sshra.s32 s22, $0x2;
	s22 =	sadd.s32 $0x40, s22;
	[tilespmem:v2+s15+$0x0] =	vst.idx.add.s32.msk $0xffff, v1  }
0xf1: {  	v2 =	vld [tilespmem:s23+$0x0];
	_ =	sdelay $0x4  }
0xf2: {  	v2 =	vshrl.u32 v2, $0x10  }
0xf3: {  	v2 =	vand.u32 $0xFF, v2;
	_ =	sdelay $0x4  }
0xf4: {  	[tilespmem:v2+s15+$0x0] =	vst.idx.add.s32.msk $0xffff, v1  }
0xf5: {  	v2 =	vld [tilespmem:$0xC000]  }
0xf6: {  	v3 =	vld [tilespmem:$0xC010]  }
0xf7: {  	v4 =	vld [tilespmem:$0xC020]  }
0xf8: {  	v5 =	vld [tilespmem:$0xC030]  }
0xf9: {  	v6 =	vld [tilespmem:$0xC040]  }
0xfa: {  	v7 =	vld [tilespmem:$0xC050];
	(xrf0) =	vadd.scan.msk.s32 $0xffff, v2  }
0xfb: {  	v8 =	vld [tilespmem:$0xC060];
	(xrf0) =	vadd.scan.msk.s32 $0xffff, v3  }
0xfc: {  	v9 =	vld [tilespmem:$0xC070];
	(xrf0) =	vadd.scan.msk.s32 $0xffff, v4  }
0xfd: {  	v10 =	vld [tilespmem:$0xC080];
	(xrf0) =	vadd.scan.msk.s32 $0xffff, v5  }
0xfe: {  	v11 =	vld [tilespmem:$0xC090];
	(xrf0) =	vadd.scan.msk.s32 $0xffff, v6  }
0xff: {  	v12 =	vld [tilespmem:$0xC0A0];
	(xrf0) =	vadd.scan.msk.s32 $0xffff, v7  }
0x100: {  	v14 =	vld [tilespmem:$0xC0B0];
	v13, _, _ =	vpop (xrf0);
	(xrf0) =	vadd.scan.msk.s32 $0xffff, v8  }
0x101: {  	v16 =	vld [tilespmem:$0xC0C0];
	(v2sf) =	vpush v13, $0xF;
	v15, _, _ =	vpop (xrf0);
	(xrf0) =	vadd.scan.msk.s32 $0xffff, v9  }
0x102: {  	v18 =	vld [tilespmem:$0xC0D0];
	(v2sf) =	vpush v15, $0xF;
	v17, _, _ =	vpop (xrf0);
	(xrf0) =	vadd.scan.msk.s32 $0xffff, v10  }
0x103: {  	v20 =	vld [tilespmem:$0xC0E0];
	(v2sf) =	vpush v17, $0xF;
	v19, _, _ =	vpop (xrf0);
	(xrf0) =	vadd.scan.msk.s32 $0xffff, v11  }
0x104: {  	(v2sf) =	vpush v19, $0xF;
	v21, _, _ =	vpop (xrf0);
	(xrf0) =	vadd.scan.msk.s32 $0xffff, v12  }
0x105: {  	(v2sf) =	vpush v21, $0xF;
	v22, _, _ =	vpop (xrf0);
	(xrf0) =	vadd.scan.msk.s32 $0xffff, v14  }
0x106: {  	(v2sf) =	vpush v22, $0xF;
	v23, _, _ =	vpop (xrf0);
	(xrf0) =	vadd.scan.msk.s32 $0xffff, v16  }
0x107: {  	(v2sf) =	vpush v23, $0xF;
	v24, _, _ =	vpop (xrf0);
	(xrf0) =	vadd.scan.msk.s32 $0xffff, v18  }
0x108: {  	(v2sf) =	vpush v24, $0xF;
	v25, _, _ =	vpop (xrf0);
	(xrf0) =	vadd.scan.msk.s32 $0xffff, v20  }
0x109: {  	v26, _, _ =	vpop (xrf0);
	(v2sf) =	vpush v25, $0xF  }
0x10a: {  	v27, _, _ =	vpop (xrf0);
	(v2sf) =	vpush v26, $0xF  }
0x10b: {  	v28, _, _ =	vpop (xrf0);
	(v2sf) =	vpush v27, $0xF  }
0x10c: {  	v29, _, _ =	vpop (xrf0);
	(v2sf) =	vpush v28, $0xF  }
0x10d: {  	v30, _, _ =	vpop (xrf0);
	(v2sf) =	vpush v29, $0xF  }
0x10e: {  	(v2sf) =	vpush v30, $0xF;
	v31, _, _ =	vpop (xrf0)  }
0x10f: {  	v32 =	vbroadcast v13, $0xF;
	(v2sf) =	vpush v31, $0xF  }
0x110: {  	s22 =	spop (v2sf)  }
0x111: {  	v2 =	vsub.s32 v13, v2;
	v3 =	vsub.s32 v32, v3;
	s31 =	spop (v2sf)  }
0x112: {  	[tilespmem:$0xC000] =	vst v2;
	v2 =	vadd.s32 v15, v3;
	v3 =	vsub.s32 v17, v4;
	s22 =	sadd.s32 s22, s31;
	s24 =	spop (v2sf)  }
0x113: {  	v4 =	vld [tilespmem:$0xC0F0];
	[tilespmem:$0xC010] =	vst v2;
	v2 =	vadd.s32 s22, v3;
	s22 =	sadd.s32 s22, s24;
	s25 =	spop (v2sf);
	v3 =	vsub.s32 v19, v5  }
0x114: {  	[tilespmem:$0xC020] =	vst v2;
	v2 =	vsub.s32 v21, v6;
	v3 =	vadd.s32 s22, v3;
	s22 =	sadd.s32 s22, s25;
	s26 =	spop (v2sf)  }
0x115: {  	[tilespmem:$0xC030] =	vst v3;
	v3 =	vsub.s32 v22, v7;
	v2 =	vadd.s32 s22, v2;
	s22 =	sadd.s32 s22, s26;
	s28 =	spop (v2sf)  }
0x116: {  	[tilespmem:$0xC040] =	vst v2;
	v2 =	vsub.s32 v23, v8;
	v3 =	vadd.s32 s22, v3;
	s22 =	sadd.s32 s22, s28;
	s29 =	spop (v2sf)  }
0x117: {  	[tilespmem:$0xC050] =	vst v3;
	v3 =	vsub.s32 v24, v9;
	v2 =	vadd.s32 s22, v2;
	s22 =	sadd.s32 s22, s29;
	s30 =	spop (v2sf)  }
0x118: {  	(xrf0) =	vadd.scan.msk.s32 $0xffff, v4;
	[tilespmem:$0xC060] =	vst v2;
	v2 =	vsub.s32 v25, v10;
	v3 =	vadd.s32 s22, v3;
	s22 =	sadd.s32 s22, s30;
	s31 =	spop (v2sf)  }
0x119: {  	[tilespmem:$0xC070] =	vst v3;
	v3 =	vsub.s32 v26, v11;
	v2 =	vadd.s32 s22, v2;
	s22 =	sadd.s32 s22, s31;
	s24 =	spop (v2sf)  }
0x11a: {  	[tilespmem:$0xC080] =	vst v2;
	v2 =	vsub.s32 v27, v12;
	v3 =	vadd.s32 s22, v3;
	s22 =	sadd.s32 s22, s24;
	s25 =	spop (v2sf)  }
0x11b: {  	[tilespmem:$0xC090] =	vst v3;
	v3 =	vsub.s32 v28, v14;
	v2 =	vadd.s32 s22, v2;
	s22 =	sadd.s32 s22, s25;
	s26 =	spop (v2sf)  }
0x11c: {  	[tilespmem:$0xC0A0] =	vst v2;
	v2 =	vsub.s32 v29, v16;
	v3 =	vadd.s32 s22, v3;
	s22 =	sadd.s32 s22, s26;
	s28 =	spop (v2sf)  }
0x11d: {  	[tilespmem:$0xC0B0] =	vst v3;
	v3 =	vsub.s32 v30, v18;
	v2 =	vadd.s32 s22, v2;
	s22 =	sadd.s32 s22, s28;
	s29 =	spop (v2sf)  }
0x11e: {  	v5, _, _ =	vpop (xrf0);
	[tilespmem:$0xC0C0] =	vst v2;
	v2 =	vadd.s32 s22, v3;
	s22 =	sadd.s32 s22, s29;
	v3 =	vsub.s32 v31, v20;
	s30 =	spop (v2sf)  }
0x11f: {  	[tilespmem:$0xC0D0] =	vst v2;
	v2 =	vadd.s32 s22, v3;
	s22 =	sadd.s32 s22, s30;
	v3 =	vsub.s32 v5, v4  }
0x120: {  	[tilespmem:$0xC0E0] =	vst v2;
	v2 =	vadd.s32 s22, v3  }
0x121: {  	s31 =	simm.s32 $0x0;
	[tilespmem:$0xC0F0] =	vst v2  }
0x122: {  	v2 =	vld [tilespmem:s31+$0x0]  }
0x123: {  	s22 =	simm.s32 $0x40;
	v3 =	vld [tilespmem:s31+$0x4000]  }
.LBB2_13:
0x124: {  	p0 =	sne.s32 s22, $0x7FC0;
	_ =	sdelay $0x2  }
0x125: {  	v4 =	vshrl.u32 v2, $0x10  }
0x126: {  	v4 =	vand.u32 $0xFF, v4  }
0x127: {  	(xrf1) =	vunique.msk.u32 $0xffff, v4;
	_ =	sdelay $0x8  }
0x128: {  	v5 =	vld.idx.msk [tilespmem:v4+s15+$0x0], $0xffff;
	_ =	sdelay $0x4  }
0x129: {  	_, v6, vm0 =	vpop (xrf1)  }
0x12a: {  	v5 =	vadd.s32 v6, v5  }
0x12b: {  	v5 =	vadd.s32 $0xFFFFFFFF, v5;
	_ =	sdelay $0x4  }
.Ltmp5:
0x12c: {  	[tilespmem:v5+s16+$0x0] =	vst.idx.msk $0xffff, v2;
	(pc) =	sbr.rel @p0 .LBB2_13-.Ltmp5, $4  }
0x12d: {  	[tilespmem:v5+s17+$0x0] =	vst.idx.msk $0xffff, v3  }
0x12e: {  	s23 =	sshra.s32 s22, $0x2;
	[tilespmem:v4+s15+$0x0] =	vst.idx.add.s32.msk vm0, v6  }
0x12f: {  	v2 =	vld [tilespmem:s23+$0x0]  }
0x130: {  	s22 =	sadd.s32 $0x40, s22;
	v3 =	vld [tilespmem:s23+$0x4000]  }
0x131: {  	_ =	sdelay $0x2  }
0x132: {  	v4 =	vshrl.u32 v2, $0x10  }
0x133: {  	v4 =	vand.u32 $0xFF, v4  }
0x134: {  	(xrf1) =	vunique.msk.u32 $0xffff, v4;
	_ =	sdelay $0x9  }
0x135: {  	v5 =	vld.idx.msk [tilespmem:v4+s15+$0x0], $0xffff;
	_ =	sdelay $0x3  }
0x136: {  	_, v6, vm0 =	vpop (xrf1)  }
0x137: {  	v5 =	vadd.s32 v6, v5  }
0x138: {  	v5 =	vadd.s32 $0xFFFFFFFF, v5;
	_ =	sdelay $0x4  }
0x139: {  	[tilespmem:v5+s16+$0x0] =	vst.idx.msk $0xffff, v2  }
0x13a: {  	[tilespmem:v5+s17+$0x0] =	vst.idx.msk $0xffff, v3  }
0x13b: {  	[tilespmem:v4+s15+$0x0] =	vst.idx.add.s32.msk vm0, v6  }
0x13c: {  	[tilespmem:$0xC000] =	vst v0  }
0x13d: {  	[tilespmem:$0xC010] =	vst v0  }
0x13e: {  	[tilespmem:$0xC020] =	vst v0  }
0x13f: {  	[tilespmem:$0xC030] =	vst v0  }
0x140: {  	[tilespmem:$0xC040] =	vst v0  }
0x141: {  	[tilespmem:$0xC050] =	vst v0  }
0x142: {  	[tilespmem:$0xC060] =	vst v0  }
0x143: {  	[tilespmem:$0xC070] =	vst v0  }
0x144: {  	[tilespmem:$0xC080] =	vst v0  }
0x145: {  	[tilespmem:$0xC090] =	vst v0  }
0x146: {  	[tilespmem:$0xC0A0] =	vst v0  }
0x147: {  	[tilespmem:$0xC0B0] =	vst v0  }
0x148: {  	[tilespmem:$0xC0C0] =	vst v0  }
0x149: {  	[tilespmem:$0xC0D0] =	vst v0  }
0x14a: {  	[tilespmem:$0xC0E0] =	vst v0  }
0x14b: {  	s23 =	simm.s32 $0x0;
	s22 =	simm.s32 $0x40;
	[tilespmem:$0xC0F0] =	vst v0  }
.LBB2_15:
0x14c: {  	p0 =	sne.s32 s22, $0x7FC0;
	v2 =	vld [tilespmem:s23+$0x2000];
	_ =	sdelay $0x4  }
0x14d: {  	v2 =	vshrl.u32 v2, $0x18  }
.Ltmp6:
0x14e: {  	(pc) =	sbr.rel @p0 .LBB2_15-.Ltmp6, $2  }
0x14f: {  	_ =	sdelay $0x2  }
0x150: {  	s23 =	sshra.s32 s22, $0x2;
	s22 =	sadd.s32 $0x40, s22;
	[tilespmem:v2+s15+$0x0] =	vst.idx.add.s32.msk $0xffff, v1  }
0x151: {  	v2 =	vld [tilespmem:s23+$0x2000];
	_ =	sdelay $0x4  }
0x152: {  	v2 =	vshrl.u32 v2, $0x18;
	_ =	sdelay $0x4  }
0x153: {  	[tilespmem:v2+s15+$0x0] =	vst.idx.add.s32.msk $0xffff, v1  }
0x154: {  	v2 =	vld [tilespmem:$0xC000]  }
0x155: {  	v3 =	vld [tilespmem:$0xC010]  }
0x156: {  	v4 =	vld [tilespmem:$0xC020]  }
0x157: {  	v5 =	vld [tilespmem:$0xC030]  }
0x158: {  	v6 =	vld [tilespmem:$0xC040]  }
0x159: {  	v7 =	vld [tilespmem:$0xC050];
	(xrf0) =	vadd.scan.msk.s32 $0xffff, v2  }
0x15a: {  	v8 =	vld [tilespmem:$0xC060];
	(xrf0) =	vadd.scan.msk.s32 $0xffff, v3  }
0x15b: {  	v9 =	vld [tilespmem:$0xC070];
	(xrf0) =	vadd.scan.msk.s32 $0xffff, v4  }
0x15c: {  	v10 =	vld [tilespmem:$0xC080];
	(xrf0) =	vadd.scan.msk.s32 $0xffff, v5  }
0x15d: {  	v11 =	vld [tilespmem:$0xC090];
	(xrf0) =	vadd.scan.msk.s32 $0xffff, v6  }
0x15e: {  	v12 =	vld [tilespmem:$0xC0A0];
	(xrf0) =	vadd.scan.msk.s32 $0xffff, v7  }
0x15f: {  	v14 =	vld [tilespmem:$0xC0B0];
	v13, _, _ =	vpop (xrf0);
	(xrf0) =	vadd.scan.msk.s32 $0xffff, v8  }
0x160: {  	v16 =	vld [tilespmem:$0xC0C0];
	(v2sf) =	vpush v13, $0xF;
	v15, _, _ =	vpop (xrf0);
	(xrf0) =	vadd.scan.msk.s32 $0xffff, v9  }
0x161: {  	v18 =	vld [tilespmem:$0xC0D0];
	(v2sf) =	vpush v15, $0xF;
	v17, _, _ =	vpop (xrf0);
	(xrf0) =	vadd.scan.msk.s32 $0xffff, v10  }
0x162: {  	v20 =	vld [tilespmem:$0xC0E0];
	(v2sf) =	vpush v17, $0xF;
	v19, _, _ =	vpop (xrf0);
	(xrf0) =	vadd.scan.msk.s32 $0xffff, v11  }
0x163: {  	(v2sf) =	vpush v19, $0xF;
	v21, _, _ =	vpop (xrf0);
	(xrf0) =	vadd.scan.msk.s32 $0xffff, v12  }
0x164: {  	(v2sf) =	vpush v21, $0xF;
	v22, _, _ =	vpop (xrf0);
	(xrf0) =	vadd.scan.msk.s32 $0xffff, v14  }
0x165: {  	(v2sf) =	vpush v22, $0xF;
	v23, _, _ =	vpop (xrf0);
	(xrf0) =	vadd.scan.msk.s32 $0xffff, v16  }
0x166: {  	(v2sf) =	vpush v23, $0xF;
	v24, _, _ =	vpop (xrf0);
	(xrf0) =	vadd.scan.msk.s32 $0xffff, v18  }
0x167: {  	(v2sf) =	vpush v24, $0xF;
	v25, _, _ =	vpop (xrf0);
	(xrf0) =	vadd.scan.msk.s32 $0xffff, v20  }
0x168: {  	v26, _, _ =	vpop (xrf0);
	(v2sf) =	vpush v25, $0xF  }
0x169: {  	v27, _, _ =	vpop (xrf0);
	(v2sf) =	vpush v26, $0xF  }
0x16a: {  	v28, _, _ =	vpop (xrf0);
	(v2sf) =	vpush v27, $0xF  }
0x16b: {  	v29, _, _ =	vpop (xrf0);
	(v2sf) =	vpush v28, $0xF  }
0x16c: {  	v30, _, _ =	vpop (xrf0);
	(v2sf) =	vpush v29, $0xF  }
0x16d: {  	(v2sf) =	vpush v30, $0xF;
	v31, _, _ =	vpop (xrf0)  }
0x16e: {  	v32 =	vbroadcast v13, $0xF;
	(v2sf) =	vpush v31, $0xF  }
0x16f: {  	s22 =	spop (v2sf)  }
0x170: {  	v2 =	vsub.s32 v13, v2;
	v3 =	vsub.s32 v32, v3;
	s31 =	spop (v2sf)  }
0x171: {  	[tilespmem:$0xC000] =	vst v2;
	v2 =	vadd.s32 v15, v3;
	v3 =	vsub.s32 v17, v4;
	s24 =	spop (v2sf);
	s22 =	sadd.s32 s22, s31  }
0x172: {  	v4 =	vld [tilespmem:$0xC0F0];
	[tilespmem:$0xC010] =	vst v2;
	s25 =	spop (v2sf);
	v2 =	vadd.s32 s22, v3;
	s22 =	sadd.s32 s22, s24;
	v3 =	vsub.s32 v19, v5  }
0x173: {  	[tilespmem:$0xC020] =	vst v2;
	v2 =	vsub.s32 v21, v6;
	s26 =	spop (v2sf);
	v3 =	vadd.s32 s22, v3;
	s22 =	sadd.s32 s22, s25  }
0x174: {  	[tilespmem:$0xC030] =	vst v3;
	v3 =	vsub.s32 v22, v7;
	s28 =	spop (v2sf);
	v2 =	vadd.s32 s22, v2;
	s22 =	sadd.s32 s22, s26  }
0x175: {  	[tilespmem:$0xC040] =	vst v2;
	v2 =	vsub.s32 v23, v8;
	s29 =	spop (v2sf);
	v3 =	vadd.s32 s22, v3;
	s22 =	sadd.s32 s22, s28  }
0x176: {  	[tilespmem:$0xC050] =	vst v3;
	v3 =	vsub.s32 v24, v9;
	s30 =	spop (v2sf);
	v2 =	vadd.s32 s22, v2;
	s22 =	sadd.s32 s22, s29  }
0x177: {  	(xrf0) =	vadd.scan.msk.s32 $0xffff, v4;
	[tilespmem:$0xC060] =	vst v2;
	v2 =	vsub.s32 v25, v10;
	s31 =	spop (v2sf);
	v3 =	vadd.s32 s22, v3;
	s22 =	sadd.s32 s22, s30  }
0x178: {  	[tilespmem:$0xC070] =	vst v3;
	v3 =	vsub.s32 v26, v11;
	s25 =	spop (v2sf);
	v2 =	vadd.s32 s22, v2;
	s22 =	sadd.s32 s22, s31  }
0x179: {  	[tilespmem:$0xC080] =	vst v2;
	v2 =	vsub.s32 v27, v12;
	s26 =	spop (v2sf);
	v3 =	vadd.s32 s22, v3;
	s22 =	sadd.s32 s22, s25  }
0x17a: {  	[tilespmem:$0xC090] =	vst v3;
	v3 =	vsub.s32 v28, v14;
	s28 =	spop (v2sf);
	v2 =	vadd.s32 s22, v2;
	s22 =	sadd.s32 s22, s26  }
0x17b: {  	[tilespmem:$0xC0A0] =	vst v2;
	v2 =	vsub.s32 v29, v16;
	s29 =	spop (v2sf);
	v3 =	vadd.s32 s22, v3;
	s22 =	sadd.s32 s22, s28  }
0x17c: {  	[tilespmem:$0xC0B0] =	vst v3;
	v3 =	vsub.s32 v30, v18;
	s30 =	spop (v2sf);
	v2 =	vadd.s32 s22, v2;
	s22 =	sadd.s32 s22, s29  }
0x17d: {  	v5, _, _ =	vpop (xrf0);
	[tilespmem:$0xC0C0] =	vst v2;
	v2 =	vadd.s32 s22, v3;
	s22 =	sadd.s32 s22, s30;
	v3 =	vsub.s32 v31, v20;
	s31 =	spop (v2sf)  }
0x17e: {  	[tilespmem:$0xC0D0] =	vst v2;
	v2 =	vadd.s32 s22, v3;
	s22 =	sadd.s32 s22, s31;
	v3 =	vsub.s32 v5, v4  }
0x17f: {  	[tilespmem:$0xC0E0] =	vst v2;
	v2 =	vadd.s32 s22, v3  }
0x180: {  	s22 =	simm.s32 $0x0;
	[tilespmem:$0xC0F0] =	vst v2  }
0x181: {  	v2 =	vld [tilespmem:s22+$0x2000]  }
0x182: {  	s23 =	simm.s32 $0x0;
	s24 =	simm.s32 $0x40;
	v3 =	vld [tilespmem:s22+$0x6000]  }
.LBB2_17:
0x183: {  	p0 =	sne.s32 s24, $0x7FC0;
	_ =	sdelay $0x2  }
0x184: {  	v4 =	vshrl.u32 v2, $0x18  }
0x185: {  	(xrf1) =	vunique.msk.u32 $0xffff, v4;
	_ =	sdelay $0x8  }
0x186: {  	v5 =	vld.idx.msk [tilespmem:v4+s15+$0x0], $0xffff;
	_ =	sdelay $0x4  }
0x187: {  	_, v6, vm0 =	vpop (xrf1)  }
0x188: {  	v5 =	vadd.s32 v6, v5  }
0x189: {  	v5 =	vadd.s32 $0xFFFFFFFF, v5;
	_ =	sdelay $0x4  }
.Ltmp7:
0x18a: {  	[tilespmem:v5+s23+$0x0] =	vst.idx.msk $0xffff, v2;
	(pc) =	sbr.rel @p0 .LBB2_17-.Ltmp7, $4  }
0x18b: {  	[tilespmem:v5+s13+$0x0] =	vst.idx.msk $0xffff, v3  }
0x18c: {  	s25 =	sshra.s32 s24, $0x2;
	[tilespmem:v4+s15+$0x0] =	vst.idx.add.s32.msk vm0, v6  }
0x18d: {  	v2 =	vld [tilespmem:s25+$0x2000]  }
0x18e: {  	s24 =	sadd.s32 $0x40, s24;
	v3 =	vld [tilespmem:s25+$0x6000]  }
0x18f: {  	_ =	sdelay $0x2  }
0x190: {  	v4 =	vshrl.u32 v2, $0x18  }
0x191: {  	(xrf1) =	vunique.msk.u32 $0xffff, v4;
	_ =	sdelay $0x9  }
0x192: {  	v5 =	vld.idx.msk [tilespmem:v4+s15+$0x0], $0xffff;
	_ =	sdelay $0x3  }
0x193: {  	_, v6, vm0 =	vpop (xrf1)  }
0x194: {  	v5 =	vadd.s32 v6, v5  }
0x195: {  	v5 =	vadd.s32 $0xFFFFFFFF, v5;
	_ =	sdelay $0x4  }
0x196: {  	[tilespmem:v5+s23+$0x0] =	vst.idx.msk $0xffff, v2  }
0x197: {  	[tilespmem:v5+s13+$0x0] =	vst.idx.msk $0xffff, v3  }
0x198: {  	[tilespmem:v4+s15+$0x0] =	vst.idx.add.s32.msk vm0, v6  }
0x199: {  	v2 =	vld [tilespmem:s22+$0x4000];
	_ =	sdelay $0x7  }
0x19a: {  	s24 =	simm.s32 $0x80;
	s23 =	simm.s32 $0x10;
	v2 =	vld.idx.msk [tilespmem:v2+s14+$0x0], $0xffff  }
.LBB2_19:
0x19b: {  	p0 =	sne.s32 s24, $0x7FC0;
	v3 =	vld [tilespmem:s23+$0x4000];
	_ =	sdelay $0x3  }
.Ltmp8:
0x19c: {  	(pc) =	sbr.rel @p0 .LBB2_19-.Ltmp8, $2  }
0x19d: {  	[tilespmem:s22+$0xA000] =	vst v2;
	s22 =	smov.u32 s23;
	_ =	sdelay $0x2  }
0x19e: {  	s23 =	sshra.s32 s24, $0x2;
	s24 =	sadd.s32 $0x40, s24;
	v2 =	vld.idx.msk [tilespmem:v3+s14+$0x0], $0xffff  }
0x19f: {  	v3 =	vld [tilespmem:s23+$0x4000];
	_ =	sdelay $0x6  }
0x1a0: {  	[tilespmem:s22+$0xA000] =	vst v2  }
0x1a1: {  	v2 =	vld.idx.msk [tilespmem:v3+s14+$0x0], $0xffff;
	_ =	sdelay $0x4  }
0x1a2: {  	s30 =	sadd.s32 s1, s21;
	[tilespmem:s23+$0xA000] =	vst v2  }
0x1a3: {  	[hbm4b:s30+s10] =	stream.strided.scatter [tilespmem:s13], [sflag:$0x1], $0x2000, s11, s10, $0x38;
	[tilespmem:$0xC100] =	vst v63  }
0x1a4: {  	s20 =	sadd.s32 $0x1, s20;
	_ =	swait.ge [sflag:s12], $0x2000  }
0x1a5: {  	p0 =	sne.s32 s20, $0x4;
	[sflag:s12] =	ssyncset.done $0x0  }
.Ltmp9:
0x1a6: {  	s31 =	sadd.s32 s7, s21;
	[sflag:s12] =	ssyncadd.s32 $0xFFFFE000;
	(pc) =	sbr.rel @p0 .LBB2_2-.Ltmp9, $4  }
0x1a7: {  	[hbm4b:s31+s10] =	stream.strided.scatter [tilespmem:s18], [sflag:$0x1], $0x2000, s11, s10, $0x38;
	[tilespmem:$0xC100] =	vst v63  }
0x1a8: {  	_ =	swait.ge [sflag:s12], $0x2000  }
0x1a9: {  	[sflag:s12] =	ssyncset.done $0x0  }
0x1aa: {  	[sflag:s12] =	ssyncadd.s32 $0xFFFFE000  }
0x1ab: {  	s19 =	sadd.s32 $0x1, s19  }
0x1ac: {  	p0 =	sne.s32 s19, s9  }
.Ltmp10:
0x1ad: {  	_ = 	snop;
	(pc) =	sbr.rel @p0 .LBB2_1-.Ltmp10, $1  }
0x1ae: {  	_ =	sdelay $0x3  }
0x1af: {  	_ =	sfence.sel $0x180000  }
0x1b0: {  	[bflag:$0x0] =	sbarrier.arrive $0xFFFF  }
0x1b1: {  	p0 =	sne.s32 s4, $0x0;
	_ =	strace $0x90000047  }
0x1b2: {  	s0 =	sadd.s32 @!p0 $0x100000, s0;
	[bflag:$0x2] =	sbarrier.arrive $0xFFFF  }
0x1b3: {  	[sflag:s0] =	ssyncadd.tile.s32 @!p0 $0x1;
	_ =	shalt  }
.Lfunc_end2:
_tile_overlayer_lowered:
.L_overlay_start_2:
0x1b4: {  	(tag) =	ssettag $0x2  }
0x1b5: {  	s0 =	rddreg [dreg:$0x0];
	s2 =	stileid.u32  }
0x1b6: {  	s1 =	rddreg [dreg:$0x1];
	p0 =	sne.s32 s2, $0x0  }
0x1b7: {  	s3 =	rddreg [dreg:$0x2];
	[bflag:$0x3] =	sbarrier.arrive $0xFFFF;
	s2 =	simm.s32 @!p0 $0x1C01  }
0x1b8: {  	[timem:s3], [sflag:s2] =	dma.local @!p0 [hbm:s0], s1  }
0x1b9: {  	s0 =	simm.s32 @!p0 $0x1  }
0x1ba: {  	_ =	swait.ge @!p0 [sflag:s0], s1  }
0x1bb: {  	s1 =	ssub.s32 @!p0 $0x0, s1;
	[sflag:s0] =	ssyncset.done @!p0 $0x0  }
0x1bc: {  	[sflag:s0] =	ssyncadd.s32 @!p0 s1  }
0x1bd: {  	[bflag:$0x3] =	sbarrier.arrive $0xFFFF  }
0x1be: {  	_ =	shalt  }

</sc_bundles>
